<compile_context>
chip_gen: v7x
topology: tpu7x:2x2x1
jax: 0.10.2.dev20260603
libtpu: 0.0.44.dev20260713+nightly
codegen_flags: <defaults>
</compile_context>

<pallas_src>
import functools

import jax
import jax.numpy as jnp
from jax import lax
from jax.experimental import pallas as pl
from jax.experimental.pallas import tpu as pltpu
from jax.experimental.pallas import tpu_sc as plsc

_COUNTS = (1024, 3072, 2048, 2048, 512, 3584, 2048, 2048,
           1024, 3072, 4096, 1024, 2048, 2048, 1536, 1536)
_NSEG = 16
_D = 1024
_N = 32768

_SPLIT = 6144

_NW = 16
_ROWS_PER_W = _SPLIT // _NW
_CH = 32
_NCHUNK = _ROWS_PER_W // _CH
_RING = 2
_ACCW = _NSEG * _D

_OFFS = []
_o = 0
for _c in _COUNTS:
    _OFFS.append(_o)
    _o += _c
_BOUNDS = tuple(_OFFS[1:])


def _tree_sum(vs):
    vs = list(vs)
    while len(vs) > 1:
        nxt = [vs[i] + vs[i + 1] for i in range(0, len(vs) - 1, 2)]
        if len(vs) % 2:
            nxt.append(vs[-1])
        vs = nxt
    return vs[0]




def _sc_body(inp_hbm, out_hbm, buf0, buf1, acc, osum, shared, sem0, sem1):
    bufs = (buf0, buf1)
    sems = (sem0, sem1)
    s = lax.axis_index("s")
    wid = s
    row0 = wid * _ROWS_PER_W

    zero = jnp.zeros((16,), jnp.float32)

    def zbody(i, _):
        for j in range(8):
            acc[pl.ds(i * 128 + j * 16, 16)] = zero
        return 0
    lax.fori_loop(0, _ACCW // 128, zbody, 0)

    def issue(k, buf, sem):
        pltpu.async_copy(
            inp_hbm.at[pl.ds(row0 + k * _CH, _CH), :], buf, sem)

    def wait(buf, sem):
        pltpu.make_async_copy(
            inp_hbm.at[pl.ds(0, _CH), :], buf, sem).wait()

    def seg_of_chunk(k):
        row = row0 + k * _CH
        sg = jnp.int32(0)
        for b in _BOUNDS:
            sg = sg + jnp.where(row >= b, jnp.int32(1), jnp.int32(0))
        return sg

    def accum(buf, k):
        segbase = seg_of_chunk(k) * _D

        def blk(b, _):
            off = b * 16
            vs = [buf[r, pl.ds(off, 16)] for r in range(_CH)]
            plsc.addupdate(acc.at[pl.ds(segbase + off, 16)], _tree_sum(vs))
            return 0
        lax.fori_loop(0, _D // 16, blk, 0)

    for j in range(_RING):
        issue(j, bufs[j], sems[j])

    def loop_body(i, _):
        for j in range(_RING):
            k = i * _RING + j
            wait(bufs[j], sems[j])
            accum(bufs[j], k)

            @pl.when(k + _RING < _NCHUNK)
            def _issue_next():
                issue(k + _RING, bufs[j], sems[j])
        return 0
    lax.fori_loop(0, _NCHUNK // _RING, loop_body, 0)

    pltpu.sync_copy(acc, shared.at[pl.ds(s * _ACCW, _ACCW)])
    plsc.subcore_barrier()

    segoff = s * _D
    for t in range(16):
        pltpu.sync_copy(shared.at[pl.ds(t * _ACCW + segoff, _D)],
                        buf0.at[t])

    inv = jnp.float32(0.0)
    for si in range(_NSEG):
        inv = inv + jnp.where(s == si, jnp.float32(1.0 / _COUNTS[si]),
                              jnp.float32(0.0))

    def oblk(b, _):
        off = b * 16
        vs = [buf0[t, pl.ds(off, 16)] for t in range(16)]
        osum[pl.ds(off, 16)] = _tree_sum(vs) * inv
        return 0
    lax.fori_loop(0, _D // 16, oblk, 0)
    pltpu.sync_copy(osum, out_hbm.at[s])


_sc_partial = functools.partial(
    pl.kernel,
    out_type=jax.ShapeDtypeStruct((_NSEG, _D), jnp.float32),
    mesh=plsc.VectorSubcoreMesh(core_axis_name="c", subcore_axis_name="s",
                                num_cores=1),
    scratch_types=(
        [pltpu.VMEM((_CH, _D), jnp.float32) for _ in range(_RING)]
        + [
            pltpu.VMEM((_ACCW,), jnp.float32),
            pltpu.VMEM((_D,), jnp.float32),
            pltpu.VMEM_SHARED((16 * _ACCW,), jnp.float32),
        ]
        + [pltpu.SemaphoreType.DMA for _ in range(_RING)]
    ),
)(_sc_body)



_TC_BR = 2048
_TC_BLK0 = _SPLIT // _TC_BR


def _tc_body(x_ref, o_ref):
    pid = pl.program_id(0)

    @pl.when(pid == 0)
    def _init():
        o_ref[...] = jnp.zeros_like(o_ref)

    for h in range(_TC_BR // 512):
        row = _SPLIT + pid * _TC_BR + h * 512
        sg = jnp.int32(0)
        for b in _BOUNDS:
            sg = sg + jnp.where(row >= b, jnp.int32(1), jnp.int32(0))
        part = jnp.sum(x_ref[h * 512:(h + 1) * 512, :], axis=0,
                       keepdims=True)
        o_ref[pl.ds(sg, 1), :] += part

    @pl.when(pid == pl.num_programs(0) - 1)
    def _finish():
        ii = lax.broadcasted_iota(jnp.int32, (_NSEG, 1), 0)
        inv = jnp.zeros((_NSEG, 1), jnp.float32)
        for si in range(_NSEG):
            inv = jnp.where(ii == si, jnp.float32(1.0 / _COUNTS[si]), inv)
        o_ref[...] = o_ref[...] * inv


_tc_partial = pl.pallas_call(
    _tc_body,
    grid=((_N - _SPLIT) // _TC_BR,),
    in_specs=[pl.BlockSpec((_TC_BR, _D), lambda i: (i + _TC_BLK0, 0))],
    out_specs=pl.BlockSpec((_NSEG, _D), lambda i: (0, 0)),
    out_shape=jax.ShapeDtypeStruct((_NSEG, _D), jnp.float32),
)


@jax.jit
def kernel(inp, index):
    del index
    return _sc_partial(inp) + _tc_partial(inp)

# --- scband reference (transcript-rebuilt; emitter-appended) ---
"""Pipeline reference for scband-scatter-reduce-aggregation-86311662780467 (READ-ONLY COPY).

The authoritative reference and input builder live on the scoring server;
editing this copy changes nothing except your own understanding.
"""

import jax, jax.numpy as jnp
import numpy as np

COUNTS = np.array([1024, 3072, 2048, 2048, 512, 3584, 2048, 2048, 1024, 3072, 4096, 1024, 2048, 2048, 1536, 1536], dtype=np.int64)
NUM_SEGMENTS = int(COUNTS.shape[0])
TOTAL_TOKENS = int(COUNTS.sum())  # 32768
D = 1024


def setup_inputs(seed: int = 0) -> dict:
    key = jax.random.key(seed)
    inp = jax.random.normal(key, (TOTAL_TOKENS, D), dtype=jnp.float32)
    # index buffer materialized in __init__ via repeat_interleave(arange(len(counts)), counts)
    index = jnp.asarray(np.repeat(np.arange(NUM_SEGMENTS), COUNTS), dtype=jnp.int32)
    return {"inp": inp, "index": index}


def reference(inp, index):
    # scatter_mean over dim=0: per-segment sum divided by per-segment count (clamped at 1)
    seg_sum = jax.ops.segment_sum(inp, index, num_segments=NUM_SEGMENTS)
    ones = jnp.ones((inp.shape[0],), dtype=inp.dtype)
    seg_cnt = jax.ops.segment_sum(ones, index, num_segments=NUM_SEGMENTS)
    return seg_sum / jnp.maximum(seg_cnt, 1.0)[:, None]

if __name__ == "__main__":
    import jax
    _d = setup_inputs()
    print(jax.jit(kernel)(*tuple(_d.values())))

</pallas_src>

<mosaic_0001>
#map = affine_map<(d0, d1) -> (0, 0)>
module attributes {stable_mosaic.version = 14 : i64} {
  func.func @_sc_body(%arg0: i32, %arg1: i32, %arg2: memref<32768x1024xf32, #tpu.memory_space<hbm>>, %arg3: memref<16x1024xf32, #tpu.memory_space<hbm>>, %arg4: memref<32x1024xf32, #tpu.memory_space<vmem>>, %arg5: memref<32x1024xf32, #tpu.memory_space<vmem>>, %arg6: memref<16384xf32, #tpu.memory_space<vmem>>, %arg7: memref<1024xf32, #tpu.memory_space<vmem>>, %arg8: memref<262144xf32, #tpu.memory_space<vmem_shared>>, %arg9: memref<!tpu.dma_semaphore, #tpu.memory_space<semaphore_mem>>, %arg10: memref<!tpu.dma_semaphore, #tpu.memory_space<semaphore_mem>>) attributes {dimension_semantics = [#tpu.dimension_semantics<core_parallel>, #tpu.dimension_semantics<subcore_parallel>], iteration_bounds = array<i64: 1, 16>, scalar_prefetch = 0 : i64, scratch_operands = 7 : i64, tpu.core_type = #tpu.core_type<sc_vector_subcore>, window_params = [{transform_indices = #map}, {transform_indices = #map}]} {
    %mul3A = arith.constant 384 : i32
    %mul3A_0 = arith.muli %arg1, %mul3A : i32
    %broadcast_in_dim3A = arith.constant 0.000000e+00 : f32
    %broadcast_in_dim3A_1 = vector.broadcast %broadcast_in_dim3A : f32 to vector<16xf32>
    %scan3A = arith.constant 0 : i32
    %scan3A_2 = arith.constant 0 : i32
    %scan3A_3 = arith.constant 128 : i32
    %scan3A_4 = arith.addi %scan3A_2, %scan3A_3 : i32
    %scan3A_5 = arith.constant 1 : i32
    %scan3A_6 = scf.for %scan3A_177 = %scan3A_2 to %scan3A_4 step %scan3A_5 iter_args(%scan3A_178 = %scan3A) -> (i32)  : i32 {
      %mul3A_179 = arith.constant 128 : i32
      %mul3A_180 = arith.muli %scan3A_177, %mul3A_179 : i32
      %add3A_181 = arith.constant 0 : i32
      %add3A_182 = arith.addi %mul3A_180, %add3A_181 : i32
      %swap3A = arith.index_cast %add3A_182 : i32 to index
      %swap3A_183 = tpu.vector_load %arg6[%swap3A] {strides = array<i32>} : memref<16384xf32, #tpu.memory_space<vmem>>, vector<16xf32>,
      %swap3A_184 = vector.shape_cast %swap3A_183 : vector<16xf32> to vector<16xf32>
      %swap3A_185 = vector.shape_cast %broadcast_in_dim3A_1 : vector<16xf32> to vector<16xf32>
      tpu.vector_store %arg6[%swap3A], %swap3A_185 {strides = array<i32>} : memref<16384xf32, #tpu.memory_space<vmem>>, vector<16xf32>,
      %mul3A_186 = arith.constant 128 : i32
      %mul3A_187 = arith.muli %scan3A_177, %mul3A_186 : i32
      %add3A_188 = arith.constant 16 : i32
      %add3A_189 = arith.addi %mul3A_187, %add3A_188 : i32
      %swap3A_190 = arith.index_cast %add3A_189 : i32 to index
      %swap3A_191 = tpu.vector_load %arg6[%swap3A_190] {strides = array<i32>} : memref<16384xf32, #tpu.memory_space<vmem>>, vector<16xf32>,
      %swap3A_192 = vector.shape_cast %swap3A_191 : vector<16xf32> to vector<16xf32>
      %swap3A_193 = vector.shape_cast %broadcast_in_dim3A_1 : vector<16xf32> to vector<16xf32>
      tpu.vector_store %arg6[%swap3A_190], %swap3A_193 {strides = array<i32>} : memref<16384xf32, #tpu.memory_space<vmem>>, vector<16xf32>,
      %mul3A_194 = arith.constant 128 : i32
      %mul3A_195 = arith.muli %scan3A_177, %mul3A_194 : i32
      %add3A_196 = arith.constant 32 : i32
      %add3A_197 = arith.addi %mul3A_195, %add3A_196 : i32
      %swap3A_198 = arith.index_cast %add3A_197 : i32 to index
      %swap3A_199 = tpu.vector_load %arg6[%swap3A_198] {strides = array<i32>} : memref<16384xf32, #tpu.memory_space<vmem>>, vector<16xf32>,
      %swap3A_200 = vector.shape_cast %swap3A_199 : vector<16xf32> to vector<16xf32>
      %swap3A_201 = vector.shape_cast %broadcast_in_dim3A_1 : vector<16xf32> to vector<16xf32>
      tpu.vector_store %arg6[%swap3A_198], %swap3A_201 {strides = array<i32>} : memref<16384xf32, #tpu.memory_space<vmem>>, vector<16xf32>,
      %mul3A_202 = arith.constant 128 : i32
      %mul3A_203 = arith.muli %scan3A_177, %mul3A_202 : i32
      %add3A_204 = arith.constant 48 : i32
      %add3A_205 = arith.addi %mul3A_203, %add3A_204 : i32
      %swap3A_206 = arith.index_cast %add3A_205 : i32 to index
      %swap3A_207 = tpu.vector_load %arg6[%swap3A_206] {strides = array<i32>} : memref<16384xf32, #tpu.memory_space<vmem>>, vector<16xf32>,
      %swap3A_208 = vector.shape_cast %swap3A_207 : vector<16xf32> to vector<16xf32>
      %swap3A_209 = vector.shape_cast %broadcast_in_dim3A_1 : vector<16xf32> to vector<16xf32>
      tpu.vector_store %arg6[%swap3A_206], %swap3A_209 {strides = array<i32>} : memref<16384xf32, #tpu.memory_space<vmem>>, vector<16xf32>,
      %mul3A_210 = arith.constant 128 : i32
      %mul3A_211 = arith.muli %scan3A_177, %mul3A_210 : i32
      %add3A_212 = arith.constant 64 : i32
      %add3A_213 = arith.addi %mul3A_211, %add3A_212 : i32
      %swap3A_214 = arith.index_cast %add3A_213 : i32 to index
      %swap3A_215 = tpu.vector_load %arg6[%swap3A_214] {strides = array<i32>} : memref<16384xf32, #tpu.memory_space<vmem>>, vector<16xf32>,
      %swap3A_216 = vector.shape_cast %swap3A_215 : vector<16xf32> to vector<16xf32>
      %swap3A_217 = vector.shape_cast %broadcast_in_dim3A_1 : vector<16xf32> to vector<16xf32>
      tpu.vector_store %arg6[%swap3A_214], %swap3A_217 {strides = array<i32>} : memref<16384xf32, #tpu.memory_space<vmem>>, vector<16xf32>,
      %mul3A_218 = arith.constant 128 : i32
      %mul3A_219 = arith.muli %scan3A_177, %mul3A_218 : i32
      %add3A_220 = arith.constant 80 : i32
      %add3A_221 = arith.addi %mul3A_219, %add3A_220 : i32
      %swap3A_222 = arith.index_cast %add3A_221 : i32 to index
      %swap3A_223 = tpu.vector_load %arg6[%swap3A_222] {strides = array<i32>} : memref<16384xf32, #tpu.memory_space<vmem>>, vector<16xf32>,
      %swap3A_224 = vector.shape_cast %swap3A_223 : vector<16xf32> to vector<16xf32>
      %swap3A_225 = vector.shape_cast %broadcast_in_dim3A_1 : vector<16xf32> to vector<16xf32>
      tpu.vector_store %arg6[%swap3A_222], %swap3A_225 {strides = array<i32>} : memref<16384xf32, #tpu.memory_space<vmem>>, vector<16xf32>,
      %mul3A_226 = arith.constant 128 : i32
      %mul3A_227 = arith.muli %scan3A_177, %mul3A_226 : i32
      %add3A_228 = arith.constant 96 : i32
      %add3A_229 = arith.addi %mul3A_227, %add3A_228 : i32
      %swap3A_230 = arith.index_cast %add3A_229 : i32 to index
      %swap3A_231 = tpu.vector_load %arg6[%swap3A_230] {strides = array<i32>} : memref<16384xf32, #tpu.memory_space<vmem>>, vector<16xf32>,
      %swap3A_232 = vector.shape_cast %swap3A_231 : vector<16xf32> to vector<16xf32>
      %swap3A_233 = vector.shape_cast %broadcast_in_dim3A_1 : vector<16xf32> to vector<16xf32>
      tpu.vector_store %arg6[%swap3A_230], %swap3A_233 {strides = array<i32>} : memref<16384xf32, #tpu.memory_space<vmem>>, vector<16xf32>,
      %mul3A_234 = arith.constant 128 : i32
      %mul3A_235 = arith.muli %scan3A_177, %mul3A_234 : i32
      %add3A_236 = arith.constant 112 : i32
      %add3A_237 = arith.addi %mul3A_235, %add3A_236 : i32
      %swap3A_238 = arith.index_cast %add3A_237 : i32 to index
      %swap3A_239 = tpu.vector_load %arg6[%swap3A_238] {strides = array<i32>} : memref<16384xf32, #tpu.memory_space<vmem>>, vector<16xf32>,
      %swap3A_240 = vector.shape_cast %swap3A_239 : vector<16xf32> to vector<16xf32>
      %swap3A_241 = vector.shape_cast %broadcast_in_dim3A_1 : vector<16xf32> to vector<16xf32>
      tpu.vector_store %arg6[%swap3A_238], %swap3A_241 {strides = array<i32>} : memref<16384xf32, #tpu.memory_space<vmem>>, vector<16xf32>,
      %scan3A_242 = arith.constant 0 : i32
      scf.yield %scan3A_242 : i32
    }
    %scan3A_7 = arith.constant 128 : i32
    %add3A = arith.constant 0 : i32
    %add3A_8 = arith.addi %mul3A_0, %add3A : i32
    %dma_start3A = arith.constant 0 : i32
    %dma_start3A_9 = tpu.memref_slice %arg2[%add3A_8, %dma_start3A] : memref<32768x1024xf32, #tpu.memory_space<hbm>> -> memref<32x1024xf32, #tpu.memory_space<hbm>>
    %dma_start3A_10 = arith.constant 0 : i32
    %dma_start3A_11 = tpu.memref_slice %arg2[%add3A_8, %dma_start3A_10] : memref<32768x1024xf32, #tpu.memory_space<hbm>> -> memref<32x1024xf32, #tpu.memory_space<hbm>>
    tpu.enqueue_dma source(%dma_start3A_11 : memref<32x1024xf32, #tpu.memory_space<hbm>>) target(%arg4 : memref<32x1024xf32, #tpu.memory_space<vmem>>) target_semaphore(%arg9 : memref<!tpu.dma_semaphore, #tpu.memory_space<semaphore_mem>>)
    %add3A_12 = arith.constant 32 : i32
    %add3A_13 = arith.addi %mul3A_0, %add3A_12 : i32
    %dma_start3A_14 = arith.constant 0 : i32
    %dma_start3A_15 = tpu.memref_slice %arg2[%add3A_13, %dma_start3A_14] : memref<32768x1024xf32, #tpu.memory_space<hbm>> -> memref<32x1024xf32, #tpu.memory_space<hbm>>
    %dma_start3A_16 = arith.constant 0 : i32
    %dma_start3A_17 = tpu.memref_slice %arg2[%add3A_13, %dma_start3A_16] : memref<32768x1024xf32, #tpu.memory_space<hbm>> -> memref<32x1024xf32, #tpu.memory_space<hbm>>
    tpu.enqueue_dma source(%dma_start3A_17 : memref<32x1024xf32, #tpu.memory_space<hbm>>) target(%arg5 : memref<32x1024xf32, #tpu.memory_space<vmem>>) target_semaphore(%arg10 : memref<!tpu.dma_semaphore, #tpu.memory_space<semaphore_mem>>)
    %scan3A_18 = arith.constant 0 : i32
    %scan3A_19 = arith.constant 0 : i32
    %scan3A_20 = arith.constant 6 : i32
    %scan3A_21 = arith.addi %scan3A_19, %scan3A_20 : i32
    %scan3A_22 = arith.constant 1 : i32
    %scan3A_23 = scf.for %scan3A_177 = %scan3A_19 to %scan3A_21 step %scan3A_22 iter_args(%scan3A_178 = %scan3A_18) -> (i32)  : i32 {
      %mul3A_179 = arith.constant 2 : i32
      %mul3A_180 = arith.muli %scan3A_177, %mul3A_179 : i32
      %add3A_181 = arith.constant 0 : i32
      %add3A_182 = arith.addi %mul3A_180, %add3A_181 : i32
      %dma_wait3A = arith.constant 0 : i32
      %dma_wait3A_183 = arith.constant 0 : i32
      %dma_wait3A_184 = tpu.memref_slice %arg2[%dma_wait3A, %dma_wait3A_183] : memref<32768x1024xf32, #tpu.memory_space<hbm>> -> memref<32x1024xf32, #tpu.memory_space<hbm>>
      %dma_wait3A_185 = arith.constant 0 : i32
      %dma_wait3A_186 = arith.constant 0 : i32
      %dma_wait3A_187 = tpu.memref_slice %arg2[%dma_wait3A_185, %dma_wait3A_186] : memref<32768x1024xf32, #tpu.memory_space<hbm>> -> memref<32x1024xf32, #tpu.memory_space<hbm>>
      tpu.wait_dma2 semaphore(%arg9 : memref<!tpu.dma_semaphore, #tpu.memory_space<semaphore_mem>>) src(%dma_wait3A_187 : memref<32x1024xf32, #tpu.memory_space<hbm>>) dst(%arg4 : memref<32x1024xf32, #tpu.memory_space<vmem>>)
      %mul3A_188 = arith.constant 32 : i32
      %mul3A_189 = arith.muli %add3A_182, %mul3A_188 : i32
      %add3A_190 = arith.addi %mul3A_0, %mul3A_189 : i32
      %ge3A = arith.constant 1024 : i32
      %ge3A_191 = arith.cmpi sge, %add3A_190, %ge3A : i32
      %jit3A_192 = arith.constant 1 : i32
      %jit3A_193 = arith.constant 0 : i32
      %select_n3A_194 = arith.select %ge3A_191, %jit3A_192, %jit3A_193 : i32
      %add3A_195 = arith.constant 0 : i32
      %add3A_196 = arith.addi %add3A_195, %select_n3A_194 : i32
      %ge3A_197 = arith.constant 4096 : i32
      %ge3A_198 = arith.cmpi sge, %add3A_190, %ge3A_197 : i32
      %jit3A_199 = arith.constant 1 : i32
      %jit3A_200 = arith.constant 0 : i32
      %select_n3A_201 = arith.select %ge3A_198, %jit3A_199, %jit3A_200 : i32
      %add3A_202 = arith.addi %add3A_196, %select_n3A_201 : i32
      %ge3A_203 = arith.constant 6144 : i32
      %ge3A_204 = arith.cmpi sge, %add3A_190, %ge3A_203 : i32
      %jit3A_205 = arith.constant 1 : i32
      %jit3A_206 = arith.constant 0 : i32
      %select_n3A_207 = arith.select %ge3A_204, %jit3A_205, %jit3A_206 : i32
      %add3A_208 = arith.addi %add3A_202, %select_n3A_207 : i32
      %ge3A_209 = arith.constant 8192 : i32
      %ge3A_210 = arith.cmpi sge, %add3A_190, %ge3A_209 : i32
      %jit3A_211 = arith.constant 1 : i32
      %jit3A_212 = arith.constant 0 : i32
      %select_n3A_213 = arith.select %ge3A_210, %jit3A_211, %jit3A_212 : i32
      %add3A_214 = arith.addi %add3A_208, %select_n3A_213 : i32
      %ge3A_215 = arith.constant 8704 : i32
      %ge3A_216 = arith.cmpi sge, %add3A_190, %ge3A_215 : i32
      %jit3A_217 = arith.constant 1 : i32
      %jit3A_218 = arith.constant 0 : i32
      %select_n3A_219 = arith.select %ge3A_216, %jit3A_217, %jit3A_218 : i32
      %add3A_220 = arith.addi %add3A_214, %select_n3A_219 : i32
      %ge3A_221 = arith.constant 12288 : i32
      %ge3A_222 = arith.cmpi sge, %add3A_190, %ge3A_221 : i32
      %jit3A_223 = arith.constant 1 : i32
      %jit3A_224 = arith.constant 0 : i32
      %select_n3A_225 = arith.select %ge3A_222, %jit3A_223, %jit3A_224 : i32
      %add3A_226 = arith.addi %add3A_220, %select_n3A_225 : i32
      %ge3A_227 = arith.constant 14336 : i32
      %ge3A_228 = arith.cmpi sge, %add3A_190, %ge3A_227 : i32
      %jit3A_229 = arith.constant 1 : i32
      %jit3A_230 = arith.constant 0 : i32
      %select_n3A_231 = arith.select %ge3A_228, %jit3A_229, %jit3A_230 : i32
      %add3A_232 = arith.addi %add3A_226, %select_n3A_231 : i32
      %ge3A_233 = arith.constant 16384 : i32
      %ge3A_234 = arith.cmpi sge, %add3A_190, %ge3A_233 : i32
      %jit3A_235 = arith.constant 1 : i32
      %jit3A_236 = arith.constant 0 : i32
      %select_n3A_237 = arith.select %ge3A_234, %jit3A_235, %jit3A_236 : i32
      %add3A_238 = arith.addi %add3A_232, %select_n3A_237 : i32
      %ge3A_239 = arith.constant 17408 : i32
      %ge3A_240 = arith.cmpi sge, %add3A_190, %ge3A_239 : i32
      %jit3A_241 = arith.constant 1 : i32
      %jit3A_242 = arith.constant 0 : i32
      %select_n3A_243 = arith.select %ge3A_240, %jit3A_241, %jit3A_242 : i32
      %add3A_244 = arith.addi %add3A_238, %select_n3A_243 : i32
      %ge3A_245 = arith.constant 20480 : i32
      %ge3A_246 = arith.cmpi sge, %add3A_190, %ge3A_245 : i32
      %jit3A_247 = arith.constant 1 : i32
      %jit3A_248 = arith.constant 0 : i32
      %select_n3A_249 = arith.select %ge3A_246, %jit3A_247, %jit3A_248 : i32
      %add3A_250 = arith.addi %add3A_244, %select_n3A_249 : i32
      %ge3A_251 = arith.constant 24576 : i32
      %ge3A_252 = arith.cmpi sge, %add3A_190, %ge3A_251 : i32
      %jit3A_253 = arith.constant 1 : i32
      %jit3A_254 = arith.constant 0 : i32
      %select_n3A_255 = arith.select %ge3A_252, %jit3A_253, %jit3A_254 : i32
      %add3A_256 = arith.addi %add3A_250, %select_n3A_255 : i32
      %ge3A_257 = arith.constant 25600 : i32
      %ge3A_258 = arith.cmpi sge, %add3A_190, %ge3A_257 : i32
      %jit3A_259 = arith.constant 1 : i32
      %jit3A_260 = arith.constant 0 : i32
      %select_n3A_261 = arith.select %ge3A_258, %jit3A_259, %jit3A_260 : i32
      %add3A_262 = arith.addi %add3A_256, %select_n3A_261 : i32
      %ge3A_263 = arith.constant 27648 : i32
      %ge3A_264 = arith.cmpi sge, %add3A_190, %ge3A_263 : i32
      %jit3A_265 = arith.constant 1 : i32
      %jit3A_266 = arith.constant 0 : i32
      %select_n3A_267 = arith.select %ge3A_264, %jit3A_265, %jit3A_266 : i32
      %add3A_268 = arith.addi %add3A_262, %select_n3A_267 : i32
      %ge3A_269 = arith.constant 29696 : i32
      %ge3A_270 = arith.cmpi sge, %add3A_190, %ge3A_269 : i32
      %jit3A_271 = arith.constant 1 : i32
      %jit3A_272 = arith.constant 0 : i32
      %select_n3A_273 = arith.select %ge3A_270, %jit3A_271, %jit3A_272 : i32
      %add3A_274 = arith.addi %add3A_268, %select_n3A_273 : i32
      %ge3A_275 = arith.constant 31232 : i32
      %ge3A_276 = arith.cmpi sge, %add3A_190, %ge3A_275 : i32
      %jit3A_277 = arith.constant 1 : i32
      %jit3A_278 = arith.constant 0 : i32
      %select_n3A_279 = arith.select %ge3A_276, %jit3A_277, %jit3A_278 : i32
      %add3A_280 = arith.addi %add3A_274, %select_n3A_279 : i32
      %mul3A_281 = arith.constant 1024 : i32
      %mul3A_282 = arith.muli %add3A_280, %mul3A_281 : i32
      %scan3A_283 = arith.constant 0 : i32
      %scan3A_284 = arith.constant 0 : i32
      %scan3A_285 = arith.constant 64 : i32
      %scan3A_286 = arith.addi %scan3A_284, %scan3A_285 : i32
      %scan3A_287 = arith.constant 1 : i32
      %scan3A_288 = scf.for %scan3A_415 = %scan3A_284 to %scan3A_286 step %scan3A_287 iter_args(%scan3A_416 = %scan3A_283) -> (i32)  : i32 {
        %mul3A_417 = arith.constant 16 : i32
        %mul3A_418 = arith.muli %scan3A_415, %mul3A_417 : i32
        %get3A = arith.constant 0 : i32
        %get3A_419 = arith.index_cast %get3A : i32 to index
        %get3A_420 = arith.index_cast %mul3A_418 : i32 to index
        %get3A_421 = tpu.vector_load %arg4[%get3A_419, %get3A_420] {strides = array<i32>} : memref<32x1024xf32, #tpu.memory_space<vmem>>, vector<1x16xf32>,
        %get3A_422 = vector.shape_cast %get3A_421 : vector<1x16xf32> to vector<16xf32>
        %get3A_423 = arith.constant 1 : i32
        %get3A_424 = arith.index_cast %get3A_423 : i32 to index
        %get3A_425 = arith.index_cast %mul3A_418 : i32 to index
        %get3A_426 = tpu.vector_load %arg4[%get3A_424, %get3A_425] {strides = array<i32>} : memref<32x1024xf32, #tpu.memory_space<vmem>>, vector<1x16xf32>,
        %get3A_427 = vector.shape_cast %get3A_426 : vector<1x16xf32> to vector<16xf32>
        %get3A_428 = arith.constant 2 : i32
        %get3A_429 = arith.index_cast %get3A_428 : i32 to index
        %get3A_430 = arith.index_cast %mul3A_418 : i32 to index
        %get3A_431 = tpu.vector_load %arg4[%get3A_429, %get3A_430] {strides = array<i32>} : memref<32x1024xf32, #tpu.memory_space<vmem>>, vector<1x16xf32>,
        %get3A_432 = vector.shape_cast %get3A_431 : vector<1x16xf32> to vector<16xf32>
        %get3A_433 = arith.constant 3 : i32
        %get3A_434 = arith.index_cast %get3A_433 : i32 to index
        %get3A_435 = arith.index_cast %mul3A_418 : i32 to index
        %get3A_436 = tpu.vector_load %arg4[%get3A_434, %get3A_435] {strides = array<i32>} : memref<32x1024xf32, #tpu.memory_space<vmem>>, vector<1x16xf32>,
        %get3A_437 = vector.shape_cast %get3A_436 : vector<1x16xf32> to vector<16xf32>
        %get3A_438 = arith.constant 4 : i32
        %get3A_439 = arith.index_cast %get3A_438 : i32 to index
        %get3A_440 = arith.index_cast %mul3A_418 : i32 to index
        %get3A_441 = tpu.vector_load %arg4[%get3A_439, %get3A_440] {strides = array<i32>} : memref<32x1024xf32, #tpu.memory_space<vmem>>, vector<1x16xf32>,
        %get3A_442 = vector.shape_cast %get3A_441 : vector<1x16xf32> to vector<16xf32>
        %get3A_443 = arith.constant 5 : i32
        %get3A_444 = arith.index_cast %get3A_443 : i32 to index
        %get3A_445 = arith.index_cast %mul3A_418 : i32 to index
        %get3A_446 = tpu.vector_load %arg4[%get3A_444, %get3A_445] {strides = array<i32>} : memref<32x1024xf32, #tpu.memory_space<vmem>>, vector<1x16xf32>,
        %get3A_447 = vector.shape_cast %get3A_446 : vector<1x16xf32> to vector<16xf32>
        %get3A_448 = arith.constant 6 : i32
        %get3A_449 = arith.index_cast %get3A_448 : i32 to index
        %get3A_450 = arith.index_cast %mul3A_418 : i32 to index
        %get3A_451 = tpu.vector_load %arg4[%get3A_449, %get3A_450] {strides = array<i32>} : memref<32x1024xf32, #tpu.memory_space<vmem>>, vector<1x16xf32>,
        %get3A_452 = vector.shape_cast %get3A_451 : vector<1x16xf32> to vector<16xf32>
        %get3A_453 = arith.constant 7 : i32
        %get3A_454 = arith.index_cast %get3A_453 : i32 to index
        %get3A_455 = arith.index_cast %mul3A_418 : i32 to index
        %get3A_456 = tpu.vector_load %arg4[%get3A_454, %get3A_455] {strides = array<i32>} : memref<32x1024xf32, #tpu.memory_space<vmem>>, vector<1x16xf32>,
        %get3A_457 = vector.shape_cast %get3A_456 : vector<1x16xf32> to vector<16xf32>
        %get3A_458 = arith.constant 8 : i32
        %get3A_459 = arith.index_cast %get3A_458 : i32 to index
        %get3A_460 = arith.index_cast %mul3A_418 : i32 to index
        %get3A_461 = tpu.vector_load %arg4[%get3A_459, %get3A_460] {strides = array<i32>} : memref<32x1024xf32, #tpu.memory_space<vmem>>, vector<1x16xf32>,
        %get3A_462 = vector.shape_cast %get3A_461 : vector<1x16xf32> to vector<16xf32>
        %get3A_463 = arith.constant 9 : i32
        %get3A_464 = arith.index_cast %get3A_463 : i32 to index
        %get3A_465 = arith.index_cast %mul3A_418 : i32 to index
        %get3A_466 = tpu.vector_load %arg4[%get3A_464, %get3A_465] {strides = array<i32>} : memref<32x1024xf32, #tpu.memory_space<vmem>>, vector<1x16xf32>,
        %get3A_467 = vector.shape_cast %get3A_466 : vector<1x16xf32> to vector<16xf32>
        %get3A_468 = arith.constant 10 : i32
        %get3A_469 = arith.index_cast %get3A_468 : i32 to index
        %get3A_470 = arith.index_cast %mul3A_418 : i32 to index
        %get3A_471 = tpu.vector_load %arg4[%get3A_469, %get3A_470] {strides = array<i32>} : memref<32x1024xf32, #tpu.memory_space<vmem>>, vector<1x16xf32>,
        %get3A_472 = vector.shape_cast %get3A_471 : vector<1x16xf32> to vector<16xf32>
        %get3A_473 = arith.constant 11 : i32
        %get3A_474 = arith.index_cast %get3A_473 : i32 to index
        %get3A_475 = arith.index_cast %mul3A_418 : i32 to index
        %get3A_476 = tpu.vector_load %arg4[%get3A_474, %get3A_475] {strides = array<i32>} : memref<32x1024xf32, #tpu.memory_space<vmem>>, vector<1x16xf32>,
        %get3A_477 = vector.shape_cast %get3A_476 : vector<1x16xf32> to vector<16xf32>
        %get3A_478 = arith.constant 12 : i32
        %get3A_479 = arith.index_cast %get3A_478 : i32 to index
        %get3A_480 = arith.index_cast %mul3A_418 : i32 to index
        %get3A_481 = tpu.vector_load %arg4[%get3A_479, %get3A_480] {strides = array<i32>} : memref<32x1024xf32, #tpu.memory_space<vmem>>, vector<1x16xf32>,
        %get3A_482 = vector.shape_cast %get3A_481 : vector<1x16xf32> to vector<16xf32>
        %get3A_483 = arith.constant 13 : i32
        %get3A_484 = arith.index_cast %get3A_483 : i32 to index
        %get3A_485 = arith.index_cast %mul3A_418 : i32 to index
        %get3A_486 = tpu.vector_load %arg4[%get3A_484, %get3A_485] {strides = array<i32>} : memref<32x1024xf32, #tpu.memory_space<vmem>>, vector<1x16xf32>,
        %get3A_487 = vector.shape_cast %get3A_486 : vector<1x16xf32> to vector<16xf32>
        %get3A_488 = arith.constant 14 : i32
        %get3A_489 = arith.index_cast %get3A_488 : i32 to index
        %get3A_490 = arith.index_cast %mul3A_418 : i32 to index
        %get3A_491 = tpu.vector_load %arg4[%get3A_489, %get3A_490] {strides = array<i32>} : memref<32x1024xf32, #tpu.memory_space<vmem>>, vector<1x16xf32>,
        %get3A_492 = vector.shape_cast %get3A_491 : vector<1x16xf32> to vector<16xf32>
        %get3A_493 = arith.constant 15 : i32
        %get3A_494 = arith.index_cast %get3A_493 : i32 to index
        %get3A_495 = arith.index_cast %mul3A_418 : i32 to index
        %get3A_496 = tpu.vector_load %arg4[%get3A_494, %get3A_495] {strides = array<i32>} : memref<32x1024xf32, #tpu.memory_space<vmem>>, vector<1x16xf32>,
        %get3A_497 = vector.shape_cast %get3A_496 : vector<1x16xf32> to vector<16xf32>
        %get3A_498 = arith.constant 16 : i32
        %get3A_499 = arith.index_cast %get3A_498 : i32 to index
        %get3A_500 = arith.index_cast %mul3A_418 : i32 to index
        %get3A_501 = tpu.vector_load %arg4[%get3A_499, %get3A_500] {strides = array<i32>} : memref<32x1024xf32, #tpu.memory_space<vmem>>, vector<1x16xf32>,
        %get3A_502 = vector.shape_cast %get3A_501 : vector<1x16xf32> to vector<16xf32>
        %get3A_503 = arith.constant 17 : i32
        %get3A_504 = arith.index_cast %get3A_503 : i32 to index
        %get3A_505 = arith.index_cast %mul3A_418 : i32 to index
        %get3A_506 = tpu.vector_load %arg4[%get3A_504, %get3A_505] {strides = array<i32>} : memref<32x1024xf32, #tpu.memory_space<vmem>>, vector<1x16xf32>,
        %get3A_507 = vector.shape_cast %get3A_506 : vector<1x16xf32> to vector<16xf32>
        %get3A_508 = arith.constant 18 : i32
        %get3A_509 = arith.index_cast %get3A_508 : i32 to index
        %get3A_510 = arith.index_cast %mul3A_418 : i32 to index
        %get3A_511 = tpu.vector_load %arg4[%get3A_509, %get3A_510] {strides = array<i32>} : memref<32x1024xf32, #tpu.memory_space<vmem>>, vector<1x16xf32>,
        %get3A_512 = vector.shape_cast %get3A_511 : vector<1x16xf32> to vector<16xf32>
        %get3A_513 = arith.constant 19 : i32
        %get3A_514 = arith.index_cast %get3A_513 : i32 to index
        %get3A_515 = arith.index_cast %mul3A_418 : i32 to index
        %get3A_516 = tpu.vector_load %arg4[%get3A_514, %get3A_515] {strides = array<i32>} : memref<32x1024xf32, #tpu.memory_space<vmem>>, vector<1x16xf32>,
        %get3A_517 = vector.shape_cast %get3A_516 : vector<1x16xf32> to vector<16xf32>
        %get3A_518 = arith.constant 20 : i32
        %get3A_519 = arith.index_cast %get3A_518 : i32 to index
        %get3A_520 = arith.index_cast %mul3A_418 : i32 to index
        %get3A_521 = tpu.vector_load %arg4[%get3A_519, %get3A_520] {strides = array<i32>} : memref<32x1024xf32, #tpu.memory_space<vmem>>, vector<1x16xf32>,
        %get3A_522 = vector.shape_cast %get3A_521 : vector<1x16xf32> to vector<16xf32>
        %get3A_523 = arith.constant 21 : i32
        %get3A_524 = arith.index_cast %get3A_523 : i32 to index
        %get3A_525 = arith.index_cast %mul3A_418 : i32 to index
        %get3A_526 = tpu.vector_load %arg4[%get3A_524, %get3A_525] {strides = array<i32>} : memref<32x1024xf32, #tpu.memory_space<vmem>>, vector<1x16xf32>,
        %get3A_527 = vector.shape_cast %get3A_526 : vector<1x16xf32> to vector<16xf32>
        %get3A_528 = arith.constant 22 : i32
        %get3A_529 = arith.index_cast %get3A_528 : i32 to index
        %get3A_530 = arith.index_cast %mul3A_418 : i32 to index
        %get3A_531 = tpu.vector_load %arg4[%get3A_529, %get3A_530] {strides = array<i32>} : memref<32x1024xf32, #tpu.memory_space<vmem>>, vector<1x16xf32>,
        %get3A_532 = vector.shape_cast %get3A_531 : vector<1x16xf32> to vector<16xf32>
        %get3A_533 = arith.constant 23 : i32
        %get3A_534 = arith.index_cast %get3A_533 : i32 to index
        %get3A_535 = arith.index_cast %mul3A_418 : i32 to index
        %get3A_536 = tpu.vector_load %arg4[%get3A_534, %get3A_535] {strides = array<i32>} : memref<32x1024xf32, #tpu.memory_space<vmem>>, vector<1x16xf32>,
        %get3A_537 = vector.shape_cast %get3A_536 : vector<1x16xf32> to vector<16xf32>
        %get3A_538 = arith.constant 24 : i32
        %get3A_539 = arith.index_cast %get3A_538 : i32 to index
        %get3A_540 = arith.index_cast %mul3A_418 : i32 to index
        %get3A_541 = tpu.vector_load %arg4[%get3A_539, %get3A_540] {strides = array<i32>} : memref<32x1024xf32, #tpu.memory_space<vmem>>, vector<1x16xf32>,
        %get3A_542 = vector.shape_cast %get3A_541 : vector<1x16xf32> to vector<16xf32>
        %get3A_543 = arith.constant 25 : i32
        %get3A_544 = arith.index_cast %get3A_543 : i32 to index
        %get3A_545 = arith.index_cast %mul3A_418 : i32 to index
        %get3A_546 = tpu.vector_load %arg4[%get3A_544, %get3A_545] {strides = array<i32>} : memref<32x1024xf32, #tpu.memory_space<vmem>>, vector<1x16xf32>,
        %get3A_547 = vector.shape_cast %get3A_546 : vector<1x16xf32> to vector<16xf32>
        %get3A_548 = arith.constant 26 : i32
        %get3A_549 = arith.index_cast %get3A_548 : i32 to index
        %get3A_550 = arith.index_cast %mul3A_418 : i32 to index
        %get3A_551 = tpu.vector_load %arg4[%get3A_549, %get3A_550] {strides = array<i32>} : memref<32x1024xf32, #tpu.memory_space<vmem>>, vector<1x16xf32>,
        %get3A_552 = vector.shape_cast %get3A_551 : vector<1x16xf32> to vector<16xf32>
        %get3A_553 = arith.constant 27 : i32
        %get3A_554 = arith.index_cast %get3A_553 : i32 to index
        %get3A_555 = arith.index_cast %mul3A_418 : i32 to index
        %get3A_556 = tpu.vector_load %arg4[%get3A_554, %get3A_555] {strides = array<i32>} : memref<32x1024xf32, #tpu.memory_space<vmem>>, vector<1x16xf32>,
        %get3A_557 = vector.shape_cast %get3A_556 : vector<1x16xf32> to vector<16xf32>
        %get3A_558 = arith.constant 28 : i32
        %get3A_559 = arith.index_cast %get3A_558 : i32 to index
        %get3A_560 = arith.index_cast %mul3A_418 : i32 to index
        %get3A_561 = tpu.vector_load %arg4[%get3A_559, %get3A_560] {strides = array<i32>} : memref<32x1024xf32, #tpu.memory_space<vmem>>, vector<1x16xf32>,
        %get3A_562 = vector.shape_cast %get3A_561 : vector<1x16xf32> to vector<16xf32>
        %get3A_563 = arith.constant 29 : i32
        %get3A_564 = arith.index_cast %get3A_563 : i32 to index
        %get3A_565 = arith.index_cast %mul3A_418 : i32 to index
        %get3A_566 = tpu.vector_load %arg4[%get3A_564, %get3A_565] {strides = array<i32>} : memref<32x1024xf32, #tpu.memory_space<vmem>>, vector<1x16xf32>,
        %get3A_567 = vector.shape_cast %get3A_566 : vector<1x16xf32> to vector<16xf32>
        %get3A_568 = arith.constant 30 : i32
        %get3A_569 = arith.index_cast %get3A_568 : i32 to index
        %get3A_570 = arith.index_cast %mul3A_418 : i32 to index
        %get3A_571 = tpu.vector_load %arg4[%get3A_569, %get3A_570] {strides = array<i32>} : memref<32x1024xf32, #tpu.memory_space<vmem>>, vector<1x16xf32>,
        %get3A_572 = vector.shape_cast %get3A_571 : vector<1x16xf32> to vector<16xf32>
        %get3A_573 = arith.constant 31 : i32
        %get3A_574 = arith.index_cast %get3A_573 : i32 to index
        %get3A_575 = arith.index_cast %mul3A_418 : i32 to index
        %get3A_576 = tpu.vector_load %arg4[%get3A_574, %get3A_575] {strides = array<i32>} : memref<32x1024xf32, #tpu.memory_space<vmem>>, vector<1x16xf32>,
        %get3A_577 = vector.shape_cast %get3A_576 : vector<1x16xf32> to vector<16xf32>
        %add3A_578 = arith.addi %mul3A_282, %mul3A_418 : i32
        %add3A_579 = arith.addf %get3A_422, %get3A_427 : vector<16xf32>
        %add3A_580 = arith.addf %get3A_432, %get3A_437 : vector<16xf32>
        %add3A_581 = arith.addf %get3A_442, %get3A_447 : vector<16xf32>
        %add3A_582 = arith.addf %get3A_452, %get3A_457 : vector<16xf32>
        %add3A_583 = arith.addf %get3A_462, %get3A_467 : vector<16xf32>
        %add3A_584 = arith.addf %get3A_472, %get3A_477 : vector<16xf32>
        %add3A_585 = arith.addf %get3A_482, %get3A_487 : vector<16xf32>
        %add3A_586 = arith.addf %get3A_492, %get3A_497 : vector<16xf32>
        %add3A_587 = arith.addf %get3A_502, %get3A_507 : vector<16xf32>
        %add3A_588 = arith.addf %get3A_512, %get3A_517 : vector<16xf32>
        %add3A_589 = arith.addf %get3A_522, %get3A_527 : vector<16xf32>
        %add3A_590 = arith.addf %get3A_532, %get3A_537 : vector<16xf32>
        %add3A_591 = arith.addf %get3A_542, %get3A_547 : vector<16xf32>
        %add3A_592 = arith.addf %get3A_552, %get3A_557 : vector<16xf32>
        %add3A_593 = arith.addf %get3A_562, %get3A_567 : vector<16xf32>
        %add3A_594 = arith.addf %get3A_572, %get3A_577 : vector<16xf32>
        %add3A_595 = arith.addf %add3A_579, %add3A_580 : vector<16xf32>
        %add3A_596 = arith.addf %add3A_581, %add3A_582 : vector<16xf32>
        %add3A_597 = arith.addf %add3A_583, %add3A_584 : vector<16xf32>
        %add3A_598 = arith.addf %add3A_585, %add3A_586 : vector<16xf32>
        %add3A_599 = arith.addf %add3A_587, %add3A_588 : vector<16xf32>
        %add3A_600 = arith.addf %add3A_589, %add3A_590 : vector<16xf32>
        %add3A_601 = arith.addf %add3A_591, %add3A_592 : vector<16xf32>
        %add3A_602 = arith.addf %add3A_593, %add3A_594 : vector<16xf32>
        %add3A_603 = arith.addf %add3A_595, %add3A_596 : vector<16xf32>
        %add3A_604 = arith.addf %add3A_597, %add3A_598 : vector<16xf32>
        %add3A_605 = arith.addf %add3A_599, %add3A_600 : vector<16xf32>
        %add3A_606 = arith.addf %add3A_601, %add3A_602 : vector<16xf32>
        %add3A_607 = arith.addf %add3A_603, %add3A_604 : vector<16xf32>
        %add3A_608 = arith.addf %add3A_605, %add3A_606 : vector<16xf32>
        %add3A_609 = arith.addf %add3A_607, %add3A_608 : vector<16xf32>
        %swap3A = arith.index_cast %add3A_578 : i32 to index
        %swap3A_610 = tpu.vector_load %arg6[%swap3A] {strides = array<i32>} : memref<16384xf32, #tpu.memory_space<vmem>>, vector<16xf32>,
        %swap3A_611 = vector.shape_cast %swap3A_610 : vector<16xf32> to vector<16xf32>
        %swap3A_612 = vector.shape_cast %add3A_609 : vector<16xf32> to vector<16xf32>
        tpu.vector_store %arg6[%swap3A], %swap3A_612 {add = true, strides = array<i32>} : memref<16384xf32, #tpu.memory_space<vmem>>, vector<16xf32>,
        %scan3A_613 = arith.constant 0 : i32
        scf.yield %scan3A_613 : i32
      }
      %scan3A_289 = arith.constant 64 : i32
      %add3A_290 = arith.constant 2 : i32
      %add3A_291 = arith.addi %add3A_182, %add3A_290 : i32
      %lt3A = arith.constant 12 : i32
      %lt3A_292 = arith.cmpi slt, %add3A_291, %lt3A : i32
      %convert_element_type3A = arith.extui %lt3A_292 : i1 to i32
      %cond3A = arith.constant 0 : i32
      %cond3A_293 = arith.cmpi ne, %convert_element_type3A, %cond3A : i32
      scf.if %cond3A_293 {
        %add3A_415 = arith.constant 2 : i32
        %add3A_416 = arith.addi %add3A_182, %add3A_415 : i32
        %mul3A_417 = arith.constant 32 : i32
        %mul3A_418 = arith.muli %add3A_416, %mul3A_417 : i32
        %add3A_419 = arith.addi %mul3A_0, %mul3A_418 : i32
        %dma_start3A_420 = arith.constant 0 : i32
        %dma_start3A_421 = tpu.memref_slice %arg2[%add3A_419, %dma_start3A_420] : memref<32768x1024xf32, #tpu.memory_space<hbm>> -> memref<32x1024xf32, #tpu.memory_space<hbm>>
        %dma_start3A_422 = arith.constant 0 : i32
        %dma_start3A_423 = tpu.memref_slice %arg2[%add3A_419, %dma_start3A_422] : memref<32768x1024xf32, #tpu.memory_space<hbm>> -> memref<32x1024xf32, #tpu.memory_space<hbm>>
        tpu.enqueue_dma source(%dma_start3A_423 : memref<32x1024xf32, #tpu.memory_space<hbm>>) target(%arg4 : memref<32x1024xf32, #tpu.memory_space<vmem>>) target_semaphore(%arg9 : memref<!tpu.dma_semaphore, #tpu.memory_space<semaphore_mem>>)
      } else {
      }
      %mul3A_294 = arith.constant 2 : i32
      %mul3A_295 = arith.muli %scan3A_177, %mul3A_294 : i32
      %add3A_296 = arith.constant 1 : i32
      %add3A_297 = arith.addi %mul3A_295, %add3A_296 : i32
      %dma_wait3A_298 = arith.constant 0 : i32
      %dma_wait3A_299 = arith.constant 0 : i32
      %dma_wait3A_300 = tpu.memref_slice %arg2[%dma_wait3A_298, %dma_wait3A_299] : memref<32768x1024xf32, #tpu.memory_space<hbm>> -> memref<32x1024xf32, #tpu.memory_space<hbm>>
      %dma_wait3A_301 = arith.constant 0 : i32
      %dma_wait3A_302 = arith.constant 0 : i32
      %dma_wait3A_303 = tpu.memref_slice %arg2[%dma_wait3A_301, %dma_wait3A_302] : memref<32768x1024xf32, #tpu.memory_space<hbm>> -> memref<32x1024xf32, #tpu.memory_space<hbm>>
      tpu.wait_dma2 semaphore(%arg10 : memref<!tpu.dma_semaphore, #tpu.memory_space<semaphore_mem>>) src(%dma_wait3A_303 : memref<32x1024xf32, #tpu.memory_space<hbm>>) dst(%arg5 : memref<32x1024xf32, #tpu.memory_space<vmem>>)
      %mul3A_304 = arith.constant 32 : i32
      %mul3A_305 = arith.muli %add3A_297, %mul3A_304 : i32
      %add3A_306 = arith.addi %mul3A_0, %mul3A_305 : i32
      %ge3A_307 = arith.constant 1024 : i32
      %ge3A_308 = arith.cmpi sge, %add3A_306, %ge3A_307 : i32
      %jit3A_309 = arith.constant 1 : i32
      %jit3A_310 = arith.constant 0 : i32
      %select_n3A_311 = arith.select %ge3A_308, %jit3A_309, %jit3A_310 : i32
      %add3A_312 = arith.constant 0 : i32
      %add3A_313 = arith.addi %add3A_312, %select_n3A_311 : i32
      %ge3A_314 = arith.constant 4096 : i32
      %ge3A_315 = arith.cmpi sge, %add3A_306, %ge3A_314 : i32
      %jit3A_316 = arith.constant 1 : i32
      %jit3A_317 = arith.constant 0 : i32
      %select_n3A_318 = arith.select %ge3A_315, %jit3A_316, %jit3A_317 : i32
      %add3A_319 = arith.addi %add3A_313, %select_n3A_318 : i32
      %ge3A_320 = arith.constant 6144 : i32
      %ge3A_321 = arith.cmpi sge, %add3A_306, %ge3A_320 : i32
      %jit3A_322 = arith.constant 1 : i32
      %jit3A_323 = arith.constant 0 : i32
      %select_n3A_324 = arith.select %ge3A_321, %jit3A_322, %jit3A_323 : i32
      %add3A_325 = arith.addi %add3A_319, %select_n3A_324 : i32
      %ge3A_326 = arith.constant 8192 : i32
      %ge3A_327 = arith.cmpi sge, %add3A_306, %ge3A_326 : i32
      %jit3A_328 = arith.constant 1 : i32
      %jit3A_329 = arith.constant 0 : i32
      %select_n3A_330 = arith.select %ge3A_327, %jit3A_328, %jit3A_329 : i32
      %add3A_331 = arith.addi %add3A_325, %select_n3A_330 : i32
      %ge3A_332 = arith.constant 8704 : i32
      %ge3A_333 = arith.cmpi sge, %add3A_306, %ge3A_332 : i32
      %jit3A_334 = arith.constant 1 : i32
      %jit3A_335 = arith.constant 0 : i32
      %select_n3A_336 = arith.select %ge3A_333, %jit3A_334, %jit3A_335 : i32
      %add3A_337 = arith.addi %add3A_331, %select_n3A_336 : i32
      %ge3A_338 = arith.constant 12288 : i32
      %ge3A_339 = arith.cmpi sge, %add3A_306, %ge3A_338 : i32
      %jit3A_340 = arith.constant 1 : i32
      %jit3A_341 = arith.constant 0 : i32
      %select_n3A_342 = arith.select %ge3A_339, %jit3A_340, %jit3A_341 : i32
      %add3A_343 = arith.addi %add3A_337, %select_n3A_342 : i32
      %ge3A_344 = arith.constant 14336 : i32
      %ge3A_345 = arith.cmpi sge, %add3A_306, %ge3A_344 : i32
      %jit3A_346 = arith.constant 1 : i32
      %jit3A_347 = arith.constant 0 : i32
      %select_n3A_348 = arith.select %ge3A_345, %jit3A_346, %jit3A_347 : i32
      %add3A_349 = arith.addi %add3A_343, %select_n3A_348 : i32
      %ge3A_350 = arith.constant 16384 : i32
      %ge3A_351 = arith.cmpi sge, %add3A_306, %ge3A_350 : i32
      %jit3A_352 = arith.constant 1 : i32
      %jit3A_353 = arith.constant 0 : i32
      %select_n3A_354 = arith.select %ge3A_351, %jit3A_352, %jit3A_353 : i32
      %add3A_355 = arith.addi %add3A_349, %select_n3A_354 : i32
      %ge3A_356 = arith.constant 17408 : i32
      %ge3A_357 = arith.cmpi sge, %add3A_306, %ge3A_356 : i32
      %jit3A_358 = arith.constant 1 : i32
      %jit3A_359 = arith.constant 0 : i32
      %select_n3A_360 = arith.select %ge3A_357, %jit3A_358, %jit3A_359 : i32
      %add3A_361 = arith.addi %add3A_355, %select_n3A_360 : i32
      %ge3A_362 = arith.constant 20480 : i32
      %ge3A_363 = arith.cmpi sge, %add3A_306, %ge3A_362 : i32
      %jit3A_364 = arith.constant 1 : i32
      %jit3A_365 = arith.constant 0 : i32
      %select_n3A_366 = arith.select %ge3A_363, %jit3A_364, %jit3A_365 : i32
      %add3A_367 = arith.addi %add3A_361, %select_n3A_366 : i32
      %ge3A_368 = arith.constant 24576 : i32
      %ge3A_369 = arith.cmpi sge, %add3A_306, %ge3A_368 : i32
      %jit3A_370 = arith.constant 1 : i32
      %jit3A_371 = arith.constant 0 : i32
      %select_n3A_372 = arith.select %ge3A_369, %jit3A_370, %jit3A_371 : i32
      %add3A_373 = arith.addi %add3A_367, %select_n3A_372 : i32
      %ge3A_374 = arith.constant 25600 : i32
      %ge3A_375 = arith.cmpi sge, %add3A_306, %ge3A_374 : i32
      %jit3A_376 = arith.constant 1 : i32
      %jit3A_377 = arith.constant 0 : i32
      %select_n3A_378 = arith.select %ge3A_375, %jit3A_376, %jit3A_377 : i32
      %add3A_379 = arith.addi %add3A_373, %select_n3A_378 : i32
      %ge3A_380 = arith.constant 27648 : i32
      %ge3A_381 = arith.cmpi sge, %add3A_306, %ge3A_380 : i32
      %jit3A_382 = arith.constant 1 : i32
      %jit3A_383 = arith.constant 0 : i32
      %select_n3A_384 = arith.select %ge3A_381, %jit3A_382, %jit3A_383 : i32
      %add3A_385 = arith.addi %add3A_379, %select_n3A_384 : i32
      %ge3A_386 = arith.constant 29696 : i32
      %ge3A_387 = arith.cmpi sge, %add3A_306, %ge3A_386 : i32
      %jit3A_388 = arith.constant 1 : i32
      %jit3A_389 = arith.constant 0 : i32
      %select_n3A_390 = arith.select %ge3A_387, %jit3A_388, %jit3A_389 : i32
      %add3A_391 = arith.addi %add3A_385, %select_n3A_390 : i32
      %ge3A_392 = arith.constant 31232 : i32
      %ge3A_393 = arith.cmpi sge, %add3A_306, %ge3A_392 : i32
      %jit3A_394 = arith.constant 1 : i32
      %jit3A_395 = arith.constant 0 : i32
      %select_n3A_396 = arith.select %ge3A_393, %jit3A_394, %jit3A_395 : i32
      %add3A_397 = arith.addi %add3A_391, %select_n3A_396 : i32
      %mul3A_398 = arith.constant 1024 : i32
      %mul3A_399 = arith.muli %add3A_397, %mul3A_398 : i32
      %scan3A_400 = arith.constant 0 : i32
      %scan3A_401 = arith.constant 0 : i32
      %scan3A_402 = arith.constant 64 : i32
      %scan3A_403 = arith.addi %scan3A_401, %scan3A_402 : i32
      %scan3A_404 = arith.constant 1 : i32
      %scan3A_405 = scf.for %scan3A_415 = %scan3A_401 to %scan3A_403 step %scan3A_404 iter_args(%scan3A_416 = %scan3A_400) -> (i32)  : i32 {
        %mul3A_417 = arith.constant 16 : i32
        %mul3A_418 = arith.muli %scan3A_415, %mul3A_417 : i32
        %get3A = arith.constant 0 : i32
        %get3A_419 = arith.index_cast %get3A : i32 to index
        %get3A_420 = arith.index_cast %mul3A_418 : i32 to index
        %get3A_421 = tpu.vector_load %arg5[%get3A_419, %get3A_420] {strides = array<i32>} : memref<32x1024xf32, #tpu.memory_space<vmem>>, vector<1x16xf32>,
        %get3A_422 = vector.shape_cast %get3A_421 : vector<1x16xf32> to vector<16xf32>
        %get3A_423 = arith.constant 1 : i32
        %get3A_424 = arith.index_cast %get3A_423 : i32 to index
        %get3A_425 = arith.index_cast %mul3A_418 : i32 to index
        %get3A_426 = tpu.vector_load %arg5[%get3A_424, %get3A_425] {strides = array<i32>} : memref<32x1024xf32, #tpu.memory_space<vmem>>, vector<1x16xf32>,
        %get3A_427 = vector.shape_cast %get3A_426 : vector<1x16xf32> to vector<16xf32>
        %get3A_428 = arith.constant 2 : i32
        %get3A_429 = arith.index_cast %get3A_428 : i32 to index
        %get3A_430 = arith.index_cast %mul3A_418 : i32 to index
        %get3A_431 = tpu.vector_load %arg5[%get3A_429, %get3A_430] {strides = array<i32>} : memref<32x1024xf32, #tpu.memory_space<vmem>>, vector<1x16xf32>,
        %get3A_432 = vector.shape_cast %get3A_431 : vector<1x16xf32> to vector<16xf32>
        %get3A_433 = arith.constant 3 : i32
        %get3A_434 = arith.index_cast %get3A_433 : i32 to index
        %get3A_435 = arith.index_cast %mul3A_418 : i32 to index
        %get3A_436 = tpu.vector_load %arg5[%get3A_434, %get3A_435] {strides = array<i32>} : memref<32x1024xf32, #tpu.memory_space<vmem>>, vector<1x16xf32>,
        %get3A_437 = vector.shape_cast %get3A_436 : vector<1x16xf32> to vector<16xf32>
        %get3A_438 = arith.constant 4 : i32
        %get3A_439 = arith.index_cast %get3A_438 : i32 to index
        %get3A_440 = arith.index_cast %mul3A_418 : i32 to index
        %get3A_441 = tpu.vector_load %arg5[%get3A_439, %get3A_440] {strides = array<i32>} : memref<32x1024xf32, #tpu.memory_space<vmem>>, vector<1x16xf32>,
        %get3A_442 = vector.shape_cast %get3A_441 : vector<1x16xf32> to vector<16xf32>
        %get3A_443 = arith.constant 5 : i32
        %get3A_444 = arith.index_cast %get3A_443 : i32 to index
        %get3A_445 = arith.index_cast %mul3A_418 : i32 to index
        %get3A_446 = tpu.vector_load %arg5[%get3A_444, %get3A_445] {strides = array<i32>} : memref<32x1024xf32, #tpu.memory_space<vmem>>, vector<1x16xf32>,
        %get3A_447 = vector.shape_cast %get3A_446 : vector<1x16xf32> to vector<16xf32>
        %get3A_448 = arith.constant 6 : i32
        %get3A_449 = arith.index_cast %get3A_448 : i32 to index
        %get3A_450 = arith.index_cast %mul3A_418 : i32 to index
        %get3A_451 = tpu.vector_load %arg5[%get3A_449, %get3A_450] {strides = array<i32>} : memref<32x1024xf32, #tpu.memory_space<vmem>>, vector<1x16xf32>,
        %get3A_452 = vector.shape_cast %get3A_451 : vector<1x16xf32> to vector<16xf32>
        %get3A_453 = arith.constant 7 : i32
        %get3A_454 = arith.index_cast %get3A_453 : i32 to index
        %get3A_455 = arith.index_cast %mul3A_418 : i32 to index
        %get3A_456 = tpu.vector_load %arg5[%get3A_454, %get3A_455] {strides = array<i32>} : memref<32x1024xf32, #tpu.memory_space<vmem>>, vector<1x16xf32>,
        %get3A_457 = vector.shape_cast %get3A_456 : vector<1x16xf32> to vector<16xf32>
        %get3A_458 = arith.constant 8 : i32
        %get3A_459 = arith.index_cast %get3A_458 : i32 to index
        %get3A_460 = arith.index_cast %mul3A_418 : i32 to index
        %get3A_461 = tpu.vector_load %arg5[%get3A_459, %get3A_460] {strides = array<i32>} : memref<32x1024xf32, #tpu.memory_space<vmem>>, vector<1x16xf32>,
        %get3A_462 = vector.shape_cast %get3A_461 : vector<1x16xf32> to vector<16xf32>
        %get3A_463 = arith.constant 9 : i32
        %get3A_464 = arith.index_cast %get3A_463 : i32 to index
        %get3A_465 = arith.index_cast %mul3A_418 : i32 to index
        %get3A_466 = tpu.vector_load %arg5[%get3A_464, %get3A_465] {strides = array<i32>} : memref<32x1024xf32, #tpu.memory_space<vmem>>, vector<1x16xf32>,
        %get3A_467 = vector.shape_cast %get3A_466 : vector<1x16xf32> to vector<16xf32>
        %get3A_468 = arith.constant 10 : i32
        %get3A_469 = arith.index_cast %get3A_468 : i32 to index
        %get3A_470 = arith.index_cast %mul3A_418 : i32 to index
        %get3A_471 = tpu.vector_load %arg5[%get3A_469, %get3A_470] {strides = array<i32>} : memref<32x1024xf32, #tpu.memory_space<vmem>>, vector<1x16xf32>,
        %get3A_472 = vector.shape_cast %get3A_471 : vector<1x16xf32> to vector<16xf32>
        %get3A_473 = arith.constant 11 : i32
        %get3A_474 = arith.index_cast %get3A_473 : i32 to index
        %get3A_475 = arith.index_cast %mul3A_418 : i32 to index
        %get3A_476 = tpu.vector_load %arg5[%get3A_474, %get3A_475] {strides = array<i32>} : memref<32x1024xf32, #tpu.memory_space<vmem>>, vector<1x16xf32>,
        %get3A_477 = vector.shape_cast %get3A_476 : vector<1x16xf32> to vector<16xf32>
        %get3A_478 = arith.constant 12 : i32
        %get3A_479 = arith.index_cast %get3A_478 : i32 to index
        %get3A_480 = arith.index_cast %mul3A_418 : i32 to index
        %get3A_481 = tpu.vector_load %arg5[%get3A_479, %get3A_480] {strides = array<i32>} : memref<32x1024xf32, #tpu.memory_space<vmem>>, vector<1x16xf32>,
        %get3A_482 = vector.shape_cast %get3A_481 : vector<1x16xf32> to vector<16xf32>
        %get3A_483 = arith.constant 13 : i32
        %get3A_484 = arith.index_cast %get3A_483 : i32 to index
        %get3A_485 = arith.index_cast %mul3A_418 : i32 to index
        %get3A_486 = tpu.vector_load %arg5[%get3A_484, %get3A_485] {strides = array<i32>} : memref<32x1024xf32, #tpu.memory_space<vmem>>, vector<1x16xf32>,
        %get3A_487 = vector.shape_cast %get3A_486 : vector<1x16xf32> to vector<16xf32>
        %get3A_488 = arith.constant 14 : i32
        %get3A_489 = arith.index_cast %get3A_488 : i32 to index
        %get3A_490 = arith.index_cast %mul3A_418 : i32 to index
        %get3A_491 = tpu.vector_load %arg5[%get3A_489, %get3A_490] {strides = array<i32>} : memref<32x1024xf32, #tpu.memory_space<vmem>>, vector<1x16xf32>,
        %get3A_492 = vector.shape_cast %get3A_491 : vector<1x16xf32> to vector<16xf32>
        %get3A_493 = arith.constant 15 : i32
        %get3A_494 = arith.index_cast %get3A_493 : i32 to index
        %get3A_495 = arith.index_cast %mul3A_418 : i32 to index
        %get3A_496 = tpu.vector_load %arg5[%get3A_494, %get3A_495] {strides = array<i32>} : memref<32x1024xf32, #tpu.memory_space<vmem>>, vector<1x16xf32>,
        %get3A_497 = vector.shape_cast %get3A_496 : vector<1x16xf32> to vector<16xf32>
        %get3A_498 = arith.constant 16 : i32
        %get3A_499 = arith.index_cast %get3A_498 : i32 to index
        %get3A_500 = arith.index_cast %mul3A_418 : i32 to index
        %get3A_501 = tpu.vector_load %arg5[%get3A_499, %get3A_500] {strides = array<i32>} : memref<32x1024xf32, #tpu.memory_space<vmem>>, vector<1x16xf32>,
        %get3A_502 = vector.shape_cast %get3A_501 : vector<1x16xf32> to vector<16xf32>
        %get3A_503 = arith.constant 17 : i32
        %get3A_504 = arith.index_cast %get3A_503 : i32 to index
        %get3A_505 = arith.index_cast %mul3A_418 : i32 to index
        %get3A_506 = tpu.vector_load %arg5[%get3A_504, %get3A_505] {strides = array<i32>} : memref<32x1024xf32, #tpu.memory_space<vmem>>, vector<1x16xf32>,
        %get3A_507 = vector.shape_cast %get3A_506 : vector<1x16xf32> to vector<16xf32>
        %get3A_508 = arith.constant 18 : i32
        %get3A_509 = arith.index_cast %get3A_508 : i32 to index
        %get3A_510 = arith.index_cast %mul3A_418 : i32 to index
        %get3A_511 = tpu.vector_load %arg5[%get3A_509, %get3A_510] {strides = array<i32>} : memref<32x1024xf32, #tpu.memory_space<vmem>>, vector<1x16xf32>,
        %get3A_512 = vector.shape_cast %get3A_511 : vector<1x16xf32> to vector<16xf32>
        %get3A_513 = arith.constant 19 : i32
        %get3A_514 = arith.index_cast %get3A_513 : i32 to index
        %get3A_515 = arith.index_cast %mul3A_418 : i32 to index
        %get3A_516 = tpu.vector_load %arg5[%get3A_514, %get3A_515] {strides = array<i32>} : memref<32x1024xf32, #tpu.memory_space<vmem>>, vector<1x16xf32>,
        %get3A_517 = vector.shape_cast %get3A_516 : vector<1x16xf32> to vector<16xf32>
        %get3A_518 = arith.constant 20 : i32
        %get3A_519 = arith.index_cast %get3A_518 : i32 to index
        %get3A_520 = arith.index_cast %mul3A_418 : i32 to index
        %get3A_521 = tpu.vector_load %arg5[%get3A_519, %get3A_520] {strides = array<i32>} : memref<32x1024xf32, #tpu.memory_space<vmem>>, vector<1x16xf32>,
        %get3A_522 = vector.shape_cast %get3A_521 : vector<1x16xf32> to vector<16xf32>
        %get3A_523 = arith.constant 21 : i32
        %get3A_524 = arith.index_cast %get3A_523 : i32 to index
        %get3A_525 = arith.index_cast %mul3A_418 : i32 to index
        %get3A_526 = tpu.vector_load %arg5[%get3A_524, %get3A_525] {strides = array<i32>} : memref<32x1024xf32, #tpu.memory_space<vmem>>, vector<1x16xf32>,
        %get3A_527 = vector.shape_cast %get3A_526 : vector<1x16xf32> to vector<16xf32>
        %get3A_528 = arith.constant 22 : i32
        %get3A_529 = arith.index_cast %get3A_528 : i32 to index
        %get3A_530 = arith.index_cast %mul3A_418 : i32 to index
        %get3A_531 = tpu.vector_load %arg5[%get3A_529, %get3A_530] {strides = array<i32>} : memref<32x1024xf32, #tpu.memory_space<vmem>>, vector<1x16xf32>,
        %get3A_532 = vector.shape_cast %get3A_531 : vector<1x16xf32> to vector<16xf32>
        %get3A_533 = arith.constant 23 : i32
        %get3A_534 = arith.index_cast %get3A_533 : i32 to index
        %get3A_535 = arith.index_cast %mul3A_418 : i32 to index
        %get3A_536 = tpu.vector_load %arg5[%get3A_534, %get3A_535] {strides = array<i32>} : memref<32x1024xf32, #tpu.memory_space<vmem>>, vector<1x16xf32>,
        %get3A_537 = vector.shape_cast %get3A_536 : vector<1x16xf32> to vector<16xf32>
        %get3A_538 = arith.constant 24 : i32
        %get3A_539 = arith.index_cast %get3A_538 : i32 to index
        %get3A_540 = arith.index_cast %mul3A_418 : i32 to index
        %get3A_541 = tpu.vector_load %arg5[%get3A_539, %get3A_540] {strides = array<i32>} : memref<32x1024xf32, #tpu.memory_space<vmem>>, vector<1x16xf32>,
        %get3A_542 = vector.shape_cast %get3A_541 : vector<1x16xf32> to vector<16xf32>
        %get3A_543 = arith.constant 25 : i32
        %get3A_544 = arith.index_cast %get3A_543 : i32 to index
        %get3A_545 = arith.index_cast %mul3A_418 : i32 to index
        %get3A_546 = tpu.vector_load %arg5[%get3A_544, %get3A_545] {strides = array<i32>} : memref<32x1024xf32, #tpu.memory_space<vmem>>, vector<1x16xf32>,
        %get3A_547 = vector.shape_cast %get3A_546 : vector<1x16xf32> to vector<16xf32>
        %get3A_548 = arith.constant 26 : i32
        %get3A_549 = arith.index_cast %get3A_548 : i32 to index
        %get3A_550 = arith.index_cast %mul3A_418 : i32 to index
        %get3A_551 = tpu.vector_load %arg5[%get3A_549, %get3A_550] {strides = array<i32>} : memref<32x1024xf32, #tpu.memory_space<vmem>>, vector<1x16xf32>,
        %get3A_552 = vector.shape_cast %get3A_551 : vector<1x16xf32> to vector<16xf32>
        %get3A_553 = arith.constant 27 : i32
        %get3A_554 = arith.index_cast %get3A_553 : i32 to index
        %get3A_555 = arith.index_cast %mul3A_418 : i32 to index
        %get3A_556 = tpu.vector_load %arg5[%get3A_554, %get3A_555] {strides = array<i32>} : memref<32x1024xf32, #tpu.memory_space<vmem>>, vector<1x16xf32>,
        %get3A_557 = vector.shape_cast %get3A_556 : vector<1x16xf32> to vector<16xf32>
        %get3A_558 = arith.constant 28 : i32
        %get3A_559 = arith.index_cast %get3A_558 : i32 to index
        %get3A_560 = arith.index_cast %mul3A_418 : i32 to index
        %get3A_561 = tpu.vector_load %arg5[%get3A_559, %get3A_560] {strides = array<i32>} : memref<32x1024xf32, #tpu.memory_space<vmem>>, vector<1x16xf32>,
        %get3A_562 = vector.shape_cast %get3A_561 : vector<1x16xf32> to vector<16xf32>
        %get3A_563 = arith.constant 29 : i32
        %get3A_564 = arith.index_cast %get3A_563 : i32 to index
        %get3A_565 = arith.index_cast %mul3A_418 : i32 to index
        %get3A_566 = tpu.vector_load %arg5[%get3A_564, %get3A_565] {strides = array<i32>} : memref<32x1024xf32, #tpu.memory_space<vmem>>, vector<1x16xf32>,
        %get3A_567 = vector.shape_cast %get3A_566 : vector<1x16xf32> to vector<16xf32>
        %get3A_568 = arith.constant 30 : i32
        %get3A_569 = arith.index_cast %get3A_568 : i32 to index
        %get3A_570 = arith.index_cast %mul3A_418 : i32 to index
        %get3A_571 = tpu.vector_load %arg5[%get3A_569, %get3A_570] {strides = array<i32>} : memref<32x1024xf32, #tpu.memory_space<vmem>>, vector<1x16xf32>,
        %get3A_572 = vector.shape_cast %get3A_571 : vector<1x16xf32> to vector<16xf32>
        %get3A_573 = arith.constant 31 : i32
        %get3A_574 = arith.index_cast %get3A_573 : i32 to index
        %get3A_575 = arith.index_cast %mul3A_418 : i32 to index
        %get3A_576 = tpu.vector_load %arg5[%get3A_574, %get3A_575] {strides = array<i32>} : memref<32x1024xf32, #tpu.memory_space<vmem>>, vector<1x16xf32>,
        %get3A_577 = vector.shape_cast %get3A_576 : vector<1x16xf32> to vector<16xf32>
        %add3A_578 = arith.addi %mul3A_399, %mul3A_418 : i32
        %add3A_579 = arith.addf %get3A_422, %get3A_427 : vector<16xf32>
        %add3A_580 = arith.addf %get3A_432, %get3A_437 : vector<16xf32>
        %add3A_581 = arith.addf %get3A_442, %get3A_447 : vector<16xf32>
        %add3A_582 = arith.addf %get3A_452, %get3A_457 : vector<16xf32>
        %add3A_583 = arith.addf %get3A_462, %get3A_467 : vector<16xf32>
        %add3A_584 = arith.addf %get3A_472, %get3A_477 : vector<16xf32>
        %add3A_585 = arith.addf %get3A_482, %get3A_487 : vector<16xf32>
        %add3A_586 = arith.addf %get3A_492, %get3A_497 : vector<16xf32>
        %add3A_587 = arith.addf %get3A_502, %get3A_507 : vector<16xf32>
        %add3A_588 = arith.addf %get3A_512, %get3A_517 : vector<16xf32>
        %add3A_589 = arith.addf %get3A_522, %get3A_527 : vector<16xf32>
        %add3A_590 = arith.addf %get3A_532, %get3A_537 : vector<16xf32>
        %add3A_591 = arith.addf %get3A_542, %get3A_547 : vector<16xf32>
        %add3A_592 = arith.addf %get3A_552, %get3A_557 : vector<16xf32>
        %add3A_593 = arith.addf %get3A_562, %get3A_567 : vector<16xf32>
        %add3A_594 = arith.addf %get3A_572, %get3A_577 : vector<16xf32>
        %add3A_595 = arith.addf %add3A_579, %add3A_580 : vector<16xf32>
        %add3A_596 = arith.addf %add3A_581, %add3A_582 : vector<16xf32>
        %add3A_597 = arith.addf %add3A_583, %add3A_584 : vector<16xf32>
        %add3A_598 = arith.addf %add3A_585, %add3A_586 : vector<16xf32>
        %add3A_599 = arith.addf %add3A_587, %add3A_588 : vector<16xf32>
        %add3A_600 = arith.addf %add3A_589, %add3A_590 : vector<16xf32>
        %add3A_601 = arith.addf %add3A_591, %add3A_592 : vector<16xf32>
        %add3A_602 = arith.addf %add3A_593, %add3A_594 : vector<16xf32>
        %add3A_603 = arith.addf %add3A_595, %add3A_596 : vector<16xf32>
        %add3A_604 = arith.addf %add3A_597, %add3A_598 : vector<16xf32>
        %add3A_605 = arith.addf %add3A_599, %add3A_600 : vector<16xf32>
        %add3A_606 = arith.addf %add3A_601, %add3A_602 : vector<16xf32>
        %add3A_607 = arith.addf %add3A_603, %add3A_604 : vector<16xf32>
        %add3A_608 = arith.addf %add3A_605, %add3A_606 : vector<16xf32>
        %add3A_609 = arith.addf %add3A_607, %add3A_608 : vector<16xf32>
        %swap3A = arith.index_cast %add3A_578 : i32 to index
        %swap3A_610 = tpu.vector_load %arg6[%swap3A] {strides = array<i32>} : memref<16384xf32, #tpu.memory_space<vmem>>, vector<16xf32>,
        %swap3A_611 = vector.shape_cast %swap3A_610 : vector<16xf32> to vector<16xf32>
        %swap3A_612 = vector.shape_cast %add3A_609 : vector<16xf32> to vector<16xf32>
        tpu.vector_store %arg6[%swap3A], %swap3A_612 {add = true, strides = array<i32>} : memref<16384xf32, #tpu.memory_space<vmem>>, vector<16xf32>,
        %scan3A_613 = arith.constant 0 : i32
        scf.yield %scan3A_613 : i32
      }
      %scan3A_406 = arith.constant 64 : i32
      %add3A_407 = arith.constant 2 : i32
      %add3A_408 = arith.addi %add3A_297, %add3A_407 : i32
      %lt3A_409 = arith.constant 12 : i32
      %lt3A_410 = arith.cmpi slt, %add3A_408, %lt3A_409 : i32
      %convert_element_type3A_411 = arith.extui %lt3A_410 : i1 to i32
      %cond3A_412 = arith.constant 0 : i32
      %cond3A_413 = arith.cmpi ne, %convert_element_type3A_411, %cond3A_412 : i32
      scf.if %cond3A_413 {
        %add3A_415 = arith.constant 2 : i32
        %add3A_416 = arith.addi %add3A_297, %add3A_415 : i32
        %mul3A_417 = arith.constant 32 : i32
        %mul3A_418 = arith.muli %add3A_416, %mul3A_417 : i32
        %add3A_419 = arith.addi %mul3A_0, %mul3A_418 : i32
        %dma_start3A_420 = arith.constant 0 : i32
        %dma_start3A_421 = tpu.memref_slice %arg2[%add3A_419, %dma_start3A_420] : memref<32768x1024xf32, #tpu.memory_space<hbm>> -> memref<32x1024xf32, #tpu.memory_space<hbm>>
        %dma_start3A_422 = arith.constant 0 : i32
        %dma_start3A_423 = tpu.memref_slice %arg2[%add3A_419, %dma_start3A_422] : memref<32768x1024xf32, #tpu.memory_space<hbm>> -> memref<32x1024xf32, #tpu.memory_space<hbm>>
        tpu.enqueue_dma source(%dma_start3A_423 : memref<32x1024xf32, #tpu.memory_space<hbm>>) target(%arg5 : memref<32x1024xf32, #tpu.memory_space<vmem>>) target_semaphore(%arg10 : memref<!tpu.dma_semaphore, #tpu.memory_space<semaphore_mem>>)
      } else {
      }
      %scan3A_414 = arith.constant 0 : i32
      scf.yield %scan3A_414 : i32
    }
    %scan3A_24 = arith.constant 6 : i32
    %mul3A_25 = arith.constant 16384 : i32
    %mul3A_26 = arith.muli %arg1, %mul3A_25 : i32
    "tpu.region"() ({
      %run_scoped3A_177 = tpu.sem_alloc : memref<!tpu.dma_semaphore, #tpu.memory_space<semaphore_mem>>
      %dma_start3A_178 = tpu.memref_slice %arg8[%mul3A_26] : memref<262144xf32, #tpu.memory_space<vmem_shared>> -> memref<16384xf32, #tpu.memory_space<vmem_shared>>
      %dma_start3A_179 = tpu.memref_slice %arg8[%mul3A_26] : memref<262144xf32, #tpu.memory_space<vmem_shared>> -> memref<16384xf32, #tpu.memory_space<vmem_shared>>
      tpu.enqueue_dma source(%arg6 : memref<16384xf32, #tpu.memory_space<vmem>>) target(%dma_start3A_179 : memref<16384xf32, #tpu.memory_space<vmem_shared>>) target_semaphore(%run_scoped3A_177 : memref<!tpu.dma_semaphore, #tpu.memory_space<semaphore_mem>>)
      %dma_wait3A = tpu.memref_slice %arg8[%mul3A_26] : memref<262144xf32, #tpu.memory_space<vmem_shared>> -> memref<16384xf32, #tpu.memory_space<vmem_shared>>
      %dma_wait3A_180 = tpu.memref_slice %arg8[%mul3A_26] : memref<262144xf32, #tpu.memory_space<vmem_shared>> -> memref<16384xf32, #tpu.memory_space<vmem_shared>>
      tpu.wait_dma2 semaphore(%run_scoped3A_177 : memref<!tpu.dma_semaphore, #tpu.memory_space<semaphore_mem>>) src(%arg6 : memref<16384xf32, #tpu.memory_space<vmem>>) dst(%dma_wait3A_180 : memref<16384xf32, #tpu.memory_space<vmem_shared>>)
      tpu.yield
    }) : () -> ()
    %barrier3A = arith.constant 0 : index
    tpu.barrier barrier_id(%barrier3A)
    %mul3A_27 = arith.constant 1024 : i32
    %mul3A_28 = arith.muli %arg1, %mul3A_27 : i32
    %add3A_29 = arith.constant 0 : i32
    %add3A_30 = arith.addi %add3A_29, %mul3A_28 : i32
    %run_scoped3A = arith.constant 0 : i32
    "tpu.region"() ({
      %run_scoped3A_177 = tpu.sem_alloc : memref<!tpu.dma_semaphore, #tpu.memory_space<semaphore_mem>>
      %dma_start3A_178 = arith.constant 0 : i32
      %dma_start3A_179 = tpu.memref_slice %arg4[%run_scoped3A, %dma_start3A_178] : memref<32x1024xf32, #tpu.memory_space<vmem>> -> memref<1x1024xf32, #tpu.memory_space<vmem>>
      %dma_start3A_180 = tpu.memref_squeeze %dma_start3A_179 : memref<1x1024xf32, #tpu.memory_space<vmem>> -> memref<1024xf32, #tpu.memory_space<vmem>>
      %dma_start3A_181 = tpu.memref_slice %arg8[%add3A_30] : memref<262144xf32, #tpu.memory_space<vmem_shared>> -> memref<1024xf32, #tpu.memory_space<vmem_shared>>
      %dma_start3A_182 = arith.constant 0 : i32
      %dma_start3A_183 = tpu.memref_slice %arg4[%run_scoped3A, %dma_start3A_182] : memref<32x1024xf32, #tpu.memory_space<vmem>> -> memref<1x1024xf32, #tpu.memory_space<vmem>>
      %dma_start3A_184 = tpu.memref_squeeze %dma_start3A_183 : memref<1x1024xf32, #tpu.memory_space<vmem>> -> memref<1024xf32, #tpu.memory_space<vmem>>
      %dma_start3A_185 = tpu.memref_slice %arg8[%add3A_30] : memref<262144xf32, #tpu.memory_space<vmem_shared>> -> memref<1024xf32, #tpu.memory_space<vmem_shared>>
      tpu.enqueue_dma source(%dma_start3A_185 : memref<1024xf32, #tpu.memory_space<vmem_shared>>) target(%dma_start3A_184 : memref<1024xf32, #tpu.memory_space<vmem>>) target_semaphore(%run_scoped3A_177 : memref<!tpu.dma_semaphore, #tpu.memory_space<semaphore_mem>>)
      %dma_wait3A = arith.constant 0 : i32
      %dma_wait3A_186 = tpu.memref_slice %arg4[%run_scoped3A, %dma_wait3A] : memref<32x1024xf32, #tpu.memory_space<vmem>> -> memref<1x1024xf32, #tpu.memory_space<vmem>>
      %dma_wait3A_187 = tpu.memref_squeeze %dma_wait3A_186 : memref<1x1024xf32, #tpu.memory_space<vmem>> -> memref<1024xf32, #tpu.memory_space<vmem>>
      %dma_wait3A_188 = tpu.memref_slice %arg8[%add3A_30] : memref<262144xf32, #tpu.memory_space<vmem_shared>> -> memref<1024xf32, #tpu.memory_space<vmem_shared>>
      %dma_wait3A_189 = arith.constant 0 : i32
      %dma_wait3A_190 = tpu.memref_slice %arg4[%run_scoped3A, %dma_wait3A_189] : memref<32x1024xf32, #tpu.memory_space<vmem>> -> memref<1x1024xf32, #tpu.memory_space<vmem>>
      %dma_wait3A_191 = tpu.memref_squeeze %dma_wait3A_190 : memref<1x1024xf32, #tpu.memory_space<vmem>> -> memref<1024xf32, #tpu.memory_space<vmem>>
      %dma_wait3A_192 = tpu.memref_slice %arg8[%add3A_30] : memref<262144xf32, #tpu.memory_space<vmem_shared>> -> memref<1024xf32, #tpu.memory_space<vmem_shared>>
      tpu.wait_dma2 semaphore(%run_scoped3A_177 : memref<!tpu.dma_semaphore, #tpu.memory_space<semaphore_mem>>) src(%dma_wait3A_192 : memref<1024xf32, #tpu.memory_space<vmem_shared>>) dst(%dma_wait3A_191 : memref<1024xf32, #tpu.memory_space<vmem>>)
      tpu.yield
    }) : () -> ()
    %add3A_31 = arith.constant 16384 : i32
    %add3A_32 = arith.addi %add3A_31, %mul3A_28 : i32
    %run_scoped3A_33 = arith.constant 1 : i32
    "tpu.region"() ({
      %run_scoped3A_177 = tpu.sem_alloc : memref<!tpu.dma_semaphore, #tpu.memory_space<semaphore_mem>>
      %dma_start3A_178 = arith.constant 0 : i32
      %dma_start3A_179 = tpu.memref_slice %arg4[%run_scoped3A_33, %dma_start3A_178] : memref<32x1024xf32, #tpu.memory_space<vmem>> -> memref<1x1024xf32, #tpu.memory_space<vmem>>
      %dma_start3A_180 = tpu.memref_squeeze %dma_start3A_179 : memref<1x1024xf32, #tpu.memory_space<vmem>> -> memref<1024xf32, #tpu.memory_space<vmem>>
      %dma_start3A_181 = tpu.memref_slice %arg8[%add3A_32] : memref<262144xf32, #tpu.memory_space<vmem_shared>> -> memref<1024xf32, #tpu.memory_space<vmem_shared>>
      %dma_start3A_182 = arith.constant 0 : i32
      %dma_start3A_183 = tpu.memref_slice %arg4[%run_scoped3A_33, %dma_start3A_182] : memref<32x1024xf32, #tpu.memory_space<vmem>> -> memref<1x1024xf32, #tpu.memory_space<vmem>>
      %dma_start3A_184 = tpu.memref_squeeze %dma_start3A_183 : memref<1x1024xf32, #tpu.memory_space<vmem>> -> memref<1024xf32, #tpu.memory_space<vmem>>
      %dma_start3A_185 = tpu.memref_slice %arg8[%add3A_32] : memref<262144xf32, #tpu.memory_space<vmem_shared>> -> memref<1024xf32, #tpu.memory_space<vmem_shared>>
      tpu.enqueue_dma source(%dma_start3A_185 : memref<1024xf32, #tpu.memory_space<vmem_shared>>) target(%dma_start3A_184 : memref<1024xf32, #tpu.memory_space<vmem>>) target_semaphore(%run_scoped3A_177 : memref<!tpu.dma_semaphore, #tpu.memory_space<semaphore_mem>>)
      %dma_wait3A = arith.constant 0 : i32
      %dma_wait3A_186 = tpu.memref_slice %arg4[%run_scoped3A_33, %dma_wait3A] : memref<32x1024xf32, #tpu.memory_space<vmem>> -> memref<1x1024xf32, #tpu.memory_space<vmem>>
      %dma_wait3A_187 = tpu.memref_squeeze %dma_wait3A_186 : memref<1x1024xf32, #tpu.memory_space<vmem>> -> memref<1024xf32, #tpu.memory_space<vmem>>
      %dma_wait3A_188 = tpu.memref_slice %arg8[%add3A_32] : memref<262144xf32, #tpu.memory_space<vmem_shared>> -> memref<1024xf32, #tpu.memory_space<vmem_shared>>
      %dma_wait3A_189 = arith.constant 0 : i32
      %dma_wait3A_190 = tpu.memref_slice %arg4[%run_scoped3A_33, %dma_wait3A_189] : memref<32x1024xf32, #tpu.memory_space<vmem>> -> memref<1x1024xf32, #tpu.memory_space<vmem>>
      %dma_wait3A_191 = tpu.memref_squeeze %dma_wait3A_190 : memref<1x1024xf32, #tpu.memory_space<vmem>> -> memref<1024xf32, #tpu.memory_space<vmem>>
      %dma_wait3A_192 = tpu.memref_slice %arg8[%add3A_32] : memref<262144xf32, #tpu.memory_space<vmem_shared>> -> memref<1024xf32, #tpu.memory_space<vmem_shared>>
      tpu.wait_dma2 semaphore(%run_scoped3A_177 : memref<!tpu.dma_semaphore, #tpu.memory_space<semaphore_mem>>) src(%dma_wait3A_192 : memref<1024xf32, #tpu.memory_space<vmem_shared>>) dst(%dma_wait3A_191 : memref<1024xf32, #tpu.memory_space<vmem>>)
      tpu.yield
    }) : () -> ()
    %add3A_34 = arith.constant 32768 : i32
    %add3A_35 = arith.addi %add3A_34, %mul3A_28 : i32
    %run_scoped3A_36 = arith.constant 2 : i32
    "tpu.region"() ({
      %run_scoped3A_177 = tpu.sem_alloc : memref<!tpu.dma_semaphore, #tpu.memory_space<semaphore_mem>>
      %dma_start3A_178 = arith.constant 0 : i32
      %dma_start3A_179 = tpu.memref_slice %arg4[%run_scoped3A_36, %dma_start3A_178] : memref<32x1024xf32, #tpu.memory_space<vmem>> -> memref<1x1024xf32, #tpu.memory_space<vmem>>
      %dma_start3A_180 = tpu.memref_squeeze %dma_start3A_179 : memref<1x1024xf32, #tpu.memory_space<vmem>> -> memref<1024xf32, #tpu.memory_space<vmem>>
      %dma_start3A_181 = tpu.memref_slice %arg8[%add3A_35] : memref<262144xf32, #tpu.memory_space<vmem_shared>> -> memref<1024xf32, #tpu.memory_space<vmem_shared>>
      %dma_start3A_182 = arith.constant 0 : i32
      %dma_start3A_183 = tpu.memref_slice %arg4[%run_scoped3A_36, %dma_start3A_182] : memref<32x1024xf32, #tpu.memory_space<vmem>> -> memref<1x1024xf32, #tpu.memory_space<vmem>>
      %dma_start3A_184 = tpu.memref_squeeze %dma_start3A_183 : memref<1x1024xf32, #tpu.memory_space<vmem>> -> memref<1024xf32, #tpu.memory_space<vmem>>
      %dma_start3A_185 = tpu.memref_slice %arg8[%add3A_35] : memref<262144xf32, #tpu.memory_space<vmem_shared>> -> memref<1024xf32, #tpu.memory_space<vmem_shared>>
      tpu.enqueue_dma source(%dma_start3A_185 : memref<1024xf32, #tpu.memory_space<vmem_shared>>) target(%dma_start3A_184 : memref<1024xf32, #tpu.memory_space<vmem>>) target_semaphore(%run_scoped3A_177 : memref<!tpu.dma_semaphore, #tpu.memory_space<semaphore_mem>>)
      %dma_wait3A = arith.constant 0 : i32
      %dma_wait3A_186 = tpu.memref_slice %arg4[%run_scoped3A_36, %dma_wait3A] : memref<32x1024xf32, #tpu.memory_space<vmem>> -> memref<1x1024xf32, #tpu.memory_space<vmem>>
      %dma_wait3A_187 = tpu.memref_squeeze %dma_wait3A_186 : memref<1x1024xf32, #tpu.memory_space<vmem>> -> memref<1024xf32, #tpu.memory_space<vmem>>
      %dma_wait3A_188 = tpu.memref_slice %arg8[%add3A_35] : memref<262144xf32, #tpu.memory_space<vmem_shared>> -> memref<1024xf32, #tpu.memory_space<vmem_shared>>
      %dma_wait3A_189 = arith.constant 0 : i32
      %dma_wait3A_190 = tpu.memref_slice %arg4[%run_scoped3A_36, %dma_wait3A_189] : memref<32x1024xf32, #tpu.memory_space<vmem>> -> memref<1x1024xf32, #tpu.memory_space<vmem>>
      %dma_wait3A_191 = tpu.memref_squeeze %dma_wait3A_190 : memref<1x1024xf32, #tpu.memory_space<vmem>> -> memref<1024xf32, #tpu.memory_space<vmem>>
      %dma_wait3A_192 = tpu.memref_slice %arg8[%add3A_35] : memref<262144xf32, #tpu.memory_space<vmem_shared>> -> memref<1024xf32, #tpu.memory_space<vmem_shared>>
      tpu.wait_dma2 semaphore(%run_scoped3A_177 : memref<!tpu.dma_semaphore, #tpu.memory_space<semaphore_mem>>) src(%dma_wait3A_192 : memref<1024xf32, #tpu.memory_space<vmem_shared>>) dst(%dma_wait3A_191 : memref<1024xf32, #tpu.memory_space<vmem>>)
      tpu.yield
    }) : () -> ()
    %add3A_37 = arith.constant 49152 : i32
    %add3A_38 = arith.addi %add3A_37, %mul3A_28 : i32
    %run_scoped3A_39 = arith.constant 3 : i32
    "tpu.region"() ({
      %run_scoped3A_177 = tpu.sem_alloc : memref<!tpu.dma_semaphore, #tpu.memory_space<semaphore_mem>>
      %dma_start3A_178 = arith.constant 0 : i32
      %dma_start3A_179 = tpu.memref_slice %arg4[%run_scoped3A_39, %dma_start3A_178] : memref<32x1024xf32, #tpu.memory_space<vmem>> -> memref<1x1024xf32, #tpu.memory_space<vmem>>
      %dma_start3A_180 = tpu.memref_squeeze %dma_start3A_179 : memref<1x1024xf32, #tpu.memory_space<vmem>> -> memref<1024xf32, #tpu.memory_space<vmem>>
      %dma_start3A_181 = tpu.memref_slice %arg8[%add3A_38] : memref<262144xf32, #tpu.memory_space<vmem_shared>> -> memref<1024xf32, #tpu.memory_space<vmem_shared>>
      %dma_start3A_182 = arith.constant 0 : i32
      %dma_start3A_183 = tpu.memref_slice %arg4[%run_scoped3A_39, %dma_start3A_182] : memref<32x1024xf32, #tpu.memory_space<vmem>> -> memref<1x1024xf32, #tpu.memory_space<vmem>>
      %dma_start3A_184 = tpu.memref_squeeze %dma_start3A_183 : memref<1x1024xf32, #tpu.memory_space<vmem>> -> memref<1024xf32, #tpu.memory_space<vmem>>
      %dma_start3A_185 = tpu.memref_slice %arg8[%add3A_38] : memref<262144xf32, #tpu.memory_space<vmem_shared>> -> memref<1024xf32, #tpu.memory_space<vmem_shared>>
      tpu.enqueue_dma source(%dma_start3A_185 : memref<1024xf32, #tpu.memory_space<vmem_shared>>) target(%dma_start3A_184 : memref<1024xf32, #tpu.memory_space<vmem>>) target_semaphore(%run_scoped3A_177 : memref<!tpu.dma_semaphore, #tpu.memory_space<semaphore_mem>>)
      %dma_wait3A = arith.constant 0 : i32
      %dma_wait3A_186 = tpu.memref_slice %arg4[%run_scoped3A_39, %dma_wait3A] : memref<32x1024xf32, #tpu.memory_space<vmem>> -> memref<1x1024xf32, #tpu.memory_space<vmem>>
      %dma_wait3A_187 = tpu.memref_squeeze %dma_wait3A_186 : memref<1x1024xf32, #tpu.memory_space<vmem>> -> memref<1024xf32, #tpu.memory_space<vmem>>
      %dma_wait3A_188 = tpu.memref_slice %arg8[%add3A_38] : memref<262144xf32, #tpu.memory_space<vmem_shared>> -> memref<1024xf32, #tpu.memory_space<vmem_shared>>
      %dma_wait3A_189 = arith.constant 0 : i32
      %dma_wait3A_190 = tpu.memref_slice %arg4[%run_scoped3A_39, %dma_wait3A_189] : memref<32x1024xf32, #tpu.memory_space<vmem>> -> memref<1x1024xf32, #tpu.memory_space<vmem>>
      %dma_wait3A_191 = tpu.memref_squeeze %dma_wait3A_190 : memref<1x1024xf32, #tpu.memory_space<vmem>> -> memref<1024xf32, #tpu.memory_space<vmem>>
      %dma_wait3A_192 = tpu.memref_slice %arg8[%add3A_38] : memref<262144xf32, #tpu.memory_space<vmem_shared>> -> memref<1024xf32, #tpu.memory_space<vmem_shared>>
      tpu.wait_dma2 semaphore(%run_scoped3A_177 : memref<!tpu.dma_semaphore, #tpu.memory_space<semaphore_mem>>) src(%dma_wait3A_192 : memref<1024xf32, #tpu.memory_space<vmem_shared>>) dst(%dma_wait3A_191 : memref<1024xf32, #tpu.memory_space<vmem>>)
      tpu.yield
    }) : () -> ()
    %add3A_40 = arith.constant 65536 : i32
    %add3A_41 = arith.addi %add3A_40, %mul3A_28 : i32
    %run_scoped3A_42 = arith.constant 4 : i32
    "tpu.region"() ({
      %run_scoped3A_177 = tpu.sem_alloc : memref<!tpu.dma_semaphore, #tpu.memory_space<semaphore_mem>>
      %dma_start3A_178 = arith.constant 0 : i32
      %dma_start3A_179 = tpu.memref_slice %arg4[%run_scoped3A_42, %dma_start3A_178] : memref<32x1024xf32, #tpu.memory_space<vmem>> -> memref<1x1024xf32, #tpu.memory_space<vmem>>
      %dma_start3A_180 = tpu.memref_squeeze %dma_start3A_179 : memref<1x1024xf32, #tpu.memory_space<vmem>> -> memref<1024xf32, #tpu.memory_space<vmem>>
      %dma_start3A_181 = tpu.memref_slice %arg8[%add3A_41] : memref<262144xf32, #tpu.memory_space<vmem_shared>> -> memref<1024xf32, #tpu.memory_space<vmem_shared>>
      %dma_start3A_182 = arith.constant 0 : i32
      %dma_start3A_183 = tpu.memref_slice %arg4[%run_scoped3A_42, %dma_start3A_182] : memref<32x1024xf32, #tpu.memory_space<vmem>> -> memref<1x1024xf32, #tpu.memory_space<vmem>>
      %dma_start3A_184 = tpu.memref_squeeze %dma_start3A_183 : memref<1x1024xf32, #tpu.memory_space<vmem>> -> memref<1024xf32, #tpu.memory_space<vmem>>
      %dma_start3A_185 = tpu.memref_slice %arg8[%add3A_41] : memref<262144xf32, #tpu.memory_space<vmem_shared>> -> memref<1024xf32, #tpu.memory_space<vmem_shared>>
      tpu.enqueue_dma source(%dma_start3A_185 : memref<1024xf32, #tpu.memory_space<vmem_shared>>) target(%dma_start3A_184 : memref<1024xf32, #tpu.memory_space<vmem>>) target_semaphore(%run_scoped3A_177 : memref<!tpu.dma_semaphore, #tpu.memory_space<semaphore_mem>>)
      %dma_wait3A = arith.constant 0 : i32
      %dma_wait3A_186 = tpu.memref_slice %arg4[%run_scoped3A_42, %dma_wait3A] : memref<32x1024xf32, #tpu.memory_space<vmem>> -> memref<1x1024xf32, #tpu.memory_space<vmem>>
      %dma_wait3A_187 = tpu.memref_squeeze %dma_wait3A_186 : memref<1x1024xf32, #tpu.memory_space<vmem>> -> memref<1024xf32, #tpu.memory_space<vmem>>
      %dma_wait3A_188 = tpu.memref_slice %arg8[%add3A_41] : memref<262144xf32, #tpu.memory_space<vmem_shared>> -> memref<1024xf32, #tpu.memory_space<vmem_shared>>
      %dma_wait3A_189 = arith.constant 0 : i32
      %dma_wait3A_190 = tpu.memref_slice %arg4[%run_scoped3A_42, %dma_wait3A_189] : memref<32x1024xf32, #tpu.memory_space<vmem>> -> memref<1x1024xf32, #tpu.memory_space<vmem>>
      %dma_wait3A_191 = tpu.memref_squeeze %dma_wait3A_190 : memref<1x1024xf32, #tpu.memory_space<vmem>> -> memref<1024xf32, #tpu.memory_space<vmem>>
      %dma_wait3A_192 = tpu.memref_slice %arg8[%add3A_41] : memref<262144xf32, #tpu.memory_space<vmem_shared>> -> memref<1024xf32, #tpu.memory_space<vmem_shared>>
      tpu.wait_dma2 semaphore(%run_scoped3A_177 : memref<!tpu.dma_semaphore, #tpu.memory_space<semaphore_mem>>) src(%dma_wait3A_192 : memref<1024xf32, #tpu.memory_space<vmem_shared>>) dst(%dma_wait3A_191 : memref<1024xf32, #tpu.memory_space<vmem>>)
      tpu.yield
    }) : () -> ()
    %add3A_43 = arith.constant 81920 : i32
    %add3A_44 = arith.addi %add3A_43, %mul3A_28 : i32
    %run_scoped3A_45 = arith.constant 5 : i32
    "tpu.region"() ({
      %run_scoped3A_177 = tpu.sem_alloc : memref<!tpu.dma_semaphore, #tpu.memory_space<semaphore_mem>>
      %dma_start3A_178 = arith.constant 0 : i32
      %dma_start3A_179 = tpu.memref_slice %arg4[%run_scoped3A_45, %dma_start3A_178] : memref<32x1024xf32, #tpu.memory_space<vmem>> -> memref<1x1024xf32, #tpu.memory_space<vmem>>
      %dma_start3A_180 = tpu.memref_squeeze %dma_start3A_179 : memref<1x1024xf32, #tpu.memory_space<vmem>> -> memref<1024xf32, #tpu.memory_space<vmem>>
      %dma_start3A_181 = tpu.memref_slice %arg8[%add3A_44] : memref<262144xf32, #tpu.memory_space<vmem_shared>> -> memref<1024xf32, #tpu.memory_space<vmem_shared>>
      %dma_start3A_182 = arith.constant 0 : i32
      %dma_start3A_183 = tpu.memref_slice %arg4[%run_scoped3A_45, %dma_start3A_182] : memref<32x1024xf32, #tpu.memory_space<vmem>> -> memref<1x1024xf32, #tpu.memory_space<vmem>>
      %dma_start3A_184 = tpu.memref_squeeze %dma_start3A_183 : memref<1x1024xf32, #tpu.memory_space<vmem>> -> memref<1024xf32, #tpu.memory_space<vmem>>
      %dma_start3A_185 = tpu.memref_slice %arg8[%add3A_44] : memref<262144xf32, #tpu.memory_space<vmem_shared>> -> memref<1024xf32, #tpu.memory_space<vmem_shared>>
      tpu.enqueue_dma source(%dma_start3A_185 : memref<1024xf32, #tpu.memory_space<vmem_shared>>) target(%dma_start3A_184 : memref<1024xf32, #tpu.memory_space<vmem>>) target_semaphore(%run_scoped3A_177 : memref<!tpu.dma_semaphore, #tpu.memory_space<semaphore_mem>>)
      %dma_wait3A = arith.constant 0 : i32
      %dma_wait3A_186 = tpu.memref_slice %arg4[%run_scoped3A_45, %dma_wait3A] : memref<32x1024xf32, #tpu.memory_space<vmem>> -> memref<1x1024xf32, #tpu.memory_space<vmem>>
      %dma_wait3A_187 = tpu.memref_squeeze %dma_wait3A_186 : memref<1x1024xf32, #tpu.memory_space<vmem>> -> memref<1024xf32, #tpu.memory_space<vmem>>
      %dma_wait3A_188 = tpu.memref_slice %arg8[%add3A_44] : memref<262144xf32, #tpu.memory_space<vmem_shared>> -> memref<1024xf32, #tpu.memory_space<vmem_shared>>
      %dma_wait3A_189 = arith.constant 0 : i32
      %dma_wait3A_190 = tpu.memref_slice %arg4[%run_scoped3A_45, %dma_wait3A_189] : memref<32x1024xf32, #tpu.memory_space<vmem>> -> memref<1x1024xf32, #tpu.memory_space<vmem>>
      %dma_wait3A_191 = tpu.memref_squeeze %dma_wait3A_190 : memref<1x1024xf32, #tpu.memory_space<vmem>> -> memref<1024xf32, #tpu.memory_space<vmem>>
      %dma_wait3A_192 = tpu.memref_slice %arg8[%add3A_44] : memref<262144xf32, #tpu.memory_space<vmem_shared>> -> memref<1024xf32, #tpu.memory_space<vmem_shared>>
      tpu.wait_dma2 semaphore(%run_scoped3A_177 : memref<!tpu.dma_semaphore, #tpu.memory_space<semaphore_mem>>) src(%dma_wait3A_192 : memref<1024xf32, #tpu.memory_space<vmem_shared>>) dst(%dma_wait3A_191 : memref<1024xf32, #tpu.memory_space<vmem>>)
      tpu.yield
    }) : () -> ()
    %add3A_46 = arith.constant 98304 : i32
    %add3A_47 = arith.addi %add3A_46, %mul3A_28 : i32
    %run_scoped3A_48 = arith.constant 6 : i32
    "tpu.region"() ({
      %run_scoped3A_177 = tpu.sem_alloc : memref<!tpu.dma_semaphore, #tpu.memory_space<semaphore_mem>>
      %dma_start3A_178 = arith.constant 0 : i32
      %dma_start3A_179 = tpu.memref_slice %arg4[%run_scoped3A_48, %dma_start3A_178] : memref<32x1024xf32, #tpu.memory_space<vmem>> -> memref<1x1024xf32, #tpu.memory_space<vmem>>
      %dma_start3A_180 = tpu.memref_squeeze %dma_start3A_179 : memref<1x1024xf32, #tpu.memory_space<vmem>> -> memref<1024xf32, #tpu.memory_space<vmem>>
      %dma_start3A_181 = tpu.memref_slice %arg8[%add3A_47] : memref<262144xf32, #tpu.memory_space<vmem_shared>> -> memref<1024xf32, #tpu.memory_space<vmem_shared>>
      %dma_start3A_182 = arith.constant 0 : i32
      %dma_start3A_183 = tpu.memref_slice %arg4[%run_scoped3A_48, %dma_start3A_182] : memref<32x1024xf32, #tpu.memory_space<vmem>> -> memref<1x1024xf32, #tpu.memory_space<vmem>>
      %dma_start3A_184 = tpu.memref_squeeze %dma_start3A_183 : memref<1x1024xf32, #tpu.memory_space<vmem>> -> memref<1024xf32, #tpu.memory_space<vmem>>
      %dma_start3A_185 = tpu.memref_slice %arg8[%add3A_47] : memref<262144xf32, #tpu.memory_space<vmem_shared>> -> memref<1024xf32, #tpu.memory_space<vmem_shared>>
      tpu.enqueue_dma source(%dma_start3A_185 : memref<1024xf32, #tpu.memory_space<vmem_shared>>) target(%dma_start3A_184 : memref<1024xf32, #tpu.memory_space<vmem>>) target_semaphore(%run_scoped3A_177 : memref<!tpu.dma_semaphore, #tpu.memory_space<semaphore_mem>>)
      %dma_wait3A = arith.constant 0 : i32
      %dma_wait3A_186 = tpu.memref_slice %arg4[%run_scoped3A_48, %dma_wait3A] : memref<32x1024xf32, #tpu.memory_space<vmem>> -> memref<1x1024xf32, #tpu.memory_space<vmem>>
      %dma_wait3A_187 = tpu.memref_squeeze %dma_wait3A_186 : memref<1x1024xf32, #tpu.memory_space<vmem>> -> memref<1024xf32, #tpu.memory_space<vmem>>
      %dma_wait3A_188 = tpu.memref_slice %arg8[%add3A_47] : memref<262144xf32, #tpu.memory_space<vmem_shared>> -> memref<1024xf32, #tpu.memory_space<vmem_shared>>
      %dma_wait3A_189 = arith.constant 0 : i32
      %dma_wait3A_190 = tpu.memref_slice %arg4[%run_scoped3A_48, %dma_wait3A_189] : memref<32x1024xf32, #tpu.memory_space<vmem>> -> memref<1x1024xf32, #tpu.memory_space<vmem>>
      %dma_wait3A_191 = tpu.memref_squeeze %dma_wait3A_190 : memref<1x1024xf32, #tpu.memory_space<vmem>> -> memref<1024xf32, #tpu.memory_space<vmem>>
      %dma_wait3A_192 = tpu.memref_slice %arg8[%add3A_47] : memref<262144xf32, #tpu.memory_space<vmem_shared>> -> memref<1024xf32, #tpu.memory_space<vmem_shared>>
      tpu.wait_dma2 semaphore(%run_scoped3A_177 : memref<!tpu.dma_semaphore, #tpu.memory_space<semaphore_mem>>) src(%dma_wait3A_192 : memref<1024xf32, #tpu.memory_space<vmem_shared>>) dst(%dma_wait3A_191 : memref<1024xf32, #tpu.memory_space<vmem>>)
      tpu.yield
    }) : () -> ()
    %add3A_49 = arith.constant 114688 : i32
    %add3A_50 = arith.addi %add3A_49, %mul3A_28 : i32
    %run_scoped3A_51 = arith.constant 7 : i32
    "tpu.region"() ({
      %run_scoped3A_177 = tpu.sem_alloc : memref<!tpu.dma_semaphore, #tpu.memory_space<semaphore_mem>>
      %dma_start3A_178 = arith.constant 0 : i32
      %dma_start3A_179 = tpu.memref_slice %arg4[%run_scoped3A_51, %dma_start3A_178] : memref<32x1024xf32, #tpu.memory_space<vmem>> -> memref<1x1024xf32, #tpu.memory_space<vmem>>
      %dma_start3A_180 = tpu.memref_squeeze %dma_start3A_179 : memref<1x1024xf32, #tpu.memory_space<vmem>> -> memref<1024xf32, #tpu.memory_space<vmem>>
      %dma_start3A_181 = tpu.memref_slice %arg8[%add3A_50] : memref<262144xf32, #tpu.memory_space<vmem_shared>> -> memref<1024xf32, #tpu.memory_space<vmem_shared>>
      %dma_start3A_182 = arith.constant 0 : i32
      %dma_start3A_183 = tpu.memref_slice %arg4[%run_scoped3A_51, %dma_start3A_182] : memref<32x1024xf32, #tpu.memory_space<vmem>> -> memref<1x1024xf32, #tpu.memory_space<vmem>>
      %dma_start3A_184 = tpu.memref_squeeze %dma_start3A_183 : memref<1x1024xf32, #tpu.memory_space<vmem>> -> memref<1024xf32, #tpu.memory_space<vmem>>
      %dma_start3A_185 = tpu.memref_slice %arg8[%add3A_50] : memref<262144xf32, #tpu.memory_space<vmem_shared>> -> memref<1024xf32, #tpu.memory_space<vmem_shared>>
      tpu.enqueue_dma source(%dma_start3A_185 : memref<1024xf32, #tpu.memory_space<vmem_shared>>) target(%dma_start3A_184 : memref<1024xf32, #tpu.memory_space<vmem>>) target_semaphore(%run_scoped3A_177 : memref<!tpu.dma_semaphore, #tpu.memory_space<semaphore_mem>>)
      %dma_wait3A = arith.constant 0 : i32
      %dma_wait3A_186 = tpu.memref_slice %arg4[%run_scoped3A_51, %dma_wait3A] : memref<32x1024xf32, #tpu.memory_space<vmem>> -> memref<1x1024xf32, #tpu.memory_space<vmem>>
      %dma_wait3A_187 = tpu.memref_squeeze %dma_wait3A_186 : memref<1x1024xf32, #tpu.memory_space<vmem>> -> memref<1024xf32, #tpu.memory_space<vmem>>
      %dma_wait3A_188 = tpu.memref_slice %arg8[%add3A_50] : memref<262144xf32, #tpu.memory_space<vmem_shared>> -> memref<1024xf32, #tpu.memory_space<vmem_shared>>
      %dma_wait3A_189 = arith.constant 0 : i32
      %dma_wait3A_190 = tpu.memref_slice %arg4[%run_scoped3A_51, %dma_wait3A_189] : memref<32x1024xf32, #tpu.memory_space<vmem>> -> memref<1x1024xf32, #tpu.memory_space<vmem>>
      %dma_wait3A_191 = tpu.memref_squeeze %dma_wait3A_190 : memref<1x1024xf32, #tpu.memory_space<vmem>> -> memref<1024xf32, #tpu.memory_space<vmem>>
      %dma_wait3A_192 = tpu.memref_slice %arg8[%add3A_50] : memref<262144xf32, #tpu.memory_space<vmem_shared>> -> memref<1024xf32, #tpu.memory_space<vmem_shared>>
      tpu.wait_dma2 semaphore(%run_scoped3A_177 : memref<!tpu.dma_semaphore, #tpu.memory_space<semaphore_mem>>) src(%dma_wait3A_192 : memref<1024xf32, #tpu.memory_space<vmem_shared>>) dst(%dma_wait3A_191 : memref<1024xf32, #tpu.memory_space<vmem>>)
      tpu.yield
    }) : () -> ()
    %add3A_52 = arith.constant 131072 : i32
    %add3A_53 = arith.addi %add3A_52, %mul3A_28 : i32
    %run_scoped3A_54 = arith.constant 8 : i32
    "tpu.region"() ({
      %run_scoped3A_177 = tpu.sem_alloc : memref<!tpu.dma_semaphore, #tpu.memory_space<semaphore_mem>>
      %dma_start3A_178 = arith.constant 0 : i32
      %dma_start3A_179 = tpu.memref_slice %arg4[%run_scoped3A_54, %dma_start3A_178] : memref<32x1024xf32, #tpu.memory_space<vmem>> -> memref<1x1024xf32, #tpu.memory_space<vmem>>
      %dma_start3A_180 = tpu.memref_squeeze %dma_start3A_179 : memref<1x1024xf32, #tpu.memory_space<vmem>> -> memref<1024xf32, #tpu.memory_space<vmem>>
      %dma_start3A_181 = tpu.memref_slice %arg8[%add3A_53] : memref<262144xf32, #tpu.memory_space<vmem_shared>> -> memref<1024xf32, #tpu.memory_space<vmem_shared>>
      %dma_start3A_182 = arith.constant 0 : i32
      %dma_start3A_183 = tpu.memref_slice %arg4[%run_scoped3A_54, %dma_start3A_182] : memref<32x1024xf32, #tpu.memory_space<vmem>> -> memref<1x1024xf32, #tpu.memory_space<vmem>>
      %dma_start3A_184 = tpu.memref_squeeze %dma_start3A_183 : memref<1x1024xf32, #tpu.memory_space<vmem>> -> memref<1024xf32, #tpu.memory_space<vmem>>
      %dma_start3A_185 = tpu.memref_slice %arg8[%add3A_53] : memref<262144xf32, #tpu.memory_space<vmem_shared>> -> memref<1024xf32, #tpu.memory_space<vmem_shared>>
      tpu.enqueue_dma source(%dma_start3A_185 : memref<1024xf32, #tpu.memory_space<vmem_shared>>) target(%dma_start3A_184 : memref<1024xf32, #tpu.memory_space<vmem>>) target_semaphore(%run_scoped3A_177 : memref<!tpu.dma_semaphore, #tpu.memory_space<semaphore_mem>>)
      %dma_wait3A = arith.constant 0 : i32
      %dma_wait3A_186 = tpu.memref_slice %arg4[%run_scoped3A_54, %dma_wait3A] : memref<32x1024xf32, #tpu.memory_space<vmem>> -> memref<1x1024xf32, #tpu.memory_space<vmem>>
      %dma_wait3A_187 = tpu.memref_squeeze %dma_wait3A_186 : memref<1x1024xf32, #tpu.memory_space<vmem>> -> memref<1024xf32, #tpu.memory_space<vmem>>
      %dma_wait3A_188 = tpu.memref_slice %arg8[%add3A_53] : memref<262144xf32, #tpu.memory_space<vmem_shared>> -> memref<1024xf32, #tpu.memory_space<vmem_shared>>
      %dma_wait3A_189 = arith.constant 0 : i32
      %dma_wait3A_190 = tpu.memref_slice %arg4[%run_scoped3A_54, %dma_wait3A_189] : memref<32x1024xf32, #tpu.memory_space<vmem>> -> memref<1x1024xf32, #tpu.memory_space<vmem>>
      %dma_wait3A_191 = tpu.memref_squeeze %dma_wait3A_190 : memref<1x1024xf32, #tpu.memory_space<vmem>> -> memref<1024xf32, #tpu.memory_space<vmem>>
      %dma_wait3A_192 = tpu.memref_slice %arg8[%add3A_53] : memref<262144xf32, #tpu.memory_space<vmem_shared>> -> memref<1024xf32, #tpu.memory_space<vmem_shared>>
      tpu.wait_dma2 semaphore(%run_scoped3A_177 : memref<!tpu.dma_semaphore, #tpu.memory_space<semaphore_mem>>) src(%dma_wait3A_192 : memref<1024xf32, #tpu.memory_space<vmem_shared>>) dst(%dma_wait3A_191 : memref<1024xf32, #tpu.memory_space<vmem>>)
      tpu.yield
    }) : () -> ()
    %add3A_55 = arith.constant 147456 : i32
    %add3A_56 = arith.addi %add3A_55, %mul3A_28 : i32
    %run_scoped3A_57 = arith.constant 9 : i32
    "tpu.region"() ({
      %run_scoped3A_177 = tpu.sem_alloc : memref<!tpu.dma_semaphore, #tpu.memory_space<semaphore_mem>>
      %dma_start3A_178 = arith.constant 0 : i32
      %dma_start3A_179 = tpu.memref_slice %arg4[%run_scoped3A_57, %dma_start3A_178] : memref<32x1024xf32, #tpu.memory_space<vmem>> -> memref<1x1024xf32, #tpu.memory_space<vmem>>
      %dma_start3A_180 = tpu.memref_squeeze %dma_start3A_179 : memref<1x1024xf32, #tpu.memory_space<vmem>> -> memref<1024xf32, #tpu.memory_space<vmem>>
      %dma_start3A_181 = tpu.memref_slice %arg8[%add3A_56] : memref<262144xf32, #tpu.memory_space<vmem_shared>> -> memref<1024xf32, #tpu.memory_space<vmem_shared>>
      %dma_start3A_182 = arith.constant 0 : i32
      %dma_start3A_183 = tpu.memref_slice %arg4[%run_scoped3A_57, %dma_start3A_182] : memref<32x1024xf32, #tpu.memory_space<vmem>> -> memref<1x1024xf32, #tpu.memory_space<vmem>>
      %dma_start3A_184 = tpu.memref_squeeze %dma_start3A_183 : memref<1x1024xf32, #tpu.memory_space<vmem>> -> memref<1024xf32, #tpu.memory_space<vmem>>
      %dma_start3A_185 = tpu.memref_slice %arg8[%add3A_56] : memref<262144xf32, #tpu.memory_space<vmem_shared>> -> memref<1024xf32, #tpu.memory_space<vmem_shared>>
      tpu.enqueue_dma source(%dma_start3A_185 : memref<1024xf32, #tpu.memory_space<vmem_shared>>) target(%dma_start3A_184 : memref<1024xf32, #tpu.memory_space<vmem>>) target_semaphore(%run_scoped3A_177 : memref<!tpu.dma_semaphore, #tpu.memory_space<semaphore_mem>>)
      %dma_wait3A = arith.constant 0 : i32
      %dma_wait3A_186 = tpu.memref_slice %arg4[%run_scoped3A_57, %dma_wait3A] : memref<32x1024xf32, #tpu.memory_space<vmem>> -> memref<1x1024xf32, #tpu.memory_space<vmem>>
      %dma_wait3A_187 = tpu.memref_squeeze %dma_wait3A_186 : memref<1x1024xf32, #tpu.memory_space<vmem>> -> memref<1024xf32, #tpu.memory_space<vmem>>
      %dma_wait3A_188 = tpu.memref_slice %arg8[%add3A_56] : memref<262144xf32, #tpu.memory_space<vmem_shared>> -> memref<1024xf32, #tpu.memory_space<vmem_shared>>
      %dma_wait3A_189 = arith.constant 0 : i32
      %dma_wait3A_190 = tpu.memref_slice %arg4[%run_scoped3A_57, %dma_wait3A_189] : memref<32x1024xf32, #tpu.memory_space<vmem>> -> memref<1x1024xf32, #tpu.memory_space<vmem>>
      %dma_wait3A_191 = tpu.memref_squeeze %dma_wait3A_190 : memref<1x1024xf32, #tpu.memory_space<vmem>> -> memref<1024xf32, #tpu.memory_space<vmem>>
      %dma_wait3A_192 = tpu.memref_slice %arg8[%add3A_56] : memref<262144xf32, #tpu.memory_space<vmem_shared>> -> memref<1024xf32, #tpu.memory_space<vmem_shared>>
      tpu.wait_dma2 semaphore(%run_scoped3A_177 : memref<!tpu.dma_semaphore, #tpu.memory_space<semaphore_mem>>) src(%dma_wait3A_192 : memref<1024xf32, #tpu.memory_space<vmem_shared>>) dst(%dma_wait3A_191 : memref<1024xf32, #tpu.memory_space<vmem>>)
      tpu.yield
    }) : () -> ()
    %add3A_58 = arith.constant 163840 : i32
    %add3A_59 = arith.addi %add3A_58, %mul3A_28 : i32
    %run_scoped3A_60 = arith.constant 10 : i32
    "tpu.region"() ({
      %run_scoped3A_177 = tpu.sem_alloc : memref<!tpu.dma_semaphore, #tpu.memory_space<semaphore_mem>>
      %dma_start3A_178 = arith.constant 0 : i32
      %dma_start3A_179 = tpu.memref_slice %arg4[%run_scoped3A_60, %dma_start3A_178] : memref<32x1024xf32, #tpu.memory_space<vmem>> -> memref<1x1024xf32, #tpu.memory_space<vmem>>
      %dma_start3A_180 = tpu.memref_squeeze %dma_start3A_179 : memref<1x1024xf32, #tpu.memory_space<vmem>> -> memref<1024xf32, #tpu.memory_space<vmem>>
      %dma_start3A_181 = tpu.memref_slice %arg8[%add3A_59] : memref<262144xf32, #tpu.memory_space<vmem_shared>> -> memref<1024xf32, #tpu.memory_space<vmem_shared>>
      %dma_start3A_182 = arith.constant 0 : i32
      %dma_start3A_183 = tpu.memref_slice %arg4[%run_scoped3A_60, %dma_start3A_182] : memref<32x1024xf32, #tpu.memory_space<vmem>> -> memref<1x1024xf32, #tpu.memory_space<vmem>>
      %dma_start3A_184 = tpu.memref_squeeze %dma_start3A_183 : memref<1x1024xf32, #tpu.memory_space<vmem>> -> memref<1024xf32, #tpu.memory_space<vmem>>
      %dma_start3A_185 = tpu.memref_slice %arg8[%add3A_59] : memref<262144xf32, #tpu.memory_space<vmem_shared>> -> memref<1024xf32, #tpu.memory_space<vmem_shared>>
      tpu.enqueue_dma source(%dma_start3A_185 : memref<1024xf32, #tpu.memory_space<vmem_shared>>) target(%dma_start3A_184 : memref<1024xf32, #tpu.memory_space<vmem>>) target_semaphore(%run_scoped3A_177 : memref<!tpu.dma_semaphore, #tpu.memory_space<semaphore_mem>>)
      %dma_wait3A = arith.constant 0 : i32
      %dma_wait3A_186 = tpu.memref_slice %arg4[%run_scoped3A_60, %dma_wait3A] : memref<32x1024xf32, #tpu.memory_space<vmem>> -> memref<1x1024xf32, #tpu.memory_space<vmem>>
      %dma_wait3A_187 = tpu.memref_squeeze %dma_wait3A_186 : memref<1x1024xf32, #tpu.memory_space<vmem>> -> memref<1024xf32, #tpu.memory_space<vmem>>
      %dma_wait3A_188 = tpu.memref_slice %arg8[%add3A_59] : memref<262144xf32, #tpu.memory_space<vmem_shared>> -> memref<1024xf32, #tpu.memory_space<vmem_shared>>
      %dma_wait3A_189 = arith.constant 0 : i32
      %dma_wait3A_190 = tpu.memref_slice %arg4[%run_scoped3A_60, %dma_wait3A_189] : memref<32x1024xf32, #tpu.memory_space<vmem>> -> memref<1x1024xf32, #tpu.memory_space<vmem>>
      %dma_wait3A_191 = tpu.memref_squeeze %dma_wait3A_190 : memref<1x1024xf32, #tpu.memory_space<vmem>> -> memref<1024xf32, #tpu.memory_space<vmem>>
      %dma_wait3A_192 = tpu.memref_slice %arg8[%add3A_59] : memref<262144xf32, #tpu.memory_space<vmem_shared>> -> memref<1024xf32, #tpu.memory_space<vmem_shared>>
      tpu.wait_dma2 semaphore(%run_scoped3A_177 : memref<!tpu.dma_semaphore, #tpu.memory_space<semaphore_mem>>) src(%dma_wait3A_192 : memref<1024xf32, #tpu.memory_space<vmem_shared>>) dst(%dma_wait3A_191 : memref<1024xf32, #tpu.memory_space<vmem>>)
      tpu.yield
    }) : () -> ()
    %add3A_61 = arith.constant 180224 : i32
    %add3A_62 = arith.addi %add3A_61, %mul3A_28 : i32
    %run_scoped3A_63 = arith.constant 11 : i32
    "tpu.region"() ({
      %run_scoped3A_177 = tpu.sem_alloc : memref<!tpu.dma_semaphore, #tpu.memory_space<semaphore_mem>>
      %dma_start3A_178 = arith.constant 0 : i32
      %dma_start3A_179 = tpu.memref_slice %arg4[%run_scoped3A_63, %dma_start3A_178] : memref<32x1024xf32, #tpu.memory_space<vmem>> -> memref<1x1024xf32, #tpu.memory_space<vmem>>
      %dma_start3A_180 = tpu.memref_squeeze %dma_start3A_179 : memref<1x1024xf32, #tpu.memory_space<vmem>> -> memref<1024xf32, #tpu.memory_space<vmem>>
      %dma_start3A_181 = tpu.memref_slice %arg8[%add3A_62] : memref<262144xf32, #tpu.memory_space<vmem_shared>> -> memref<1024xf32, #tpu.memory_space<vmem_shared>>
      %dma_start3A_182 = arith.constant 0 : i32
      %dma_start3A_183 = tpu.memref_slice %arg4[%run_scoped3A_63, %dma_start3A_182] : memref<32x1024xf32, #tpu.memory_space<vmem>> -> memref<1x1024xf32, #tpu.memory_space<vmem>>
      %dma_start3A_184 = tpu.memref_squeeze %dma_start3A_183 : memref<1x1024xf32, #tpu.memory_space<vmem>> -> memref<1024xf32, #tpu.memory_space<vmem>>
      %dma_start3A_185 = tpu.memref_slice %arg8[%add3A_62] : memref<262144xf32, #tpu.memory_space<vmem_shared>> -> memref<1024xf32, #tpu.memory_space<vmem_shared>>
      tpu.enqueue_dma source(%dma_start3A_185 : memref<1024xf32, #tpu.memory_space<vmem_shared>>) target(%dma_start3A_184 : memref<1024xf32, #tpu.memory_space<vmem>>) target_semaphore(%run_scoped3A_177 : memref<!tpu.dma_semaphore, #tpu.memory_space<semaphore_mem>>)
      %dma_wait3A = arith.constant 0 : i32
      %dma_wait3A_186 = tpu.memref_slice %arg4[%run_scoped3A_63, %dma_wait3A] : memref<32x1024xf32, #tpu.memory_space<vmem>> -> memref<1x1024xf32, #tpu.memory_space<vmem>>
      %dma_wait3A_187 = tpu.memref_squeeze %dma_wait3A_186 : memref<1x1024xf32, #tpu.memory_space<vmem>> -> memref<1024xf32, #tpu.memory_space<vmem>>
      %dma_wait3A_188 = tpu.memref_slice %arg8[%add3A_62] : memref<262144xf32, #tpu.memory_space<vmem_shared>> -> memref<1024xf32, #tpu.memory_space<vmem_shared>>
      %dma_wait3A_189 = arith.constant 0 : i32
      %dma_wait3A_190 = tpu.memref_slice %arg4[%run_scoped3A_63, %dma_wait3A_189] : memref<32x1024xf32, #tpu.memory_space<vmem>> -> memref<1x1024xf32, #tpu.memory_space<vmem>>
      %dma_wait3A_191 = tpu.memref_squeeze %dma_wait3A_190 : memref<1x1024xf32, #tpu.memory_space<vmem>> -> memref<1024xf32, #tpu.memory_space<vmem>>
      %dma_wait3A_192 = tpu.memref_slice %arg8[%add3A_62] : memref<262144xf32, #tpu.memory_space<vmem_shared>> -> memref<1024xf32, #tpu.memory_space<vmem_shared>>
      tpu.wait_dma2 semaphore(%run_scoped3A_177 : memref<!tpu.dma_semaphore, #tpu.memory_space<semaphore_mem>>) src(%dma_wait3A_192 : memref<1024xf32, #tpu.memory_space<vmem_shared>>) dst(%dma_wait3A_191 : memref<1024xf32, #tpu.memory_space<vmem>>)
      tpu.yield
    }) : () -> ()
    %add3A_64 = arith.constant 196608 : i32
    %add3A_65 = arith.addi %add3A_64, %mul3A_28 : i32
    %run_scoped3A_66 = arith.constant 12 : i32
    "tpu.region"() ({
      %run_scoped3A_177 = tpu.sem_alloc : memref<!tpu.dma_semaphore, #tpu.memory_space<semaphore_mem>>
      %dma_start3A_178 = arith.constant 0 : i32
      %dma_start3A_179 = tpu.memref_slice %arg4[%run_scoped3A_66, %dma_start3A_178] : memref<32x1024xf32, #tpu.memory_space<vmem>> -> memref<1x1024xf32, #tpu.memory_space<vmem>>
      %dma_start3A_180 = tpu.memref_squeeze %dma_start3A_179 : memref<1x1024xf32, #tpu.memory_space<vmem>> -> memref<1024xf32, #tpu.memory_space<vmem>>
      %dma_start3A_181 = tpu.memref_slice %arg8[%add3A_65] : memref<262144xf32, #tpu.memory_space<vmem_shared>> -> memref<1024xf32, #tpu.memory_space<vmem_shared>>
      %dma_start3A_182 = arith.constant 0 : i32
      %dma_start3A_183 = tpu.memref_slice %arg4[%run_scoped3A_66, %dma_start3A_182] : memref<32x1024xf32, #tpu.memory_space<vmem>> -> memref<1x1024xf32, #tpu.memory_space<vmem>>
      %dma_start3A_184 = tpu.memref_squeeze %dma_start3A_183 : memref<1x1024xf32, #tpu.memory_space<vmem>> -> memref<1024xf32, #tpu.memory_space<vmem>>
      %dma_start3A_185 = tpu.memref_slice %arg8[%add3A_65] : memref<262144xf32, #tpu.memory_space<vmem_shared>> -> memref<1024xf32, #tpu.memory_space<vmem_shared>>
      tpu.enqueue_dma source(%dma_start3A_185 : memref<1024xf32, #tpu.memory_space<vmem_shared>>) target(%dma_start3A_184 : memref<1024xf32, #tpu.memory_space<vmem>>) target_semaphore(%run_scoped3A_177 : memref<!tpu.dma_semaphore, #tpu.memory_space<semaphore_mem>>)
      %dma_wait3A = arith.constant 0 : i32
      %dma_wait3A_186 = tpu.memref_slice %arg4[%run_scoped3A_66, %dma_wait3A] : memref<32x1024xf32, #tpu.memory_space<vmem>> -> memref<1x1024xf32, #tpu.memory_space<vmem>>
      %dma_wait3A_187 = tpu.memref_squeeze %dma_wait3A_186 : memref<1x1024xf32, #tpu.memory_space<vmem>> -> memref<1024xf32, #tpu.memory_space<vmem>>
      %dma_wait3A_188 = tpu.memref_slice %arg8[%add3A_65] : memref<262144xf32, #tpu.memory_space<vmem_shared>> -> memref<1024xf32, #tpu.memory_space<vmem_shared>>
      %dma_wait3A_189 = arith.constant 0 : i32
      %dma_wait3A_190 = tpu.memref_slice %arg4[%run_scoped3A_66, %dma_wait3A_189] : memref<32x1024xf32, #tpu.memory_space<vmem>> -> memref<1x1024xf32, #tpu.memory_space<vmem>>
      %dma_wait3A_191 = tpu.memref_squeeze %dma_wait3A_190 : memref<1x1024xf32, #tpu.memory_space<vmem>> -> memref<1024xf32, #tpu.memory_space<vmem>>
      %dma_wait3A_192 = tpu.memref_slice %arg8[%add3A_65] : memref<262144xf32, #tpu.memory_space<vmem_shared>> -> memref<1024xf32, #tpu.memory_space<vmem_shared>>
      tpu.wait_dma2 semaphore(%run_scoped3A_177 : memref<!tpu.dma_semaphore, #tpu.memory_space<semaphore_mem>>) src(%dma_wait3A_192 : memref<1024xf32, #tpu.memory_space<vmem_shared>>) dst(%dma_wait3A_191 : memref<1024xf32, #tpu.memory_space<vmem>>)
      tpu.yield
    }) : () -> ()
    %add3A_67 = arith.constant 212992 : i32
    %add3A_68 = arith.addi %add3A_67, %mul3A_28 : i32
    %run_scoped3A_69 = arith.constant 13 : i32
    "tpu.region"() ({
      %run_scoped3A_177 = tpu.sem_alloc : memref<!tpu.dma_semaphore, #tpu.memory_space<semaphore_mem>>
      %dma_start3A_178 = arith.constant 0 : i32
      %dma_start3A_179 = tpu.memref_slice %arg4[%run_scoped3A_69, %dma_start3A_178] : memref<32x1024xf32, #tpu.memory_space<vmem>> -> memref<1x1024xf32, #tpu.memory_space<vmem>>
      %dma_start3A_180 = tpu.memref_squeeze %dma_start3A_179 : memref<1x1024xf32, #tpu.memory_space<vmem>> -> memref<1024xf32, #tpu.memory_space<vmem>>
      %dma_start3A_181 = tpu.memref_slice %arg8[%add3A_68] : memref<262144xf32, #tpu.memory_space<vmem_shared>> -> memref<1024xf32, #tpu.memory_space<vmem_shared>>
      %dma_start3A_182 = arith.constant 0 : i32
      %dma_start3A_183 = tpu.memref_slice %arg4[%run_scoped3A_69, %dma_start3A_182] : memref<32x1024xf32, #tpu.memory_space<vmem>> -> memref<1x1024xf32, #tpu.memory_space<vmem>>
      %dma_start3A_184 = tpu.memref_squeeze %dma_start3A_183 : memref<1x1024xf32, #tpu.memory_space<vmem>> -> memref<1024xf32, #tpu.memory_space<vmem>>
      %dma_start3A_185 = tpu.memref_slice %arg8[%add3A_68] : memref<262144xf32, #tpu.memory_space<vmem_shared>> -> memref<1024xf32, #tpu.memory_space<vmem_shared>>
      tpu.enqueue_dma source(%dma_start3A_185 : memref<1024xf32, #tpu.memory_space<vmem_shared>>) target(%dma_start3A_184 : memref<1024xf32, #tpu.memory_space<vmem>>) target_semaphore(%run_scoped3A_177 : memref<!tpu.dma_semaphore, #tpu.memory_space<semaphore_mem>>)
      %dma_wait3A = arith.constant 0 : i32
      %dma_wait3A_186 = tpu.memref_slice %arg4[%run_scoped3A_69, %dma_wait3A] : memref<32x1024xf32, #tpu.memory_space<vmem>> -> memref<1x1024xf32, #tpu.memory_space<vmem>>
      %dma_wait3A_187 = tpu.memref_squeeze %dma_wait3A_186 : memref<1x1024xf32, #tpu.memory_space<vmem>> -> memref<1024xf32, #tpu.memory_space<vmem>>
      %dma_wait3A_188 = tpu.memref_slice %arg8[%add3A_68] : memref<262144xf32, #tpu.memory_space<vmem_shared>> -> memref<1024xf32, #tpu.memory_space<vmem_shared>>
      %dma_wait3A_189 = arith.constant 0 : i32
      %dma_wait3A_190 = tpu.memref_slice %arg4[%run_scoped3A_69, %dma_wait3A_189] : memref<32x1024xf32, #tpu.memory_space<vmem>> -> memref<1x1024xf32, #tpu.memory_space<vmem>>
      %dma_wait3A_191 = tpu.memref_squeeze %dma_wait3A_190 : memref<1x1024xf32, #tpu.memory_space<vmem>> -> memref<1024xf32, #tpu.memory_space<vmem>>
      %dma_wait3A_192 = tpu.memref_slice %arg8[%add3A_68] : memref<262144xf32, #tpu.memory_space<vmem_shared>> -> memref<1024xf32, #tpu.memory_space<vmem_shared>>
      tpu.wait_dma2 semaphore(%run_scoped3A_177 : memref<!tpu.dma_semaphore, #tpu.memory_space<semaphore_mem>>) src(%dma_wait3A_192 : memref<1024xf32, #tpu.memory_space<vmem_shared>>) dst(%dma_wait3A_191 : memref<1024xf32, #tpu.memory_space<vmem>>)
      tpu.yield
    }) : () -> ()
    %add3A_70 = arith.constant 229376 : i32
    %add3A_71 = arith.addi %add3A_70, %mul3A_28 : i32
    %run_scoped3A_72 = arith.constant 14 : i32
    "tpu.region"() ({
      %run_scoped3A_177 = tpu.sem_alloc : memref<!tpu.dma_semaphore, #tpu.memory_space<semaphore_mem>>
      %dma_start3A_178 = arith.constant 0 : i32
      %dma_start3A_179 = tpu.memref_slice %arg4[%run_scoped3A_72, %dma_start3A_178] : memref<32x1024xf32, #tpu.memory_space<vmem>> -> memref<1x1024xf32, #tpu.memory_space<vmem>>
      %dma_start3A_180 = tpu.memref_squeeze %dma_start3A_179 : memref<1x1024xf32, #tpu.memory_space<vmem>> -> memref<1024xf32, #tpu.memory_space<vmem>>
      %dma_start3A_181 = tpu.memref_slice %arg8[%add3A_71] : memref<262144xf32, #tpu.memory_space<vmem_shared>> -> memref<1024xf32, #tpu.memory_space<vmem_shared>>
      %dma_start3A_182 = arith.constant 0 : i32
      %dma_start3A_183 = tpu.memref_slice %arg4[%run_scoped3A_72, %dma_start3A_182] : memref<32x1024xf32, #tpu.memory_space<vmem>> -> memref<1x1024xf32, #tpu.memory_space<vmem>>
      %dma_start3A_184 = tpu.memref_squeeze %dma_start3A_183 : memref<1x1024xf32, #tpu.memory_space<vmem>> -> memref<1024xf32, #tpu.memory_space<vmem>>
      %dma_start3A_185 = tpu.memref_slice %arg8[%add3A_71] : memref<262144xf32, #tpu.memory_space<vmem_shared>> -> memref<1024xf32, #tpu.memory_space<vmem_shared>>
      tpu.enqueue_dma source(%dma_start3A_185 : memref<1024xf32, #tpu.memory_space<vmem_shared>>) target(%dma_start3A_184 : memref<1024xf32, #tpu.memory_space<vmem>>) target_semaphore(%run_scoped3A_177 : memref<!tpu.dma_semaphore, #tpu.memory_space<semaphore_mem>>)
      %dma_wait3A = arith.constant 0 : i32
      %dma_wait3A_186 = tpu.memref_slice %arg4[%run_scoped3A_72, %dma_wait3A] : memref<32x1024xf32, #tpu.memory_space<vmem>> -> memref<1x1024xf32, #tpu.memory_space<vmem>>
      %dma_wait3A_187 = tpu.memref_squeeze %dma_wait3A_186 : memref<1x1024xf32, #tpu.memory_space<vmem>> -> memref<1024xf32, #tpu.memory_space<vmem>>
      %dma_wait3A_188 = tpu.memref_slice %arg8[%add3A_71] : memref<262144xf32, #tpu.memory_space<vmem_shared>> -> memref<1024xf32, #tpu.memory_space<vmem_shared>>
      %dma_wait3A_189 = arith.constant 0 : i32
      %dma_wait3A_190 = tpu.memref_slice %arg4[%run_scoped3A_72, %dma_wait3A_189] : memref<32x1024xf32, #tpu.memory_space<vmem>> -> memref<1x1024xf32, #tpu.memory_space<vmem>>
      %dma_wait3A_191 = tpu.memref_squeeze %dma_wait3A_190 : memref<1x1024xf32, #tpu.memory_space<vmem>> -> memref<1024xf32, #tpu.memory_space<vmem>>
      %dma_wait3A_192 = tpu.memref_slice %arg8[%add3A_71] : memref<262144xf32, #tpu.memory_space<vmem_shared>> -> memref<1024xf32, #tpu.memory_space<vmem_shared>>
      tpu.wait_dma2 semaphore(%run_scoped3A_177 : memref<!tpu.dma_semaphore, #tpu.memory_space<semaphore_mem>>) src(%dma_wait3A_192 : memref<1024xf32, #tpu.memory_space<vmem_shared>>) dst(%dma_wait3A_191 : memref<1024xf32, #tpu.memory_space<vmem>>)
      tpu.yield
    }) : () -> ()
    %add3A_73 = arith.constant 245760 : i32
    %add3A_74 = arith.addi %add3A_73, %mul3A_28 : i32
    %run_scoped3A_75 = arith.constant 15 : i32
    "tpu.region"() ({
      %run_scoped3A_177 = tpu.sem_alloc : memref<!tpu.dma_semaphore, #tpu.memory_space<semaphore_mem>>
      %dma_start3A_178 = arith.constant 0 : i32
      %dma_start3A_179 = tpu.memref_slice %arg4[%run_scoped3A_75, %dma_start3A_178] : memref<32x1024xf32, #tpu.memory_space<vmem>> -> memref<1x1024xf32, #tpu.memory_space<vmem>>
      %dma_start3A_180 = tpu.memref_squeeze %dma_start3A_179 : memref<1x1024xf32, #tpu.memory_space<vmem>> -> memref<1024xf32, #tpu.memory_space<vmem>>
      %dma_start3A_181 = tpu.memref_slice %arg8[%add3A_74] : memref<262144xf32, #tpu.memory_space<vmem_shared>> -> memref<1024xf32, #tpu.memory_space<vmem_shared>>
      %dma_start3A_182 = arith.constant 0 : i32
      %dma_start3A_183 = tpu.memref_slice %arg4[%run_scoped3A_75, %dma_start3A_182] : memref<32x1024xf32, #tpu.memory_space<vmem>> -> memref<1x1024xf32, #tpu.memory_space<vmem>>
      %dma_start3A_184 = tpu.memref_squeeze %dma_start3A_183 : memref<1x1024xf32, #tpu.memory_space<vmem>> -> memref<1024xf32, #tpu.memory_space<vmem>>
      %dma_start3A_185 = tpu.memref_slice %arg8[%add3A_74] : memref<262144xf32, #tpu.memory_space<vmem_shared>> -> memref<1024xf32, #tpu.memory_space<vmem_shared>>
      tpu.enqueue_dma source(%dma_start3A_185 : memref<1024xf32, #tpu.memory_space<vmem_shared>>) target(%dma_start3A_184 : memref<1024xf32, #tpu.memory_space<vmem>>) target_semaphore(%run_scoped3A_177 : memref<!tpu.dma_semaphore, #tpu.memory_space<semaphore_mem>>)
      %dma_wait3A = arith.constant 0 : i32
      %dma_wait3A_186 = tpu.memref_slice %arg4[%run_scoped3A_75, %dma_wait3A] : memref<32x1024xf32, #tpu.memory_space<vmem>> -> memref<1x1024xf32, #tpu.memory_space<vmem>>
      %dma_wait3A_187 = tpu.memref_squeeze %dma_wait3A_186 : memref<1x1024xf32, #tpu.memory_space<vmem>> -> memref<1024xf32, #tpu.memory_space<vmem>>
      %dma_wait3A_188 = tpu.memref_slice %arg8[%add3A_74] : memref<262144xf32, #tpu.memory_space<vmem_shared>> -> memref<1024xf32, #tpu.memory_space<vmem_shared>>
      %dma_wait3A_189 = arith.constant 0 : i32
      %dma_wait3A_190 = tpu.memref_slice %arg4[%run_scoped3A_75, %dma_wait3A_189] : memref<32x1024xf32, #tpu.memory_space<vmem>> -> memref<1x1024xf32, #tpu.memory_space<vmem>>
      %dma_wait3A_191 = tpu.memref_squeeze %dma_wait3A_190 : memref<1x1024xf32, #tpu.memory_space<vmem>> -> memref<1024xf32, #tpu.memory_space<vmem>>
      %dma_wait3A_192 = tpu.memref_slice %arg8[%add3A_74] : memref<262144xf32, #tpu.memory_space<vmem_shared>> -> memref<1024xf32, #tpu.memory_space<vmem_shared>>
      tpu.wait_dma2 semaphore(%run_scoped3A_177 : memref<!tpu.dma_semaphore, #tpu.memory_space<semaphore_mem>>) src(%dma_wait3A_192 : memref<1024xf32, #tpu.memory_space<vmem_shared>>) dst(%dma_wait3A_191 : memref<1024xf32, #tpu.memory_space<vmem>>)
      tpu.yield
    }) : () -> ()
    %eq3A = arith.constant 0 : i32
    %eq3A_76 = arith.cmpi eq, %arg1, %eq3A : i32
    %jit3A = arith.constant 9.765625E-4 : f32
    %jit3A_77 = arith.constant 0.000000e+00 : f32
    %select_n3A = arith.select %eq3A_76, %jit3A, %jit3A_77 : f32
    %add3A_78 = arith.constant 0.000000e+00 : f32
    %add3A_79 = arith.addf %add3A_78, %select_n3A : f32
    %eq3A_80 = arith.constant 1 : i32
    %eq3A_81 = arith.cmpi eq, %arg1, %eq3A_80 : i32
    %jit3A_82 = arith.constant 3.25520843E-4 : f32
    %jit3A_83 = arith.constant 0.000000e+00 : f32
    %select_n3A_84 = arith.select %eq3A_81, %jit3A_82, %jit3A_83 : f32
    %add3A_85 = arith.addf %add3A_79, %select_n3A_84 : f32
    %eq3A_86 = arith.constant 2 : i32
    %eq3A_87 = arith.cmpi eq, %arg1, %eq3A_86 : i32
    %jit3A_88 = arith.constant 4.8828125E-4 : f32
    %jit3A_89 = arith.constant 0.000000e+00 : f32
    %select_n3A_90 = arith.select %eq3A_87, %jit3A_88, %jit3A_89 : f32
    %add3A_91 = arith.addf %add3A_85, %select_n3A_90 : f32
    %eq3A_92 = arith.constant 3 : i32
    %eq3A_93 = arith.cmpi eq, %arg1, %eq3A_92 : i32
    %jit3A_94 = arith.constant 4.8828125E-4 : f32
    %jit3A_95 = arith.constant 0.000000e+00 : f32
    %select_n3A_96 = arith.select %eq3A_93, %jit3A_94, %jit3A_95 : f32
    %add3A_97 = arith.addf %add3A_91, %select_n3A_96 : f32
    %eq3A_98 = arith.constant 4 : i32
    %eq3A_99 = arith.cmpi eq, %arg1, %eq3A_98 : i32
    %jit3A_100 = arith.constant 0.001953125 : f32
    %jit3A_101 = arith.constant 0.000000e+00 : f32
    %select_n3A_102 = arith.select %eq3A_99, %jit3A_100, %jit3A_101 : f32
    %add3A_103 = arith.addf %add3A_97, %select_n3A_102 : f32
    %eq3A_104 = arith.constant 5 : i32
    %eq3A_105 = arith.cmpi eq, %arg1, %eq3A_104 : i32
    %jit3A_106 = arith.constant 2.7901787E-4 : f32
    %jit3A_107 = arith.constant 0.000000e+00 : f32
    %select_n3A_108 = arith.select %eq3A_105, %jit3A_106, %jit3A_107 : f32
    %add3A_109 = arith.addf %add3A_103, %select_n3A_108 : f32
    %eq3A_110 = arith.constant 6 : i32
    %eq3A_111 = arith.cmpi eq, %arg1, %eq3A_110 : i32
    %jit3A_112 = arith.constant 4.8828125E-4 : f32
    %jit3A_113 = arith.constant 0.000000e+00 : f32
    %select_n3A_114 = arith.select %eq3A_111, %jit3A_112, %jit3A_113 : f32
    %add3A_115 = arith.addf %add3A_109, %select_n3A_114 : f32
    %eq3A_116 = arith.constant 7 : i32
    %eq3A_117 = arith.cmpi eq, %arg1, %eq3A_116 : i32
    %jit3A_118 = arith.constant 4.8828125E-4 : f32
    %jit3A_119 = arith.constant 0.000000e+00 : f32
    %select_n3A_120 = arith.select %eq3A_117, %jit3A_118, %jit3A_119 : f32
    %add3A_121 = arith.addf %add3A_115, %select_n3A_120 : f32
    %eq3A_122 = arith.constant 8 : i32
    %eq3A_123 = arith.cmpi eq, %arg1, %eq3A_122 : i32
    %jit3A_124 = arith.constant 9.765625E-4 : f32
    %jit3A_125 = arith.constant 0.000000e+00 : f32
    %select_n3A_126 = arith.select %eq3A_123, %jit3A_124, %jit3A_125 : f32
    %add3A_127 = arith.addf %add3A_121, %select_n3A_126 : f32
    %eq3A_128 = arith.constant 9 : i32
    %eq3A_129 = arith.cmpi eq, %arg1, %eq3A_128 : i32
    %jit3A_130 = arith.constant 3.25520843E-4 : f32
    %jit3A_131 = arith.constant 0.000000e+00 : f32
    %select_n3A_132 = arith.select %eq3A_129, %jit3A_130, %jit3A_131 : f32
    %add3A_133 = arith.addf %add3A_127, %select_n3A_132 : f32
    %eq3A_134 = arith.constant 10 : i32
    %eq3A_135 = arith.cmpi eq, %arg1, %eq3A_134 : i32
    %jit3A_136 = arith.constant 2.44140625E-4 : f32
    %jit3A_137 = arith.constant 0.000000e+00 : f32
    %select_n3A_138 = arith.select %eq3A_135, %jit3A_136, %jit3A_137 : f32
    %add3A_139 = arith.addf %add3A_133, %select_n3A_138 : f32
    %eq3A_140 = arith.constant 11 : i32
    %eq3A_141 = arith.cmpi eq, %arg1, %eq3A_140 : i32
    %jit3A_142 = arith.constant 9.765625E-4 : f32
    %jit3A_143 = arith.constant 0.000000e+00 : f32
    %select_n3A_144 = arith.select %eq3A_141, %jit3A_142, %jit3A_143 : f32
    %add3A_145 = arith.addf %add3A_139, %select_n3A_144 : f32
    %eq3A_146 = arith.constant 12 : i32
    %eq3A_147 = arith.cmpi eq, %arg1, %eq3A_146 : i32
    %jit3A_148 = arith.constant 4.8828125E-4 : f32
    %jit3A_149 = arith.constant 0.000000e+00 : f32
    %select_n3A_150 = arith.select %eq3A_147, %jit3A_148, %jit3A_149 : f32
    %add3A_151 = arith.addf %add3A_145, %select_n3A_150 : f32
    %eq3A_152 = arith.constant 13 : i32
    %eq3A_153 = arith.cmpi eq, %arg1, %eq3A_152 : i32
    %jit3A_154 = arith.constant 4.8828125E-4 : f32
    %jit3A_155 = arith.constant 0.000000e+00 : f32
    %select_n3A_156 = arith.select %eq3A_153, %jit3A_154, %jit3A_155 : f32
    %add3A_157 = arith.addf %add3A_151, %select_n3A_156 : f32
    %eq3A_158 = arith.constant 14 : i32
    %eq3A_159 = arith.cmpi eq, %arg1, %eq3A_158 : i32
    %jit3A_160 = arith.constant 6.51041686E-4 : f32
    %jit3A_161 = arith.constant 0.000000e+00 : f32
    %select_n3A_162 = arith.select %eq3A_159, %jit3A_160, %jit3A_161 : f32
    %add3A_163 = arith.addf %add3A_157, %select_n3A_162 : f32
    %eq3A_164 = arith.constant 15 : i32
    %eq3A_165 = arith.cmpi eq, %arg1, %eq3A_164 : i32
    %jit3A_166 = arith.constant 6.51041686E-4 : f32
    %jit3A_167 = arith.constant 0.000000e+00 : f32
    %select_n3A_168 = arith.select %eq3A_165, %jit3A_166, %jit3A_167 : f32
    %add3A_169 = arith.addf %add3A_163, %select_n3A_168 : f32
    %scan3A_170 = arith.constant 0 : i32
    %scan3A_171 = arith.constant 0 : i32
    %scan3A_172 = arith.constant 64 : i32
    %scan3A_173 = arith.addi %scan3A_171, %scan3A_172 : i32
    %scan3A_174 = arith.constant 1 : i32
    %scan3A_175 = scf.for %scan3A_177 = %scan3A_171 to %scan3A_173 step %scan3A_174 iter_args(%scan3A_178 = %scan3A_170) -> (i32)  : i32 {
      %mul3A_179 = arith.constant 16 : i32
      %mul3A_180 = arith.muli %scan3A_177, %mul3A_179 : i32
      %get3A = arith.constant 0 : i32
      %get3A_181 = arith.index_cast %get3A : i32 to index
      %get3A_182 = arith.index_cast %mul3A_180 : i32 to index
      %get3A_183 = tpu.vector_load %arg4[%get3A_181, %get3A_182] {strides = array<i32>} : memref<32x1024xf32, #tpu.memory_space<vmem>>, vector<1x16xf32>,
      %get3A_184 = vector.shape_cast %get3A_183 : vector<1x16xf32> to vector<16xf32>
      %get3A_185 = arith.constant 1 : i32
      %get3A_186 = arith.index_cast %get3A_185 : i32 to index
      %get3A_187 = arith.index_cast %mul3A_180 : i32 to index
      %get3A_188 = tpu.vector_load %arg4[%get3A_186, %get3A_187] {strides = array<i32>} : memref<32x1024xf32, #tpu.memory_space<vmem>>, vector<1x16xf32>,
      %get3A_189 = vector.shape_cast %get3A_188 : vector<1x16xf32> to vector<16xf32>
      %get3A_190 = arith.constant 2 : i32
      %get3A_191 = arith.index_cast %get3A_190 : i32 to index
      %get3A_192 = arith.index_cast %mul3A_180 : i32 to index
      %get3A_193 = tpu.vector_load %arg4[%get3A_191, %get3A_192] {strides = array<i32>} : memref<32x1024xf32, #tpu.memory_space<vmem>>, vector<1x16xf32>,
      %get3A_194 = vector.shape_cast %get3A_193 : vector<1x16xf32> to vector<16xf32>
      %get3A_195 = arith.constant 3 : i32
      %get3A_196 = arith.index_cast %get3A_195 : i32 to index
      %get3A_197 = arith.index_cast %mul3A_180 : i32 to index
      %get3A_198 = tpu.vector_load %arg4[%get3A_196, %get3A_197] {strides = array<i32>} : memref<32x1024xf32, #tpu.memory_space<vmem>>, vector<1x16xf32>,
      %get3A_199 = vector.shape_cast %get3A_198 : vector<1x16xf32> to vector<16xf32>
      %get3A_200 = arith.constant 4 : i32
      %get3A_201 = arith.index_cast %get3A_200 : i32 to index
      %get3A_202 = arith.index_cast %mul3A_180 : i32 to index
      %get3A_203 = tpu.vector_load %arg4[%get3A_201, %get3A_202] {strides = array<i32>} : memref<32x1024xf32, #tpu.memory_space<vmem>>, vector<1x16xf32>,
      %get3A_204 = vector.shape_cast %get3A_203 : vector<1x16xf32> to vector<16xf32>
      %get3A_205 = arith.constant 5 : i32
      %get3A_206 = arith.index_cast %get3A_205 : i32 to index
      %get3A_207 = arith.index_cast %mul3A_180 : i32 to index
      %get3A_208 = tpu.vector_load %arg4[%get3A_206, %get3A_207] {strides = array<i32>} : memref<32x1024xf32, #tpu.memory_space<vmem>>, vector<1x16xf32>,
      %get3A_209 = vector.shape_cast %get3A_208 : vector<1x16xf32> to vector<16xf32>
      %get3A_210 = arith.constant 6 : i32
      %get3A_211 = arith.index_cast %get3A_210 : i32 to index
      %get3A_212 = arith.index_cast %mul3A_180 : i32 to index
      %get3A_213 = tpu.vector_load %arg4[%get3A_211, %get3A_212] {strides = array<i32>} : memref<32x1024xf32, #tpu.memory_space<vmem>>, vector<1x16xf32>,
      %get3A_214 = vector.shape_cast %get3A_213 : vector<1x16xf32> to vector<16xf32>
      %get3A_215 = arith.constant 7 : i32
      %get3A_216 = arith.index_cast %get3A_215 : i32 to index
      %get3A_217 = arith.index_cast %mul3A_180 : i32 to index
      %get3A_218 = tpu.vector_load %arg4[%get3A_216, %get3A_217] {strides = array<i32>} : memref<32x1024xf32, #tpu.memory_space<vmem>>, vector<1x16xf32>,
      %get3A_219 = vector.shape_cast %get3A_218 : vector<1x16xf32> to vector<16xf32>
      %get3A_220 = arith.constant 8 : i32
      %get3A_221 = arith.index_cast %get3A_220 : i32 to index
      %get3A_222 = arith.index_cast %mul3A_180 : i32 to index
      %get3A_223 = tpu.vector_load %arg4[%get3A_221, %get3A_222] {strides = array<i32>} : memref<32x1024xf32, #tpu.memory_space<vmem>>, vector<1x16xf32>,
      %get3A_224 = vector.shape_cast %get3A_223 : vector<1x16xf32> to vector<16xf32>
      %get3A_225 = arith.constant 9 : i32
      %get3A_226 = arith.index_cast %get3A_225 : i32 to index
      %get3A_227 = arith.index_cast %mul3A_180 : i32 to index
      %get3A_228 = tpu.vector_load %arg4[%get3A_226, %get3A_227] {strides = array<i32>} : memref<32x1024xf32, #tpu.memory_space<vmem>>, vector<1x16xf32>,
      %get3A_229 = vector.shape_cast %get3A_228 : vector<1x16xf32> to vector<16xf32>
      %get3A_230 = arith.constant 10 : i32
      %get3A_231 = arith.index_cast %get3A_230 : i32 to index
      %get3A_232 = arith.index_cast %mul3A_180 : i32 to index
      %get3A_233 = tpu.vector_load %arg4[%get3A_231, %get3A_232] {strides = array<i32>} : memref<32x1024xf32, #tpu.memory_space<vmem>>, vector<1x16xf32>,
      %get3A_234 = vector.shape_cast %get3A_233 : vector<1x16xf32> to vector<16xf32>
      %get3A_235 = arith.constant 11 : i32
      %get3A_236 = arith.index_cast %get3A_235 : i32 to index
      %get3A_237 = arith.index_cast %mul3A_180 : i32 to index
      %get3A_238 = tpu.vector_load %arg4[%get3A_236, %get3A_237] {strides = array<i32>} : memref<32x1024xf32, #tpu.memory_space<vmem>>, vector<1x16xf32>,
      %get3A_239 = vector.shape_cast %get3A_238 : vector<1x16xf32> to vector<16xf32>
      %get3A_240 = arith.constant 12 : i32
      %get3A_241 = arith.index_cast %get3A_240 : i32 to index
      %get3A_242 = arith.index_cast %mul3A_180 : i32 to index
      %get3A_243 = tpu.vector_load %arg4[%get3A_241, %get3A_242] {strides = array<i32>} : memref<32x1024xf32, #tpu.memory_space<vmem>>, vector<1x16xf32>,
      %get3A_244 = vector.shape_cast %get3A_243 : vector<1x16xf32> to vector<16xf32>
      %get3A_245 = arith.constant 13 : i32
      %get3A_246 = arith.index_cast %get3A_245 : i32 to index
      %get3A_247 = arith.index_cast %mul3A_180 : i32 to index
      %get3A_248 = tpu.vector_load %arg4[%get3A_246, %get3A_247] {strides = array<i32>} : memref<32x1024xf32, #tpu.memory_space<vmem>>, vector<1x16xf32>,
      %get3A_249 = vector.shape_cast %get3A_248 : vector<1x16xf32> to vector<16xf32>
      %get3A_250 = arith.constant 14 : i32
      %get3A_251 = arith.index_cast %get3A_250 : i32 to index
      %get3A_252 = arith.index_cast %mul3A_180 : i32 to index
      %get3A_253 = tpu.vector_load %arg4[%get3A_251, %get3A_252] {strides = array<i32>} : memref<32x1024xf32, #tpu.memory_space<vmem>>, vector<1x16xf32>,
      %get3A_254 = vector.shape_cast %get3A_253 : vector<1x16xf32> to vector<16xf32>
      %get3A_255 = arith.constant 15 : i32
      %get3A_256 = arith.index_cast %get3A_255 : i32 to index
      %get3A_257 = arith.index_cast %mul3A_180 : i32 to index
      %get3A_258 = tpu.vector_load %arg4[%get3A_256, %get3A_257] {strides = array<i32>} : memref<32x1024xf32, #tpu.memory_space<vmem>>, vector<1x16xf32>,
      %get3A_259 = vector.shape_cast %get3A_258 : vector<1x16xf32> to vector<16xf32>
      %add3A_260 = arith.addf %get3A_184, %get3A_189 : vector<16xf32>
      %add3A_261 = arith.addf %get3A_194, %get3A_199 : vector<16xf32>
      %add3A_262 = arith.addf %get3A_204, %get3A_209 : vector<16xf32>
      %add3A_263 = arith.addf %get3A_214, %get3A_219 : vector<16xf32>
      %add3A_264 = arith.addf %get3A_224, %get3A_229 : vector<16xf32>
      %add3A_265 = arith.addf %get3A_234, %get3A_239 : vector<16xf32>
      %add3A_266 = arith.addf %get3A_244, %get3A_249 : vector<16xf32>
      %add3A_267 = arith.addf %get3A_254, %get3A_259 : vector<16xf32>
      %add3A_268 = arith.addf %add3A_260, %add3A_261 : vector<16xf32>
      %add3A_269 = arith.addf %add3A_262, %add3A_263 : vector<16xf32>
      %add3A_270 = arith.addf %add3A_264, %add3A_265 : vector<16xf32>
      %add3A_271 = arith.addf %add3A_266, %add3A_267 : vector<16xf32>
      %add3A_272 = arith.addf %add3A_268, %add3A_269 : vector<16xf32>
      %add3A_273 = arith.addf %add3A_270, %add3A_271 : vector<16xf32>
      %add3A_274 = arith.addf %add3A_272, %add3A_273 : vector<16xf32>
      %mul3A_275 = vector.broadcast %add3A_169 : f32 to vector<16xf32>
      %mul3A_276 = arith.mulf %add3A_274, %mul3A_275 : vector<16xf32>
      %swap3A = arith.index_cast %mul3A_180 : i32 to index
      %swap3A_277 = tpu.vector_load %arg7[%swap3A] {strides = array<i32>} : memref<1024xf32, #tpu.memory_space<vmem>>, vector<16xf32>,
      %swap3A_278 = vector.shape_cast %swap3A_277 : vector<16xf32> to vector<16xf32>
      %swap3A_279 = vector.shape_cast %mul3A_276 : vector<16xf32> to vector<16xf32>
      tpu.vector_store %arg7[%swap3A], %swap3A_279 {strides = array<i32>} : memref<1024xf32, #tpu.memory_space<vmem>>, vector<16xf32>,
      %scan3A_280 = arith.constant 0 : i32
      scf.yield %scan3A_280 : i32
    }
    %scan3A_176 = arith.constant 64 : i32
    "tpu.region"() ({
      %run_scoped3A_177 = tpu.sem_alloc : memref<!tpu.dma_semaphore, #tpu.memory_space<semaphore_mem>>
      %dma_start3A_178 = arith.constant 0 : i32
      %dma_start3A_179 = tpu.memref_slice %arg3[%arg1, %dma_start3A_178] : memref<16x1024xf32, #tpu.memory_space<hbm>> -> memref<1x1024xf32, #tpu.memory_space<hbm>>
      %dma_start3A_180 = tpu.memref_squeeze %dma_start3A_179 : memref<1x1024xf32, #tpu.memory_space<hbm>> -> memref<1024xf32, #tpu.memory_space<hbm>>
      %dma_start3A_181 = arith.constant 0 : i32
      %dma_start3A_182 = tpu.memref_slice %arg3[%arg1, %dma_start3A_181] : memref<16x1024xf32, #tpu.memory_space<hbm>> -> memref<1x1024xf32, #tpu.memory_space<hbm>>
      %dma_start3A_183 = tpu.memref_squeeze %dma_start3A_182 : memref<1x1024xf32, #tpu.memory_space<hbm>> -> memref<1024xf32, #tpu.memory_space<hbm>>
      tpu.enqueue_dma source(%arg7 : memref<1024xf32, #tpu.memory_space<vmem>>) target(%dma_start3A_183 : memref<1024xf32, #tpu.memory_space<hbm>>) target_semaphore(%run_scoped3A_177 : memref<!tpu.dma_semaphore, #tpu.memory_space<semaphore_mem>>)
      %dma_wait3A = arith.constant 0 : i32
      %dma_wait3A_184 = tpu.memref_slice %arg3[%arg1, %dma_wait3A] : memref<16x1024xf32, #tpu.memory_space<hbm>> -> memref<1x1024xf32, #tpu.memory_space<hbm>>
      %dma_wait3A_185 = tpu.memref_squeeze %dma_wait3A_184 : memref<1x1024xf32, #tpu.memory_space<hbm>> -> memref<1024xf32, #tpu.memory_space<hbm>>
      %dma_wait3A_186 = arith.constant 0 : i32
      %dma_wait3A_187 = tpu.memref_slice %arg3[%arg1, %dma_wait3A_186] : memref<16x1024xf32, #tpu.memory_space<hbm>> -> memref<1x1024xf32, #tpu.memory_space<hbm>>
      %dma_wait3A_188 = tpu.memref_squeeze %dma_wait3A_187 : memref<1x1024xf32, #tpu.memory_space<hbm>> -> memref<1024xf32, #tpu.memory_space<hbm>>
      tpu.wait_dma2 semaphore(%run_scoped3A_177 : memref<!tpu.dma_semaphore, #tpu.memory_space<semaphore_mem>>) src(%arg7 : memref<1024xf32, #tpu.memory_space<vmem>>) dst(%dma_wait3A_188 : memref<1024xf32, #tpu.memory_space<hbm>>)
      tpu.yield
    }) : () -> ()
    return
  }
}

module attributes {stable_mosaic.version = 14 : i64} {
  func.func @_tc_body(%arg0: i32, %arg1: memref<2048x1024xf32, #tpu.memory_space<vmem>>, %arg2: memref<16x1024xf32, #tpu.memory_space<vmem>>) attributes {dimension_semantics = [#tpu.dimension_semantics<arbitrary>], iteration_bounds = array<i64: 13>, scalar_prefetch = 0 : i64, scratch_operands = 0 : i64, tpu.core_type = #tpu.core_type<tc>, window_params = [{transform_indices = @transform_0, window_bounds = array<i64: 2048, 1024>}, {pipeline_mode = #tpu.pipeline_mode<synchronous>, transform_indices = @transform_1, window_bounds = array<i64: 16, 1024>}]} {
    %eq3A = arith.constant 0 : i32
    %eq3A_0 = arith.cmpi eq, %arg0, %eq3A : i32
    %convert_element_type3A = arith.extui %eq3A_0 : i1 to i32
    %cond3A = arith.constant 0 : i32
    %cond3A_1 = arith.cmpi ne, %convert_element_type3A, %cond3A : i32
    scf.if %cond3A_1 {
      %broadcast_in_dim3A_438 = arith.constant 0.000000e+00 : f32
      %broadcast_in_dim3A_439 = vector.broadcast %broadcast_in_dim3A_438 : f32 to vector<16x1024xf32>
      %swap3A_440 = arith.constant 0 : index
      %swap3A_441 = arith.constant 0 : index
      %swap3A_442 = vector.load %arg2[%swap3A_440, %swap3A_441] : memref<16x1024xf32, #tpu.memory_space<vmem>>, vector<16x1024xf32>
      tpu.vector_store %arg2[%swap3A_440, %swap3A_441], %broadcast_in_dim3A_439 {strides = array<i32>} : memref<16x1024xf32, #tpu.memory_space<vmem>>, vector<16x1024xf32>,
    } else {
    }
    %mul3A = arith.constant 2048 : i32
    %mul3A_2 = arith.muli %arg0, %mul3A : i32
    %add3A = arith.constant 6144 : i32
    %add3A_3 = arith.addi %add3A, %mul3A_2 : i32
    %add3A_4 = arith.constant 0 : i32
    %add3A_5 = arith.addi %add3A_3, %add3A_4 : i32
    %ge3A = arith.constant 1024 : i32
    %ge3A_6 = arith.cmpi sge, %add3A_5, %ge3A : i32
    %jit3A = arith.constant 1 : i32
    %jit3A_7 = arith.constant 0 : i32
    %select_n3A = arith.select %ge3A_6, %jit3A, %jit3A_7 : i32
    %add3A_8 = arith.constant 0 : i32
    %add3A_9 = arith.addi %add3A_8, %select_n3A : i32
    %ge3A_10 = arith.constant 4096 : i32
    %ge3A_11 = arith.cmpi sge, %add3A_5, %ge3A_10 : i32
    %jit3A_12 = arith.constant 1 : i32
    %jit3A_13 = arith.constant 0 : i32
    %select_n3A_14 = arith.select %ge3A_11, %jit3A_12, %jit3A_13 : i32
    %add3A_15 = arith.addi %add3A_9, %select_n3A_14 : i32
    %ge3A_16 = arith.constant 6144 : i32
    %ge3A_17 = arith.cmpi sge, %add3A_5, %ge3A_16 : i32
    %jit3A_18 = arith.constant 1 : i32
    %jit3A_19 = arith.constant 0 : i32
    %select_n3A_20 = arith.select %ge3A_17, %jit3A_18, %jit3A_19 : i32
    %add3A_21 = arith.addi %add3A_15, %select_n3A_20 : i32
    %ge3A_22 = arith.constant 8192 : i32
    %ge3A_23 = arith.cmpi sge, %add3A_5, %ge3A_22 : i32
    %jit3A_24 = arith.constant 1 : i32
    %jit3A_25 = arith.constant 0 : i32
    %select_n3A_26 = arith.select %ge3A_23, %jit3A_24, %jit3A_25 : i32
    %add3A_27 = arith.addi %add3A_21, %select_n3A_26 : i32
    %ge3A_28 = arith.constant 8704 : i32
    %ge3A_29 = arith.cmpi sge, %add3A_5, %ge3A_28 : i32
    %jit3A_30 = arith.constant 1 : i32
    %jit3A_31 = arith.constant 0 : i32
    %select_n3A_32 = arith.select %ge3A_29, %jit3A_30, %jit3A_31 : i32
    %add3A_33 = arith.addi %add3A_27, %select_n3A_32 : i32
    %ge3A_34 = arith.constant 12288 : i32
    %ge3A_35 = arith.cmpi sge, %add3A_5, %ge3A_34 : i32
    %jit3A_36 = arith.constant 1 : i32
    %jit3A_37 = arith.constant 0 : i32
    %select_n3A_38 = arith.select %ge3A_35, %jit3A_36, %jit3A_37 : i32
    %add3A_39 = arith.addi %add3A_33, %select_n3A_38 : i32
    %ge3A_40 = arith.constant 14336 : i32
    %ge3A_41 = arith.cmpi sge, %add3A_5, %ge3A_40 : i32
    %jit3A_42 = arith.constant 1 : i32
    %jit3A_43 = arith.constant 0 : i32
    %select_n3A_44 = arith.select %ge3A_41, %jit3A_42, %jit3A_43 : i32
    %add3A_45 = arith.addi %add3A_39, %select_n3A_44 : i32
    %ge3A_46 = arith.constant 16384 : i32
    %ge3A_47 = arith.cmpi sge, %add3A_5, %ge3A_46 : i32
    %jit3A_48 = arith.constant 1 : i32
    %jit3A_49 = arith.constant 0 : i32
    %select_n3A_50 = arith.select %ge3A_47, %jit3A_48, %jit3A_49 : i32
    %add3A_51 = arith.addi %add3A_45, %select_n3A_50 : i32
    %ge3A_52 = arith.constant 17408 : i32
    %ge3A_53 = arith.cmpi sge, %add3A_5, %ge3A_52 : i32
    %jit3A_54 = arith.constant 1 : i32
    %jit3A_55 = arith.constant 0 : i32
    %select_n3A_56 = arith.select %ge3A_53, %jit3A_54, %jit3A_55 : i32
    %add3A_57 = arith.addi %add3A_51, %select_n3A_56 : i32
    %ge3A_58 = arith.constant 20480 : i32
    %ge3A_59 = arith.cmpi sge, %add3A_5, %ge3A_58 : i32
    %jit3A_60 = arith.constant 1 : i32
    %jit3A_61 = arith.constant 0 : i32
    %select_n3A_62 = arith.select %ge3A_59, %jit3A_60, %jit3A_61 : i32
    %add3A_63 = arith.addi %add3A_57, %select_n3A_62 : i32
    %ge3A_64 = arith.constant 24576 : i32
    %ge3A_65 = arith.cmpi sge, %add3A_5, %ge3A_64 : i32
    %jit3A_66 = arith.constant 1 : i32
    %jit3A_67 = arith.constant 0 : i32
    %select_n3A_68 = arith.select %ge3A_65, %jit3A_66, %jit3A_67 : i32
    %add3A_69 = arith.addi %add3A_63, %select_n3A_68 : i32
    %ge3A_70 = arith.constant 25600 : i32
    %ge3A_71 = arith.cmpi sge, %add3A_5, %ge3A_70 : i32
    %jit3A_72 = arith.constant 1 : i32
    %jit3A_73 = arith.constant 0 : i32
    %select_n3A_74 = arith.select %ge3A_71, %jit3A_72, %jit3A_73 : i32
    %add3A_75 = arith.addi %add3A_69, %select_n3A_74 : i32
    %ge3A_76 = arith.constant 27648 : i32
    %ge3A_77 = arith.cmpi sge, %add3A_5, %ge3A_76 : i32
    %jit3A_78 = arith.constant 1 : i32
    %jit3A_79 = arith.constant 0 : i32
    %select_n3A_80 = arith.select %ge3A_77, %jit3A_78, %jit3A_79 : i32
    %add3A_81 = arith.addi %add3A_75, %select_n3A_80 : i32
    %ge3A_82 = arith.constant 29696 : i32
    %ge3A_83 = arith.cmpi sge, %add3A_5, %ge3A_82 : i32
    %jit3A_84 = arith.constant 1 : i32
    %jit3A_85 = arith.constant 0 : i32
    %select_n3A_86 = arith.select %ge3A_83, %jit3A_84, %jit3A_85 : i32
    %add3A_87 = arith.addi %add3A_81, %select_n3A_86 : i32
    %ge3A_88 = arith.constant 31232 : i32
    %ge3A_89 = arith.cmpi sge, %add3A_5, %ge3A_88 : i32
    %jit3A_90 = arith.constant 1 : i32
    %jit3A_91 = arith.constant 0 : i32
    %select_n3A_92 = arith.select %ge3A_89, %jit3A_90, %jit3A_91 : i32
    %add3A_93 = arith.addi %add3A_87, %select_n3A_92 : i32
    %get3A = arith.constant 0 : index
    %get3A_94 = arith.constant 0 : index
    %get3A_95 = vector.load %arg1[%get3A, %get3A_94] : memref<2048x1024xf32, #tpu.memory_space<vmem>>, vector<512x1024xf32>
    %reduce_sum3A = arith.constant dense<0.000000e+00> : vector<1024xf32>
    %reduce_sum3A_96 = vector.multi_reduction <add>, %get3A_95, %reduce_sum3A [0] : vector<512x1024xf32> to vector<1024xf32>
    %broadcast_in_dim3A = vector.shape_cast %reduce_sum3A_96 : vector<1024xf32> to vector<1x1024xf32>
    %get3A_97 = arith.index_cast %add3A_93 : i32 to index
    %get3A_98 = arith.constant 0 : index
    %get3A_99 = vector.load %arg2[%get3A_97, %get3A_98] : memref<16x1024xf32, #tpu.memory_space<vmem>>, vector<1x1024xf32>
    %add3A_100 = arith.addf %get3A_99, %broadcast_in_dim3A : vector<1x1024xf32>
    %swap3A = arith.index_cast %add3A_93 : i32 to index
    %swap3A_101 = arith.constant 0 : index
    %swap3A_102 = vector.load %arg2[%swap3A, %swap3A_101] : memref<16x1024xf32, #tpu.memory_space<vmem>>, vector<1x1024xf32>
    tpu.vector_store %arg2[%swap3A, %swap3A_101], %add3A_100 {strides = array<i32>} : memref<16x1024xf32, #tpu.memory_space<vmem>>, vector<1x1024xf32>,
    %mul3A_103 = arith.constant 2048 : i32
    %mul3A_104 = arith.muli %arg0, %mul3A_103 : i32
    %add3A_105 = arith.constant 6144 : i32
    %add3A_106 = arith.addi %add3A_105, %mul3A_104 : i32
    %add3A_107 = arith.constant 512 : i32
    %add3A_108 = arith.addi %add3A_106, %add3A_107 : i32
    %ge3A_109 = arith.constant 1024 : i32
    %ge3A_110 = arith.cmpi sge, %add3A_108, %ge3A_109 : i32
    %jit3A_111 = arith.constant 1 : i32
    %jit3A_112 = arith.constant 0 : i32
    %select_n3A_113 = arith.select %ge3A_110, %jit3A_111, %jit3A_112 : i32
    %add3A_114 = arith.constant 0 : i32
    %add3A_115 = arith.addi %add3A_114, %select_n3A_113 : i32
    %ge3A_116 = arith.constant 4096 : i32
    %ge3A_117 = arith.cmpi sge, %add3A_108, %ge3A_116 : i32
    %jit3A_118 = arith.constant 1 : i32
    %jit3A_119 = arith.constant 0 : i32
    %select_n3A_120 = arith.select %ge3A_117, %jit3A_118, %jit3A_119 : i32
    %add3A_121 = arith.addi %add3A_115, %select_n3A_120 : i32
    %ge3A_122 = arith.constant 6144 : i32
    %ge3A_123 = arith.cmpi sge, %add3A_108, %ge3A_122 : i32
    %jit3A_124 = arith.constant 1 : i32
    %jit3A_125 = arith.constant 0 : i32
    %select_n3A_126 = arith.select %ge3A_123, %jit3A_124, %jit3A_125 : i32
    %add3A_127 = arith.addi %add3A_121, %select_n3A_126 : i32
    %ge3A_128 = arith.constant 8192 : i32
    %ge3A_129 = arith.cmpi sge, %add3A_108, %ge3A_128 : i32
    %jit3A_130 = arith.constant 1 : i32
    %jit3A_131 = arith.constant 0 : i32
    %select_n3A_132 = arith.select %ge3A_129, %jit3A_130, %jit3A_131 : i32
    %add3A_133 = arith.addi %add3A_127, %select_n3A_132 : i32
    %ge3A_134 = arith.constant 8704 : i32
    %ge3A_135 = arith.cmpi sge, %add3A_108, %ge3A_134 : i32
    %jit3A_136 = arith.constant 1 : i32
    %jit3A_137 = arith.constant 0 : i32
    %select_n3A_138 = arith.select %ge3A_135, %jit3A_136, %jit3A_137 : i32
    %add3A_139 = arith.addi %add3A_133, %select_n3A_138 : i32
    %ge3A_140 = arith.constant 12288 : i32
    %ge3A_141 = arith.cmpi sge, %add3A_108, %ge3A_140 : i32
    %jit3A_142 = arith.constant 1 : i32
    %jit3A_143 = arith.constant 0 : i32
    %select_n3A_144 = arith.select %ge3A_141, %jit3A_142, %jit3A_143 : i32
    %add3A_145 = arith.addi %add3A_139, %select_n3A_144 : i32
    %ge3A_146 = arith.constant 14336 : i32
    %ge3A_147 = arith.cmpi sge, %add3A_108, %ge3A_146 : i32
    %jit3A_148 = arith.constant 1 : i32
    %jit3A_149 = arith.constant 0 : i32
    %select_n3A_150 = arith.select %ge3A_147, %jit3A_148, %jit3A_149 : i32
    %add3A_151 = arith.addi %add3A_145, %select_n3A_150 : i32
    %ge3A_152 = arith.constant 16384 : i32
    %ge3A_153 = arith.cmpi sge, %add3A_108, %ge3A_152 : i32
    %jit3A_154 = arith.constant 1 : i32
    %jit3A_155 = arith.constant 0 : i32
    %select_n3A_156 = arith.select %ge3A_153, %jit3A_154, %jit3A_155 : i32
    %add3A_157 = arith.addi %add3A_151, %select_n3A_156 : i32
    %ge3A_158 = arith.constant 17408 : i32
    %ge3A_159 = arith.cmpi sge, %add3A_108, %ge3A_158 : i32
    %jit3A_160 = arith.constant 1 : i32
    %jit3A_161 = arith.constant 0 : i32
    %select_n3A_162 = arith.select %ge3A_159, %jit3A_160, %jit3A_161 : i32
    %add3A_163 = arith.addi %add3A_157, %select_n3A_162 : i32
    %ge3A_164 = arith.constant 20480 : i32
    %ge3A_165 = arith.cmpi sge, %add3A_108, %ge3A_164 : i32
    %jit3A_166 = arith.constant 1 : i32
    %jit3A_167 = arith.constant 0 : i32
    %select_n3A_168 = arith.select %ge3A_165, %jit3A_166, %jit3A_167 : i32
    %add3A_169 = arith.addi %add3A_163, %select_n3A_168 : i32
    %ge3A_170 = arith.constant 24576 : i32
    %ge3A_171 = arith.cmpi sge, %add3A_108, %ge3A_170 : i32
    %jit3A_172 = arith.constant 1 : i32
    %jit3A_173 = arith.constant 0 : i32
    %select_n3A_174 = arith.select %ge3A_171, %jit3A_172, %jit3A_173 : i32
    %add3A_175 = arith.addi %add3A_169, %select_n3A_174 : i32
    %ge3A_176 = arith.constant 25600 : i32
    %ge3A_177 = arith.cmpi sge, %add3A_108, %ge3A_176 : i32
    %jit3A_178 = arith.constant 1 : i32
    %jit3A_179 = arith.constant 0 : i32
    %select_n3A_180 = arith.select %ge3A_177, %jit3A_178, %jit3A_179 : i32
    %add3A_181 = arith.addi %add3A_175, %select_n3A_180 : i32
    %ge3A_182 = arith.constant 27648 : i32
    %ge3A_183 = arith.cmpi sge, %add3A_108, %ge3A_182 : i32
    %jit3A_184 = arith.constant 1 : i32
    %jit3A_185 = arith.constant 0 : i32
    %select_n3A_186 = arith.select %ge3A_183, %jit3A_184, %jit3A_185 : i32
    %add3A_187 = arith.addi %add3A_181, %select_n3A_186 : i32
    %ge3A_188 = arith.constant 29696 : i32
    %ge3A_189 = arith.cmpi sge, %add3A_108, %ge3A_188 : i32
    %jit3A_190 = arith.constant 1 : i32
    %jit3A_191 = arith.constant 0 : i32
    %select_n3A_192 = arith.select %ge3A_189, %jit3A_190, %jit3A_191 : i32
    %add3A_193 = arith.addi %add3A_187, %select_n3A_192 : i32
    %ge3A_194 = arith.constant 31232 : i32
    %ge3A_195 = arith.cmpi sge, %add3A_108, %ge3A_194 : i32
    %jit3A_196 = arith.constant 1 : i32
    %jit3A_197 = arith.constant 0 : i32
    %select_n3A_198 = arith.select %ge3A_195, %jit3A_196, %jit3A_197 : i32
    %add3A_199 = arith.addi %add3A_193, %select_n3A_198 : i32
    %get3A_200 = arith.constant 512 : index
    %get3A_201 = arith.constant 0 : index
    %get3A_202 = vector.load %arg1[%get3A_200, %get3A_201] : memref<2048x1024xf32, #tpu.memory_space<vmem>>, vector<512x1024xf32>
    %reduce_sum3A_203 = arith.constant dense<0.000000e+00> : vector<1024xf32>
    %reduce_sum3A_204 = vector.multi_reduction <add>, %get3A_202, %reduce_sum3A_203 [0] : vector<512x1024xf32> to vector<1024xf32>
    %broadcast_in_dim3A_205 = vector.shape_cast %reduce_sum3A_204 : vector<1024xf32> to vector<1x1024xf32>
    %get3A_206 = arith.index_cast %add3A_199 : i32 to index
    %get3A_207 = arith.constant 0 : index
    %get3A_208 = vector.load %arg2[%get3A_206, %get3A_207] : memref<16x1024xf32, #tpu.memory_space<vmem>>, vector<1x1024xf32>
    %add3A_209 = arith.addf %get3A_208, %broadcast_in_dim3A_205 : vector<1x1024xf32>
    %swap3A_210 = arith.index_cast %add3A_199 : i32 to index
    %swap3A_211 = arith.constant 0 : index
    %swap3A_212 = vector.load %arg2[%swap3A_210, %swap3A_211] : memref<16x1024xf32, #tpu.memory_space<vmem>>, vector<1x1024xf32>
    tpu.vector_store %arg2[%swap3A_210, %swap3A_211], %add3A_209 {strides = array<i32>} : memref<16x1024xf32, #tpu.memory_space<vmem>>, vector<1x1024xf32>,
    %mul3A_213 = arith.constant 2048 : i32
    %mul3A_214 = arith.muli %arg0, %mul3A_213 : i32
    %add3A_215 = arith.constant 6144 : i32
    %add3A_216 = arith.addi %add3A_215, %mul3A_214 : i32
    %add3A_217 = arith.constant 1024 : i32
    %add3A_218 = arith.addi %add3A_216, %add3A_217 : i32
    %ge3A_219 = arith.constant 1024 : i32
    %ge3A_220 = arith.cmpi sge, %add3A_218, %ge3A_219 : i32
    %jit3A_221 = arith.constant 1 : i32
    %jit3A_222 = arith.constant 0 : i32
    %select_n3A_223 = arith.select %ge3A_220, %jit3A_221, %jit3A_222 : i32
    %add3A_224 = arith.constant 0 : i32
    %add3A_225 = arith.addi %add3A_224, %select_n3A_223 : i32
    %ge3A_226 = arith.constant 4096 : i32
    %ge3A_227 = arith.cmpi sge, %add3A_218, %ge3A_226 : i32
    %jit3A_228 = arith.constant 1 : i32
    %jit3A_229 = arith.constant 0 : i32
    %select_n3A_230 = arith.select %ge3A_227, %jit3A_228, %jit3A_229 : i32
    %add3A_231 = arith.addi %add3A_225, %select_n3A_230 : i32
    %ge3A_232 = arith.constant 6144 : i32
    %ge3A_233 = arith.cmpi sge, %add3A_218, %ge3A_232 : i32
    %jit3A_234 = arith.constant 1 : i32
    %jit3A_235 = arith.constant 0 : i32
    %select_n3A_236 = arith.select %ge3A_233, %jit3A_234, %jit3A_235 : i32
    %add3A_237 = arith.addi %add3A_231, %select_n3A_236 : i32
    %ge3A_238 = arith.constant 8192 : i32
    %ge3A_239 = arith.cmpi sge, %add3A_218, %ge3A_238 : i32
    %jit3A_240 = arith.constant 1 : i32
    %jit3A_241 = arith.constant 0 : i32
    %select_n3A_242 = arith.select %ge3A_239, %jit3A_240, %jit3A_241 : i32
    %add3A_243 = arith.addi %add3A_237, %select_n3A_242 : i32
    %ge3A_244 = arith.constant 8704 : i32
    %ge3A_245 = arith.cmpi sge, %add3A_218, %ge3A_244 : i32
    %jit3A_246 = arith.constant 1 : i32
    %jit3A_247 = arith.constant 0 : i32
    %select_n3A_248 = arith.select %ge3A_245, %jit3A_246, %jit3A_247 : i32
    %add3A_249 = arith.addi %add3A_243, %select_n3A_248 : i32
    %ge3A_250 = arith.constant 12288 : i32
    %ge3A_251 = arith.cmpi sge, %add3A_218, %ge3A_250 : i32
    %jit3A_252 = arith.constant 1 : i32
    %jit3A_253 = arith.constant 0 : i32
    %select_n3A_254 = arith.select %ge3A_251, %jit3A_252, %jit3A_253 : i32
    %add3A_255 = arith.addi %add3A_249, %select_n3A_254 : i32
    %ge3A_256 = arith.constant 14336 : i32
    %ge3A_257 = arith.cmpi sge, %add3A_218, %ge3A_256 : i32
    %jit3A_258 = arith.constant 1 : i32
    %jit3A_259 = arith.constant 0 : i32
    %select_n3A_260 = arith.select %ge3A_257, %jit3A_258, %jit3A_259 : i32
    %add3A_261 = arith.addi %add3A_255, %select_n3A_260 : i32
    %ge3A_262 = arith.constant 16384 : i32
    %ge3A_263 = arith.cmpi sge, %add3A_218, %ge3A_262 : i32
    %jit3A_264 = arith.constant 1 : i32
    %jit3A_265 = arith.constant 0 : i32
    %select_n3A_266 = arith.select %ge3A_263, %jit3A_264, %jit3A_265 : i32
    %add3A_267 = arith.addi %add3A_261, %select_n3A_266 : i32
    %ge3A_268 = arith.constant 17408 : i32
    %ge3A_269 = arith.cmpi sge, %add3A_218, %ge3A_268 : i32
    %jit3A_270 = arith.constant 1 : i32
    %jit3A_271 = arith.constant 0 : i32
    %select_n3A_272 = arith.select %ge3A_269, %jit3A_270, %jit3A_271 : i32
    %add3A_273 = arith.addi %add3A_267, %select_n3A_272 : i32
    %ge3A_274 = arith.constant 20480 : i32
    %ge3A_275 = arith.cmpi sge, %add3A_218, %ge3A_274 : i32
    %jit3A_276 = arith.constant 1 : i32
    %jit3A_277 = arith.constant 0 : i32
    %select_n3A_278 = arith.select %ge3A_275, %jit3A_276, %jit3A_277 : i32
    %add3A_279 = arith.addi %add3A_273, %select_n3A_278 : i32
    %ge3A_280 = arith.constant 24576 : i32
    %ge3A_281 = arith.cmpi sge, %add3A_218, %ge3A_280 : i32
    %jit3A_282 = arith.constant 1 : i32
    %jit3A_283 = arith.constant 0 : i32
    %select_n3A_284 = arith.select %ge3A_281, %jit3A_282, %jit3A_283 : i32
    %add3A_285 = arith.addi %add3A_279, %select_n3A_284 : i32
    %ge3A_286 = arith.constant 25600 : i32
    %ge3A_287 = arith.cmpi sge, %add3A_218, %ge3A_286 : i32
    %jit3A_288 = arith.constant 1 : i32
    %jit3A_289 = arith.constant 0 : i32
    %select_n3A_290 = arith.select %ge3A_287, %jit3A_288, %jit3A_289 : i32
    %add3A_291 = arith.addi %add3A_285, %select_n3A_290 : i32
    %ge3A_292 = arith.constant 27648 : i32
    %ge3A_293 = arith.cmpi sge, %add3A_218, %ge3A_292 : i32
    %jit3A_294 = arith.constant 1 : i32
    %jit3A_295 = arith.constant 0 : i32
    %select_n3A_296 = arith.select %ge3A_293, %jit3A_294, %jit3A_295 : i32
    %add3A_297 = arith.addi %add3A_291, %select_n3A_296 : i32
    %ge3A_298 = arith.constant 29696 : i32
    %ge3A_299 = arith.cmpi sge, %add3A_218, %ge3A_298 : i32
    %jit3A_300 = arith.constant 1 : i32
    %jit3A_301 = arith.constant 0 : i32
    %select_n3A_302 = arith.select %ge3A_299, %jit3A_300, %jit3A_301 : i32
    %add3A_303 = arith.addi %add3A_297, %select_n3A_302 : i32
    %ge3A_304 = arith.constant 31232 : i32
    %ge3A_305 = arith.cmpi sge, %add3A_218, %ge3A_304 : i32
    %jit3A_306 = arith.constant 1 : i32
    %jit3A_307 = arith.constant 0 : i32
    %select_n3A_308 = arith.select %ge3A_305, %jit3A_306, %jit3A_307 : i32
    %add3A_309 = arith.addi %add3A_303, %select_n3A_308 : i32
    %get3A_310 = arith.constant 1024 : index
    %get3A_311 = arith.constant 0 : index
    %get3A_312 = vector.load %arg1[%get3A_310, %get3A_311] : memref<2048x1024xf32, #tpu.memory_space<vmem>>, vector<512x1024xf32>
    %reduce_sum3A_313 = arith.constant dense<0.000000e+00> : vector<1024xf32>
    %reduce_sum3A_314 = vector.multi_reduction <add>, %get3A_312, %reduce_sum3A_313 [0] : vector<512x1024xf32> to vector<1024xf32>
    %broadcast_in_dim3A_315 = vector.shape_cast %reduce_sum3A_314 : vector<1024xf32> to vector<1x1024xf32>
    %get3A_316 = arith.index_cast %add3A_309 : i32 to index
    %get3A_317 = arith.constant 0 : index
    %get3A_318 = vector.load %arg2[%get3A_316, %get3A_317] : memref<16x1024xf32, #tpu.memory_space<vmem>>, vector<1x1024xf32>
    %add3A_319 = arith.addf %get3A_318, %broadcast_in_dim3A_315 : vector<1x1024xf32>
    %swap3A_320 = arith.index_cast %add3A_309 : i32 to index
    %swap3A_321 = arith.constant 0 : index
    %swap3A_322 = vector.load %arg2[%swap3A_320, %swap3A_321] : memref<16x1024xf32, #tpu.memory_space<vmem>>, vector<1x1024xf32>
    tpu.vector_store %arg2[%swap3A_320, %swap3A_321], %add3A_319 {strides = array<i32>} : memref<16x1024xf32, #tpu.memory_space<vmem>>, vector<1x1024xf32>,
    %mul3A_323 = arith.constant 2048 : i32
    %mul3A_324 = arith.muli %arg0, %mul3A_323 : i32
    %add3A_325 = arith.constant 6144 : i32
    %add3A_326 = arith.addi %add3A_325, %mul3A_324 : i32
    %add3A_327 = arith.constant 1536 : i32
    %add3A_328 = arith.addi %add3A_326, %add3A_327 : i32
    %ge3A_329 = arith.constant 1024 : i32
    %ge3A_330 = arith.cmpi sge, %add3A_328, %ge3A_329 : i32
    %jit3A_331 = arith.constant 1 : i32
    %jit3A_332 = arith.constant 0 : i32
    %select_n3A_333 = arith.select %ge3A_330, %jit3A_331, %jit3A_332 : i32
    %add3A_334 = arith.constant 0 : i32
    %add3A_335 = arith.addi %add3A_334, %select_n3A_333 : i32
    %ge3A_336 = arith.constant 4096 : i32
    %ge3A_337 = arith.cmpi sge, %add3A_328, %ge3A_336 : i32
    %jit3A_338 = arith.constant 1 : i32
    %jit3A_339 = arith.constant 0 : i32
    %select_n3A_340 = arith.select %ge3A_337, %jit3A_338, %jit3A_339 : i32
    %add3A_341 = arith.addi %add3A_335, %select_n3A_340 : i32
    %ge3A_342 = arith.constant 6144 : i32
    %ge3A_343 = arith.cmpi sge, %add3A_328, %ge3A_342 : i32
    %jit3A_344 = arith.constant 1 : i32
    %jit3A_345 = arith.constant 0 : i32
    %select_n3A_346 = arith.select %ge3A_343, %jit3A_344, %jit3A_345 : i32
    %add3A_347 = arith.addi %add3A_341, %select_n3A_346 : i32
    %ge3A_348 = arith.constant 8192 : i32
    %ge3A_349 = arith.cmpi sge, %add3A_328, %ge3A_348 : i32
    %jit3A_350 = arith.constant 1 : i32
    %jit3A_351 = arith.constant 0 : i32
    %select_n3A_352 = arith.select %ge3A_349, %jit3A_350, %jit3A_351 : i32
    %add3A_353 = arith.addi %add3A_347, %select_n3A_352 : i32
    %ge3A_354 = arith.constant 8704 : i32
    %ge3A_355 = arith.cmpi sge, %add3A_328, %ge3A_354 : i32
    %jit3A_356 = arith.constant 1 : i32
    %jit3A_357 = arith.constant 0 : i32
    %select_n3A_358 = arith.select %ge3A_355, %jit3A_356, %jit3A_357 : i32
    %add3A_359 = arith.addi %add3A_353, %select_n3A_358 : i32
    %ge3A_360 = arith.constant 12288 : i32
    %ge3A_361 = arith.cmpi sge, %add3A_328, %ge3A_360 : i32
    %jit3A_362 = arith.constant 1 : i32
    %jit3A_363 = arith.constant 0 : i32
    %select_n3A_364 = arith.select %ge3A_361, %jit3A_362, %jit3A_363 : i32
    %add3A_365 = arith.addi %add3A_359, %select_n3A_364 : i32
    %ge3A_366 = arith.constant 14336 : i32
    %ge3A_367 = arith.cmpi sge, %add3A_328, %ge3A_366 : i32
    %jit3A_368 = arith.constant 1 : i32
    %jit3A_369 = arith.constant 0 : i32
    %select_n3A_370 = arith.select %ge3A_367, %jit3A_368, %jit3A_369 : i32
    %add3A_371 = arith.addi %add3A_365, %select_n3A_370 : i32
    %ge3A_372 = arith.constant 16384 : i32
    %ge3A_373 = arith.cmpi sge, %add3A_328, %ge3A_372 : i32
    %jit3A_374 = arith.constant 1 : i32
    %jit3A_375 = arith.constant 0 : i32
    %select_n3A_376 = arith.select %ge3A_373, %jit3A_374, %jit3A_375 : i32
    %add3A_377 = arith.addi %add3A_371, %select_n3A_376 : i32
    %ge3A_378 = arith.constant 17408 : i32
    %ge3A_379 = arith.cmpi sge, %add3A_328, %ge3A_378 : i32
    %jit3A_380 = arith.constant 1 : i32
    %jit3A_381 = arith.constant 0 : i32
    %select_n3A_382 = arith.select %ge3A_379, %jit3A_380, %jit3A_381 : i32
    %add3A_383 = arith.addi %add3A_377, %select_n3A_382 : i32
    %ge3A_384 = arith.constant 20480 : i32
    %ge3A_385 = arith.cmpi sge, %add3A_328, %ge3A_384 : i32
    %jit3A_386 = arith.constant 1 : i32
    %jit3A_387 = arith.constant 0 : i32
    %select_n3A_388 = arith.select %ge3A_385, %jit3A_386, %jit3A_387 : i32
    %add3A_389 = arith.addi %add3A_383, %select_n3A_388 : i32
    %ge3A_390 = arith.constant 24576 : i32
    %ge3A_391 = arith.cmpi sge, %add3A_328, %ge3A_390 : i32
    %jit3A_392 = arith.constant 1 : i32
    %jit3A_393 = arith.constant 0 : i32
    %select_n3A_394 = arith.select %ge3A_391, %jit3A_392, %jit3A_393 : i32
    %add3A_395 = arith.addi %add3A_389, %select_n3A_394 : i32
    %ge3A_396 = arith.constant 25600 : i32
    %ge3A_397 = arith.cmpi sge, %add3A_328, %ge3A_396 : i32
    %jit3A_398 = arith.constant 1 : i32
    %jit3A_399 = arith.constant 0 : i32
    %select_n3A_400 = arith.select %ge3A_397, %jit3A_398, %jit3A_399 : i32
    %add3A_401 = arith.addi %add3A_395, %select_n3A_400 : i32
    %ge3A_402 = arith.constant 27648 : i32
    %ge3A_403 = arith.cmpi sge, %add3A_328, %ge3A_402 : i32
    %jit3A_404 = arith.constant 1 : i32
    %jit3A_405 = arith.constant 0 : i32
    %select_n3A_406 = arith.select %ge3A_403, %jit3A_404, %jit3A_405 : i32
    %add3A_407 = arith.addi %add3A_401, %select_n3A_406 : i32
    %ge3A_408 = arith.constant 29696 : i32
    %ge3A_409 = arith.cmpi sge, %add3A_328, %ge3A_408 : i32
    %jit3A_410 = arith.constant 1 : i32
    %jit3A_411 = arith.constant 0 : i32
    %select_n3A_412 = arith.select %ge3A_409, %jit3A_410, %jit3A_411 : i32
    %add3A_413 = arith.addi %add3A_407, %select_n3A_412 : i32
    %ge3A_414 = arith.constant 31232 : i32
    %ge3A_415 = arith.cmpi sge, %add3A_328, %ge3A_414 : i32
    %jit3A_416 = arith.constant 1 : i32
    %jit3A_417 = arith.constant 0 : i32
    %select_n3A_418 = arith.select %ge3A_415, %jit3A_416, %jit3A_417 : i32
    %add3A_419 = arith.addi %add3A_413, %select_n3A_418 : i32
    %get3A_420 = arith.constant 1536 : index
    %get3A_421 = arith.constant 0 : index
    %get3A_422 = vector.load %arg1[%get3A_420, %get3A_421] : memref<2048x1024xf32, #tpu.memory_space<vmem>>, vector<512x1024xf32>
    %reduce_sum3A_423 = arith.constant dense<0.000000e+00> : vector<1024xf32>
    %reduce_sum3A_424 = vector.multi_reduction <add>, %get3A_422, %reduce_sum3A_423 [0] : vector<512x1024xf32> to vector<1024xf32>
    %broadcast_in_dim3A_425 = vector.shape_cast %reduce_sum3A_424 : vector<1024xf32> to vector<1x1024xf32>
    %get3A_426 = arith.index_cast %add3A_419 : i32 to index
    %get3A_427 = arith.constant 0 : index
    %get3A_428 = vector.load %arg2[%get3A_426, %get3A_427] : memref<16x1024xf32, #tpu.memory_space<vmem>>, vector<1x1024xf32>
    %add3A_429 = arith.addf %get3A_428, %broadcast_in_dim3A_425 : vector<1x1024xf32>
    %swap3A_430 = arith.index_cast %add3A_419 : i32 to index
    %swap3A_431 = arith.constant 0 : index
    %swap3A_432 = vector.load %arg2[%swap3A_430, %swap3A_431] : memref<16x1024xf32, #tpu.memory_space<vmem>>, vector<1x1024xf32>
    tpu.vector_store %arg2[%swap3A_430, %swap3A_431], %add3A_429 {strides = array<i32>} : memref<16x1024xf32, #tpu.memory_space<vmem>>, vector<1x1024xf32>,
    %eq3A_433 = arith.constant 12 : i32
    %eq3A_434 = arith.cmpi eq, %arg0, %eq3A_433 : i32
    %convert_element_type3A_435 = arith.extui %eq3A_434 : i1 to i32
    %cond3A_436 = arith.constant 0 : i32
    %cond3A_437 = arith.cmpi ne, %convert_element_type3A_435, %cond3A_436 : i32
    scf.if %cond3A_437 {
      %iota3A = tpu.iota {dimensions = array<i32: 0>} : vector<16x1xi32>
      %broadcast_in_dim3A_438 = arith.constant 0.000000e+00 : f32
      %broadcast_in_dim3A_439 = vector.broadcast %broadcast_in_dim3A_438 : f32 to vector<16x1xf32>
      %eq3A_440 = arith.constant 0 : i32
      %eq3A_441 = vector.broadcast %eq3A_440 : i32 to vector<16x1xi32>
      %eq3A_442 = arith.cmpi eq, %iota3A, %eq3A_441 : vector<16x1xi32>
      %jit3A_443 = arith.constant 9.765625E-4 : f32
      %broadcast_in_dim3A_444 = vector.broadcast %jit3A_443 : f32 to vector<16x1xf32>
      %select_n3A_445 = arith.select %eq3A_442, %broadcast_in_dim3A_444, %broadcast_in_dim3A_439 : vector<16x1xi1>, vector<16x1xf32>
      %eq3A_446 = arith.constant 1 : i32
      %eq3A_447 = vector.broadcast %eq3A_446 : i32 to vector<16x1xi32>
      %eq3A_448 = arith.cmpi eq, %iota3A, %eq3A_447 : vector<16x1xi32>
      %jit3A_449 = arith.constant 3.25520843E-4 : f32
      %broadcast_in_dim3A_450 = vector.broadcast %jit3A_449 : f32 to vector<16x1xf32>
      %select_n3A_451 = arith.select %eq3A_448, %broadcast_in_dim3A_450, %select_n3A_445 : vector<16x1xi1>, vector<16x1xf32>
      %eq3A_452 = arith.constant 2 : i32
      %eq3A_453 = vector.broadcast %eq3A_452 : i32 to vector<16x1xi32>
      %eq3A_454 = arith.cmpi eq, %iota3A, %eq3A_453 : vector<16x1xi32>
      %jit3A_455 = arith.constant 4.8828125E-4 : f32
      %broadcast_in_dim3A_456 = vector.broadcast %jit3A_455 : f32 to vector<16x1xf32>
      %select_n3A_457 = arith.select %eq3A_454, %broadcast_in_dim3A_456, %select_n3A_451 : vector<16x1xi1>, vector<16x1xf32>
      %eq3A_458 = arith.constant 3 : i32
      %eq3A_459 = vector.broadcast %eq3A_458 : i32 to vector<16x1xi32>
      %eq3A_460 = arith.cmpi eq, %iota3A, %eq3A_459 : vector<16x1xi32>
      %jit3A_461 = arith.constant 4.8828125E-4 : f32
      %broadcast_in_dim3A_462 = vector.broadcast %jit3A_461 : f32 to vector<16x1xf32>
      %select_n3A_463 = arith.select %eq3A_460, %broadcast_in_dim3A_462, %select_n3A_457 : vector<16x1xi1>, vector<16x1xf32>
      %eq3A_464 = arith.constant 4 : i32
      %eq3A_465 = vector.broadcast %eq3A_464 : i32 to vector<16x1xi32>
      %eq3A_466 = arith.cmpi eq, %iota3A, %eq3A_465 : vector<16x1xi32>
      %jit3A_467 = arith.constant 0.001953125 : f32
      %broadcast_in_dim3A_468 = vector.broadcast %jit3A_467 : f32 to vector<16x1xf32>
      %select_n3A_469 = arith.select %eq3A_466, %broadcast_in_dim3A_468, %select_n3A_463 : vector<16x1xi1>, vector<16x1xf32>
      %eq3A_470 = arith.constant 5 : i32
      %eq3A_471 = vector.broadcast %eq3A_470 : i32 to vector<16x1xi32>
      %eq3A_472 = arith.cmpi eq, %iota3A, %eq3A_471 : vector<16x1xi32>
      %jit3A_473 = arith.constant 2.7901787E-4 : f32
      %broadcast_in_dim3A_474 = vector.broadcast %jit3A_473 : f32 to vector<16x1xf32>
      %select_n3A_475 = arith.select %eq3A_472, %broadcast_in_dim3A_474, %select_n3A_469 : vector<16x1xi1>, vector<16x1xf32>
      %eq3A_476 = arith.constant 6 : i32
      %eq3A_477 = vector.broadcast %eq3A_476 : i32 to vector<16x1xi32>
      %eq3A_478 = arith.cmpi eq, %iota3A, %eq3A_477 : vector<16x1xi32>
      %jit3A_479 = arith.constant 4.8828125E-4 : f32
      %broadcast_in_dim3A_480 = vector.broadcast %jit3A_479 : f32 to vector<16x1xf32>
      %select_n3A_481 = arith.select %eq3A_478, %broadcast_in_dim3A_480, %select_n3A_475 : vector<16x1xi1>, vector<16x1xf32>
      %eq3A_482 = arith.constant 7 : i32
      %eq3A_483 = vector.broadcast %eq3A_482 : i32 to vector<16x1xi32>
      %eq3A_484 = arith.cmpi eq, %iota3A, %eq3A_483 : vector<16x1xi32>
      %jit3A_485 = arith.constant 4.8828125E-4 : f32
      %broadcast_in_dim3A_486 = vector.broadcast %jit3A_485 : f32 to vector<16x1xf32>
      %select_n3A_487 = arith.select %eq3A_484, %broadcast_in_dim3A_486, %select_n3A_481 : vector<16x1xi1>, vector<16x1xf32>
      %eq3A_488 = arith.constant 8 : i32
      %eq3A_489 = vector.broadcast %eq3A_488 : i32 to vector<16x1xi32>
      %eq3A_490 = arith.cmpi eq, %iota3A, %eq3A_489 : vector<16x1xi32>
      %jit3A_491 = arith.constant 9.765625E-4 : f32
      %broadcast_in_dim3A_492 = vector.broadcast %jit3A_491 : f32 to vector<16x1xf32>
      %select_n3A_493 = arith.select %eq3A_490, %broadcast_in_dim3A_492, %select_n3A_487 : vector<16x1xi1>, vector<16x1xf32>
      %eq3A_494 = arith.constant 9 : i32
      %eq3A_495 = vector.broadcast %eq3A_494 : i32 to vector<16x1xi32>
      %eq3A_496 = arith.cmpi eq, %iota3A, %eq3A_495 : vector<16x1xi32>
      %jit3A_497 = arith.constant 3.25520843E-4 : f32
      %broadcast_in_dim3A_498 = vector.broadcast %jit3A_497 : f32 to vector<16x1xf32>
      %select_n3A_499 = arith.select %eq3A_496, %broadcast_in_dim3A_498, %select_n3A_493 : vector<16x1xi1>, vector<16x1xf32>
      %eq3A_500 = arith.constant 10 : i32
      %eq3A_501 = vector.broadcast %eq3A_500 : i32 to vector<16x1xi32>
      %eq3A_502 = arith.cmpi eq, %iota3A, %eq3A_501 : vector<16x1xi32>
      %jit3A_503 = arith.constant 2.44140625E-4 : f32
      %broadcast_in_dim3A_504 = vector.broadcast %jit3A_503 : f32 to vector<16x1xf32>
      %select_n3A_505 = arith.select %eq3A_502, %broadcast_in_dim3A_504, %select_n3A_499 : vector<16x1xi1>, vector<16x1xf32>
      %eq3A_506 = arith.constant 11 : i32
      %eq3A_507 = vector.broadcast %eq3A_506 : i32 to vector<16x1xi32>
      %eq3A_508 = arith.cmpi eq, %iota3A, %eq3A_507 : vector<16x1xi32>
      %jit3A_509 = arith.constant 9.765625E-4 : f32
      %broadcast_in_dim3A_510 = vector.broadcast %jit3A_509 : f32 to vector<16x1xf32>
      %select_n3A_511 = arith.select %eq3A_508, %broadcast_in_dim3A_510, %select_n3A_505 : vector<16x1xi1>, vector<16x1xf32>
      %eq3A_512 = arith.constant 12 : i32
      %eq3A_513 = vector.broadcast %eq3A_512 : i32 to vector<16x1xi32>
      %eq3A_514 = arith.cmpi eq, %iota3A, %eq3A_513 : vector<16x1xi32>
      %jit3A_515 = arith.constant 4.8828125E-4 : f32
      %broadcast_in_dim3A_516 = vector.broadcast %jit3A_515 : f32 to vector<16x1xf32>
      %select_n3A_517 = arith.select %eq3A_514, %broadcast_in_dim3A_516, %select_n3A_511 : vector<16x1xi1>, vector<16x1xf32>
      %eq3A_518 = arith.constant 13 : i32
      %eq3A_519 = vector.broadcast %eq3A_518 : i32 to vector<16x1xi32>
      %eq3A_520 = arith.cmpi eq, %iota3A, %eq3A_519 : vector<16x1xi32>
      %jit3A_521 = arith.constant 4.8828125E-4 : f32
      %broadcast_in_dim3A_522 = vector.broadcast %jit3A_521 : f32 to vector<16x1xf32>
      %select_n3A_523 = arith.select %eq3A_520, %broadcast_in_dim3A_522, %select_n3A_517 : vector<16x1xi1>, vector<16x1xf32>
      %eq3A_524 = arith.constant 14 : i32
      %eq3A_525 = vector.broadcast %eq3A_524 : i32 to vector<16x1xi32>
      %eq3A_526 = arith.cmpi eq, %iota3A, %eq3A_525 : vector<16x1xi32>
      %jit3A_527 = arith.constant 6.51041686E-4 : f32
      %broadcast_in_dim3A_528 = vector.broadcast %jit3A_527 : f32 to vector<16x1xf32>
      %select_n3A_529 = arith.select %eq3A_526, %broadcast_in_dim3A_528, %select_n3A_523 : vector<16x1xi1>, vector<16x1xf32>
      %eq3A_530 = arith.constant 15 : i32
      %eq3A_531 = vector.broadcast %eq3A_530 : i32 to vector<16x1xi32>
      %eq3A_532 = arith.cmpi eq, %iota3A, %eq3A_531 : vector<16x1xi32>
      %jit3A_533 = arith.constant 6.51041686E-4 : f32
      %broadcast_in_dim3A_534 = vector.broadcast %jit3A_533 : f32 to vector<16x1xf32>
      %select_n3A_535 = arith.select %eq3A_532, %broadcast_in_dim3A_534, %select_n3A_529 : vector<16x1xi1>, vector<16x1xf32>
      %get3A_536 = arith.constant 0 : index
      %get3A_537 = arith.constant 0 : index
      %get3A_538 = vector.load %arg2[%get3A_536, %get3A_537] : memref<16x1024xf32, #tpu.memory_space<vmem>>, vector<16x1024xf32>
      %mul3A_539 = vector.broadcast %select_n3A_535 : vector<16x1xf32> to vector<16x1024xf32>
      %mul3A_540 = arith.mulf %get3A_538, %mul3A_539 : vector<16x1024xf32>
      %swap3A_541 = arith.constant 0 : index
      %swap3A_542 = arith.constant 0 : index
      %swap3A_543 = vector.load %arg2[%swap3A_541, %swap3A_542] : memref<16x1024xf32, #tpu.memory_space<vmem>>, vector<16x1024xf32>
      tpu.vector_store %arg2[%swap3A_541, %swap3A_542], %mul3A_540 {strides = array<i32>} : memref<16x1024xf32, #tpu.memory_space<vmem>>, vector<16x1024xf32>,
    } else {
    }
    return
  }
  func.func @transform_0(%arg0: i32) -> (i32, i32) {
    %add3A = arith.constant 3 : i32
    %add3A_0 = arith.addi %arg0, %add3A : i32
    %c0_i32 = arith.constant 0 : i32
    %c0_i32_1 = arith.constant 0 : i32
    return %add3A_0, %c0_i32 : i32, i32
  }
  func.func @transform_1(%arg0: i32) -> (i32, i32) {
    %c0_i32 = arith.constant 0 : i32
    %c0_i32_0 = arith.constant 0 : i32
    %c0_i32_1 = arith.constant 0 : i32
    return %c0_i32, %c0_i32_0 : i32, i32
  }
}

</mosaic_0001>

<sc_bundles>
// kernel: kernel.4.cloned.1.call-start
scs
__scs_entry_jumppad:
0x0: {  	(pc) =	sbr.rel $0x88, $3  }
0x1: {  	(tag) =	ssettag $0x0;
	lr =	simm.s32 $0x1  }
0x2: {  	[smem:$0x3FA0] =	sst lr;
	_ =	strace $0xD0000000  }
0x3: {  	_ = 	snop  }
0x4: {  	_ = 	snop  }
0x5: {  	_ = 	snop  }
0x6: {  	_ = 	snop  }
0x7: {  	_ = 	snop  }
__scs_overlays_trampoline_lowered:
0x8: {  	[smem:$0x3FAF] =	sst s0  }
0x9: {  	[smem:$0x3FB0] =	sst s1  }
0xa: {  	[smem:$0x3FB1] =	sst s2  }
0xb: {  	[smem:$0x3FB2] =	sst s3  }
0xc: {  	[smem:$0x3FB3] =	sst s4  }
0xd: {  	[smem:$0x3FB4] =	sst s5  }
0xe: {  	[smem:$0x3FB5] =	sst s6  }
0xf: {  	[smem:$0x3FB6] =	sst s7  }
0x10: {  	[smem:$0x3FB7] =	sst s8  }
0x11: {  	[smem:$0x3FB8] =	sst s9;
	s0 =	simm.s32 @!p0 $0x0  }
0x12: {  	s1 =	sld [smem:$0x3F9E];
	s0 =	simm.s32 @p0 $0x1  }
0x13: {  	[smem:$0x3FB9] =	sst s0;
	s0 =	simm.s32 @!p1 $0x0  }
0x14: {  	s2 =	sld [smem:$0x3F9D];
	s0 =	simm.s32 @p1 $0x1  }
0x15: {  	[smem:$0x3FBA] =	sst s0;
	s0 =	simm.s32 @!p2 $0x0  }
0x16: {  	s3 =	sld [smem:$0x3FDB];
	s0 =	simm.s32 @p2 $0x1  }
0x17: {  	s4 =	simm.s32 $0x1BF5;
	[smem:$0x3FBC] =	sst s0  }
0x18: {  	s0 =	sld [smem:$0x3F9F];
	_ =	swait.ge [sflag:s4], $0x0  }
0x19: {  	s7 =	sld [smem:$0x3FA0]  }
0x1a: {  	s8 =	sadd.s32 $0xFFFFE003, lr  }
0x1b: {  	s9 =	sadd.s32 $0xFFFFFEF7, lr;
	s5 =	simm.s32 $0xFFFFFFFF;
	p2 =	slt.u32 s8, $0xFFFFF086  }
0x1c: {  	p1 =	slt.u32 s9, $0xF7A;
	s5 =	simm.s32 @!p2 $0x0  }
0x1d: {  	s5 =	simm.s32 @p1 $0x1;
	p0 =	seq.s32 s7, s2  }
0x1e: {  	s7 =	smul.u32 @!p0 $0xF7A, s2;
	p2 =	seq.s32 @!p0 s5, $0x0  }
0x1f: {  	s9 =	smul.u32 $0xF7A, s1;
	s8 =	simm.s32 @!p0 $0x1BF5;
	p2 =	por !p2, p0  }
0x20: {  	[sflag:s8] =	ssyncset.s32 @!p0 $0xFFFFF086;
	s6 =	sadd.s32 @!p0 s3, s7;
	s7 =	simm.s32 @!p0 $0x108  }
0x21: {  	s3 =	sadd.s32 s3, s9;
	s6 =	sadd.s32 @!p0 $0x88, s6;
	s7 =	simm.s32 @p2 $0x1082  }
0x22: {  	[simem:s7], [sflag:s8] =	dma.local @!p0 [hbm:s6], $0xF7A  }
0x23: {  	s9 =	sor.u32 $0xD0000000, s2;
	s6 =	simm.s32 $0x108;
	_ =	swait.ge @!p0 [sflag:s8], $0x0  }
0x24: {  	s3 =	sadd.s32 $0x88, s3;
	s6 =	simm.s32 @!p1 $0x1082;
	[sflag:s4] =	ssyncset.s32 $0xFFFFF086  }
0x25: {  	[simem:s6], [sflag:s4] =	dma.local [hbm:s3], $0xF7A  }
0x26: {  	[smem:$0x3FA0] =	sst s1;
	(tag) =	ssettag s2;
	_ =	strace s9  }
0x27: {  	s1 =	sld [smem:$0x3FB0]  }
0x28: {  	s2 =	sld [smem:$0x3FB1]  }
0x29: {  	s4 =	sld [smem:$0x3FB3]  }
0x2a: {  	p0 =	seq.s32 s5, $0x0;
	s5 =	sld [smem:$0x3FB4]  }
0x2b: {  	s6 =	sld [smem:$0x3FB5]  }
0x2c: {  	s7 =	sld [smem:$0x3FB6]  }
0x2d: {  	s3 =	simm.s32 $0x108;
	s8 =	sld [smem:$0x3FB7]  }
0x2e: {  	s3 =	simm.s32 @!p0 $0x1082;
	s9 =	sld [smem:$0x3FB8]  }
0x2f: {  	lr =	sadd.s32 s0, s3;
	s0 =	sld [smem:$0x3FAF]  }
0x30: {  	s3 =	sld [smem:$0x3FB2]  }
0x31: {  	[smem:$0x3FBB] =	sst s10  }
0x32: {  	s10 =	sld [smem:$0x3FB9];
	_ =	sdelay $0x3  }
0x33: {  	p0 =	seq.s32 s10, $0x1;
	s10 =	sld [smem:$0x3FBB];
	_ =	sdelay $0x3  }
0x34: {  	[smem:$0x3FBB] =	sst s10  }
0x35: {  	s10 =	sld [smem:$0x3FBA];
	_ =	sdelay $0x3  }
0x36: {  	p1 =	seq.s32 s10, $0x1;
	s10 =	sld [smem:$0x3FBB];
	_ =	sdelay $0x3  }
0x37: {  	[smem:$0x3FBB] =	sst s10  }
0x38: {  	s10 =	sld [smem:$0x3FBC]  }
0x39: {  	_ = 	snop;
	(pc) =	sbr.ind lr, $3  }
0x3a: {  	_ = 	snop  }
0x3b: {  	_ = 	snop  }
0x3c: {  	p2 =	seq.s32 s10, $0x1;
	s10 =	sld [smem:$0x3FBB]  }
0x3d: {  	_ =	shalt  }
0x3e: {  	_ =	shalt  }
0x3f: {  	_ =	shalt  }
0x40: {  	_ =	shalt  }
0x41: {  	_ =	shalt  }
0x42: {  	_ =	shalt  }
0x43: {  	_ =	shalt  }
0x44: {  	_ =	shalt  }
0x45: {  	_ =	shalt  }
0x46: {  	_ =	shalt  }
0x47: {  	_ =	shalt  }
0x48: {  	_ =	shalt  }
0x49: {  	_ =	shalt  }
0x4a: {  	_ =	shalt  }
0x4b: {  	_ =	shalt  }
0x4c: {  	_ =	shalt  }
0x4d: {  	_ =	shalt  }
0x4e: {  	_ =	shalt  }
0x4f: {  	_ =	shalt  }
0x50: {  	_ =	shalt  }
0x51: {  	_ =	shalt  }
0x52: {  	_ =	shalt  }
0x53: {  	_ =	shalt  }
0x54: {  	_ =	shalt  }
0x55: {  	_ =	shalt  }
0x56: {  	_ =	shalt  }
0x57: {  	_ =	shalt  }
0x58: {  	_ =	shalt  }
0x59: {  	_ =	shalt  }
0x5a: {  	_ =	shalt  }
0x5b: {  	_ =	shalt  }
0x5c: {  	_ =	shalt  }
0x5d: {  	_ =	shalt  }
0x5e: {  	_ =	shalt  }
0x5f: {  	_ =	shalt  }
0x60: {  	_ =	shalt  }
0x61: {  	_ =	shalt  }
0x62: {  	_ =	shalt  }
0x63: {  	_ =	shalt  }
0x64: {  	_ =	shalt  }
0x65: {  	_ =	shalt  }
0x66: {  	_ =	shalt  }
0x67: {  	_ =	shalt  }
0x68: {  	_ =	shalt  }
0x69: {  	_ =	shalt  }
0x6a: {  	_ =	shalt  }
0x6b: {  	_ =	shalt  }
0x6c: {  	_ =	shalt  }
0x6d: {  	_ =	shalt  }
0x6e: {  	_ =	shalt  }
0x6f: {  	_ =	shalt  }
0x70: {  	_ =	shalt  }
0x71: {  	_ =	shalt  }
0x72: {  	_ =	shalt  }
0x73: {  	_ =	shalt  }
0x74: {  	_ =	shalt  }
0x75: {  	_ =	shalt  }
0x76: {  	_ =	shalt  }
0x77: {  	_ =	shalt  }
0x78: {  	_ =	shalt  }
0x79: {  	_ =	shalt  }
0x7a: {  	_ =	shalt  }
0x7b: {  	_ =	shalt  }
0x7c: {  	_ =	shalt  }
0x7d: {  	_ =	shalt  }
0x7e: {  	_ =	shalt  }
0x7f: {  	_ =	shalt  }
0x80: {  	_ =	shalt  }
0x81: {  	_ =	shalt  }
0x82: {  	_ =	shalt  }
0x83: {  	_ =	shalt  }
0x84: {  	_ =	shalt  }
0x85: {  	_ =	shalt  }
0x86: {  	_ =	shalt  }
0x87: {  	_ =	shalt  }
.Lfunc_end0:
.L_simem_size_0:
called_computation_lowered:
.L_overlay_start_0:
0x88: {  	s0 =	sld [smem:$0x3FD9]  }
0x89: {  	s1 =	sld [smem:$0x3FFE];
	_ =	sdelay $0x3  }
0x8a: {  	s0 =	sadd.s32 s1, s0  }
0x8b: {  	[smem:$0x3FC7] =	sst s0  }
0x8c: {  	_ = 	snop  }
0x8d: {  	s0 =	sld [smem:$0x3FC9]  }
0x8e: {  	s17 =	sld [smem:$0x3FD0];
	(tm) =	ssettm $0x1  }
0x8f: {  	s2 =	sld [smem:$0x3FFB];
	_ =	sdelay $0x3  }
0x90: {  	_ =	strace s2  }
0x91: {  	s2 =	sld [smem:$0x3FFC];
	_ =	sdelay $0x3  }
0x92: {  	_ =	strace s2  }
0x93: {  	s2 =	sld [smem:$0x3FFD];
	_ =	sdelay $0x3  }
0x94: {  	_ =	strace s2  }
0x95: {  	_ =	strace $0x8FFFFFFF  }
0x96: {  	s18 =	sld [smem:$0x3FDB];
	_ =	sdelay $0x1  }
0x97: {  	s3 =	simm.s32 $_scs_section_size  }
0x98: {  	s4 =	simm.s32 $_size__tile_overlayer_lowered;
	s5 =	simm.s32 $_tile_overlayer_lowered  }
0x99: {  	s21 =	simm.s32 $0x1BFF;
	s20 =	sshll.u32 s5, $0x1;
	s2 =	sadd.s32 s3, s18  }
0x9a: {  	s6 =	simm.s32 $0x0;
	s19 =	sshll.u32 s4, $0x1;
	s4 =	sadd.s32 s20, s2  }
0x9b: {  	[timem:s6], [sflag:s21] =	dma.local [hbm:s4], s19  }
0x9c: {  	_ =	swait.ge [sflag:s21], s19  }
0x9d: {  	s3 =	ssub.s32 $0x0, s19;
	[sflag:s21] =	ssyncset.done $0x0  }
0x9e: {  	[sflag:s21] =	ssyncadd.s32 s3;
	_ =	sdelay $0x1  }
0x9f: {  	s22 =	simm.s32 $0x1B8B  }
0xa0: {  	_ =	swait.ge [sflag:s22], $0x1  }
0xa1: {  	[sflag:s22] =	ssyncset.done $0x0  }
0xa2: {  	s23 =	simm.s32 $0x1B8E;
	[sflag:s22] =	ssyncadd.s32 $0xFFFFFFFF  }
0xa3: {  	s24 =	simm.s32 $execute0_lowered;
	[smem:$0x3FD2] =	sst s23  }
0xa4: {  	s3 =	sshll.u32 s24, $0x1;
	_ =	strace $0x80000046;
	[dreg:$0x1] =	wrdreg $0xFFFFFFFF  }
0xa5: {  	s25 =	simm.s32 $_size_execute0_lowered;
	s2 =	sadd.s32 s2, s3;
	[dreg:$0x0] =	wrdreg $0x0  }
0xa6: {  	s3 =	sshll.u32 s25, $0x1;
	[dreg:$0x2] =	wrdreg s2  }
0xa7: {  	[dreg:$0x3] =	wrdreg s3  }
0xa8: {  	[dreg:$0x4] =	wrdreg $0xC0  }
0xa9: {  	_ =	task [dreg:s6], $0x5FFFF  }
0xaa: {  	[dreg:$0x1] =	wrdreg $0xFFFFFFFF  }
0xab: {  	[dreg:$0x0] =	wrdreg $0x60  }
0xac: {  	[dreg:$0x2] =	wrdreg s0  }
0xad: {  	[dreg:$0x3] =	wrdreg s17  }
0xae: {  	[dreg:$0x4] =	wrdreg $0x144000  }
0xaf: {  	[dreg:$0x5] =	wrdreg $0x9  }
0xb0: {  	_ =	task.clear_ibuf [dreg:s6], $0x6FFFF;
	_ =	strace $0x90000046  }
0xb1: {  	s26 =	simm.s32 $0x9;
	_ =	strace $0x80000048  }
0xb2: {  	_ =	swait.ge [sflag:s26], $0x1  }
0xb3: {  	[sflag:s26] =	ssyncadd.s32 $0xFFFFFFFF  }
0xb4: {  	_ =	strace $0x90000048  }
0xb5: {  	_ =	sfence  }
0xb6: {  	s28 =	sld [smem:$0x0];
	_ =	sdelay $0x1  }
0xb7: {  	s29 =	srdreg.scid  }
0xb8: {  	s30 =	sshll.u32 s29, $0xD;
	s31 =	sshrl.u32 s29, $0x2  }
0xb9: {  	s1 =	sand.u32 $0x1, s29;
	s2 =	sand.u32 $0x4000, s30;
	s0 =	sadd.s32 s31, s28  }
0xba: {  	s1 =	sor.u32 s2, s1;
	s0 =	sshll.u32 s0, $0x11  }
0xbb: {  	s0 =	sor.u32 s0, s1  }
0xbc: {  	s0 =	sadd.s32 $0x8F2B, s0  }
0xbd: {  	[sflag:s0] =	ssyncadd.remote.s32 $0x1  }
0xbe: {  	_ =	sfence.sel $0xFFFF  }
0xbf: {  	[dreg:$0x0] =	wrdreg $0xFFFFFFFF;
	(pc) =	sbr.abs _section_cstart, $3  }
0xc0: {  	[dreg:$0x1] =	wrdreg $0xFFFFFFFF  }
0xc1: {  	_ =	task.clear_ibuf [dreg:s6], $0x2FFFF;
	_ =	strace $0x9FFFFFFF  }
0xc2: {  	(tm) =	ssettm $0x7FFFFFFF  }
0xc3: {  	_ =	shalt  }
tec
execute0_lowered:
.L_overlay_start_1:
0x0: {  	(tag) =	ssettag $0x1  }
0x1: {  	s3 =	rddreg [dreg:$0x0]  }
0x2: {  	s2 =	rddreg [dreg:$0x1];
	s1 =	stileid.u32  }
0x3: {  	s4 =	rddreg [dreg:$0x2];
	s6 =	smul.u32 $0xC000, s1  }
0x4: {  	s0 =	rddreg [dreg:$0x3];
	s5 =	simm.s32 $0x0  }
0x5: {  	s8 =	simm.s32 $0x200;
	[smem:$0x7FF] =	sst s5;
	s6 =	sadd.s32 s3, s6  }
0x6: {  	v0 =	vimm.f32 $0.0e+00;
	s5 =	simm.s32 $0x0;
	_ =	strace $0x80000047;
	s7 =	sadd.s32 $0x1000, s6  }
.LBB2_1:
0x7: {  	p0 =	sne.s32 s8, $0xFE00;
	[tilespmem:s5+$0x10070] =	vst v0  }
0x8: {  	[tilespmem:s5+$0x10000] =	vst v0  }
0x9: {  	[tilespmem:s5+$0x10010] =	vst v0  }
.Ltmp0:
0xa: {  	[tilespmem:s5+$0x10020] =	vst v0;
	(pc) =	sbr.rel @p0 .LBB2_1-.Ltmp0, $4  }
0xb: {  	[tilespmem:s5+$0x10030] =	vst v0  }
0xc: {  	[tilespmem:s5+$0x10040] =	vst v0  }
0xd: {  	[tilespmem:s5+$0x10050] =	vst v0  }
0xe: {  	[tilespmem:s5+$0x10060] =	vst v0;
	s5 =	sshra.s32 s8, $0x2;
	s8 =	sadd.s32 $0x200, s8  }
0xf: {  	[tilespmem:s5+$0x10070] =	vst v0  }
0x10: {  	[tilespmem:s5+$0x10000] =	vst v0  }
0x11: {  	[tilespmem:s5+$0x10010] =	vst v0  }
0x12: {  	[tilespmem:s5+$0x10020] =	vst v0  }
0x13: {  	[tilespmem:s5+$0x10030] =	vst v0  }
0x14: {  	[tilespmem:s5+$0x10040] =	vst v0  }
0x15: {  	[tilespmem:s5+$0x10050] =	vst v0  }
0x16: {  	[tilespmem:s5+$0x10060] =	vst v0;
	s5 =	simm.s32 $0x0;
	s9 =	smul.u32 $0x60000, s1;
	s10 =	simm.s32 $0x1  }
0x17: {  	[tilespmem:s5], [sflag:$0x1] =	stream.linear.gather [hbm4b:s6+s5], $0x8000, $0x38;
	[tilespmem:$0x18400] =	vst v63  }
0x18: {  	s11 =	simm.s32 $0x2;
	s12 =	simm.s32 $0x0;
	s6 =	simm.s32 $0x8000  }
0x19: {  	[tilespmem:s6], [sflag:$0x2] =	stream.linear.gather [hbm4b:s7+s5], $0x8000, $0x38;
	[tilespmem:$0x18400] =	vst v63  }
0x1a: {  	s8 =	sor.u32 $0x10000, s9;
	s9 =	sor.u32 $0x18000, s9;
	s7 =	smul.u32 $0x180, s1  }
.LBB2_3:
0x1b: {  	_ =	swait.ge [sflag:s10], $0x8000  }
0x1c: {  	s15 =	sand.u32 $0x70, s5;
	s13 =	sand.u32 $0x1C00, s5;
	[sflag:s10] =	ssyncset.done $0x0  }
0x1d: {  	s17 =	sor.u32 s15, s13;
	[sflag:s10] =	ssyncadd.s32 $0xFFFF8000  }
0x1e: {  	v16 =	vld [tilespmem:s17+$0x80]  }
0x1f: {  	v17 =	vld [tilespmem:s17+$0x0]  }
0x20: {  	v19 =	vld [tilespmem:s17+$0x100]  }
0x21: {  	v20 =	vld [tilespmem:s17+$0x180]  }
0x22: {  	v21 =	vld [tilespmem:s17+$0x200]  }
0x23: {  	s30 =	sor.u32 s5, s5;
	v22 =	vld [tilespmem:s17+$0x280]  }
0x24: {  	s13 =	sor.u32 $0x380, s30;
	v23 =	vld [tilespmem:s17+$0x300]  }
0x25: {  	v24 =	vld [tilespmem:s13+$0x0]  }
0x26: {  	v25 =	vld [tilespmem:s17+$0x2000]  }
0x27: {  	v26 =	vld [tilespmem:s17+$0x2080]  }
0x28: {  	v27 =	vld [tilespmem:s17+$0x2100]  }
0x29: {  	v28 =	vld [tilespmem:s17+$0x2180]  }
0x2a: {  	v3 =	vld [tilespmem:s17+$0x2200]  }
0x2b: {  	v6 =	vld [tilespmem:s17+$0x2280]  }
0x2c: {  	v7 =	vld [tilespmem:s17+$0x2300]  }
0x2d: {  	v9 =	vld [tilespmem:s17+$0x2380]  }
0x2e: {  	v0 =	vld [tilespmem:s17+$0x4000]  }
0x2f: {  	v1 =	vld [tilespmem:s17+$0x4080]  }
0x30: {  	v2 =	vld [tilespmem:s17+$0x4100]  }
0x31: {  	v4 =	vld [tilespmem:s17+$0x4180]  }
0x32: {  	v5 =	vld [tilespmem:s17+$0x4200]  }
0x33: {  	v8 =	vld [tilespmem:s17+$0x4280]  }
0x34: {  	v10 =	vld [tilespmem:s17+$0x4300]  }
0x35: {  	s14 =	sshll.u32 s12, $0x6;
	v11 =	vld [tilespmem:s17+$0x4380]  }
0x36: {  	s16 =	simm.s32 $0x1;
	s31 =	sadd.s32 s7, s14;
	v12 =	vld [tilespmem:s17+$0x6000]  }
0x37: {  	p0 =	sgt.u32 s31, $0x3FF;
	p1 =	sgt.u32 s31, $0xFFF;
	s13 =	simm.s32 $0x1;
	v13 =	vld [tilespmem:s17+$0x6080]  }
0x38: {  	s16 =	simm.s32 @!p0 $0x0;
	v14 =	vld [tilespmem:s17+$0x6100];
	s13 =	simm.s32 @!p1 $0x0  }
0x39: {  	v15 =	vld [tilespmem:s17+$0x6180];
	s13 =	sadd.s32 s13, s16;
	v18 =	vadd.f32 v16, v17;
	v19 =	vadd.f32 v20, v19  }
0x3a: {  	s18 =	simm.s32 $0x10;
	s13 =	sshll.u32 s13, $0xA;
	v16 =	vld [tilespmem:s17+$0x6200];
	v20 =	vadd.f32 v22, v21;
	v21 =	vadd.f32 v24, v23  }
0x3b: {  	s19 =	simm.s32 $0x0;
	s16 =	sor.u32 $0x10000, s13;
	s13 =	simm.s32 $0x0;
	v17 =	vld [tilespmem:s17+$0x6280];
	v22 =	vadd.f32 v26, v25;
	v23 =	vadd.f32 v28, v27  }
.LBB2_4:
0x3c: {  	p0 =	sne.s32 s18, $0x3F0;
	v24 =	vld [tilespmem:s17+$0x6300];
	v3 =	vadd.f32 v6, v3;
	v6 =	vadd.f32 v9, v7  }
0x3d: {  	v9 =	vadd.f32 v19, v18;
	v18 =	vadd.f32 v21, v20;
	v7 =	vld [tilespmem:s17+$0x6380]  }
0x3e: {  	v19 =	vadd.f32 v23, v22;
	v3 =	vadd.f32 v6, v3  }
0x3f: {  	v0 =	vadd.f32 v1, v0;
	v1 =	vadd.f32 v4, v2  }
0x40: {  	v2 =	vadd.f32 v8, v5;
	v4 =	vadd.f32 v11, v10  }
0x41: {  	v5 =	vadd.f32 v13, v12;
	v6 =	vadd.f32 v15, v14  }
0x42: {  	v8 =	vadd.f32 v17, v16;
	v7 =	vadd.f32 v7, v24  }
0x43: {  	v0 =	vadd.f32 v1, v0;
	v1 =	vadd.f32 v4, v2  }
0x44: {  	v2 =	vadd.f32 v6, v5;
	v4 =	vadd.f32 v7, v8  }
0x45: {  	v5 =	vadd.f32 v18, v9;
	v3 =	vadd.f32 v3, v19  }
0x46: {  	v0 =	vadd.f32 v1, v0;
	v1 =	vadd.f32 v4, v2;
	_ =	sdelay $0x1  }
0x47: {  	v2 =	vadd.f32 v3, v5;
	v0 =	vadd.f32 v1, v0  }
0x48: {  	s17 =	sand.u32 $0x380, s13;
	s13 =	smov.u32 s18  }
0x49: {  	s19 =	sadd.s32 $0x80, s19;
	s17 =	sadd.s32 s17, s16;
	v0 =	vadd.f32 v0, v2  }
0x4a: {  	s20 =	sand.u32 $0x1C00, s19;
	s21 =	sadd.s32 s15, s17;
	s15 =	sand.u32 $0x70, s18  }
0x4b: {  	s17 =	sor.u32 s15, s20;
	[tilespmem:s21+$0x0] =	vst.add.f32.msk $0xffff, v0  }
0x4c: {  	v16 =	vld [tilespmem:s17+$0x80]  }
0x4d: {  	v17 =	vld [tilespmem:s17+$0x0]  }
0x4e: {  	v19 =	vld [tilespmem:s17+$0x100]  }
0x4f: {  	v20 =	vld [tilespmem:s17+$0x180]  }
0x50: {  	v21 =	vld [tilespmem:s17+$0x200]  }
0x51: {  	s20 =	sor.u32 s19, s18;
	v22 =	vld [tilespmem:s17+$0x280]  }
0x52: {  	s20 =	sor.u32 $0x380, s20;
	v23 =	vld [tilespmem:s17+$0x300]  }
0x53: {  	v24 =	vld [tilespmem:s20+$0x0]  }
0x54: {  	v25 =	vld [tilespmem:s17+$0x2000]  }
0x55: {  	v26 =	vld [tilespmem:s17+$0x2080]  }
0x56: {  	v27 =	vld [tilespmem:s17+$0x2100]  }
0x57: {  	v28 =	vld [tilespmem:s17+$0x2180]  }
0x58: {  	v3 =	vld [tilespmem:s17+$0x2200]  }
0x59: {  	v6 =	vld [tilespmem:s17+$0x2280]  }
0x5a: {  	v7 =	vld [tilespmem:s17+$0x2300]  }
0x5b: {  	v9 =	vld [tilespmem:s17+$0x2380]  }
0x5c: {  	v0 =	vld [tilespmem:s17+$0x4000]  }
0x5d: {  	v1 =	vld [tilespmem:s17+$0x4080]  }
0x5e: {  	v2 =	vld [tilespmem:s17+$0x4100]  }
0x5f: {  	v4 =	vld [tilespmem:s17+$0x4180]  }
0x60: {  	v5 =	vld [tilespmem:s17+$0x4200]  }
0x61: {  	v8 =	vld [tilespmem:s17+$0x4280]  }
0x62: {  	v10 =	vld [tilespmem:s17+$0x4300]  }
0x63: {  	v11 =	vld [tilespmem:s17+$0x4380]  }
0x64: {  	v12 =	vld [tilespmem:s17+$0x6000]  }
.Ltmp1:
0x65: {  	v13 =	vld [tilespmem:s17+$0x6080];
	(pc) =	sbr.rel @p0 .LBB2_4-.Ltmp1, $4  }
0x66: {  	v14 =	vld [tilespmem:s17+$0x6100]  }
0x67: {  	v18 =	vadd.f32 v16, v17;
	v19 =	vadd.f32 v20, v19;
	v15 =	vld [tilespmem:s17+$0x6180]  }
0x68: {  	v20 =	vadd.f32 v22, v21;
	v21 =	vadd.f32 v24, v23;
	v16 =	vld [tilespmem:s17+$0x6200]  }
0x69: {  	s18 =	sadd.s32 $0x10, s18;
	v22 =	vadd.f32 v26, v25;
	v23 =	vadd.f32 v28, v27;
	v17 =	vld [tilespmem:s17+$0x6280]  }
0x6a: {  	v24 =	vld [tilespmem:s17+$0x6300];
	v3 =	vadd.f32 v6, v3;
	v6 =	vadd.f32 v9, v7  }
0x6b: {  	v7 =	vld [tilespmem:s17+$0x6380];
	v9 =	vadd.f32 v19, v18;
	v18 =	vadd.f32 v21, v20  }
0x6c: {  	v0 =	vadd.f32 v1, v0;
	v1 =	vadd.f32 v4, v2  }
0x6d: {  	v2 =	vadd.f32 v8, v5;
	v4 =	vadd.f32 v11, v10  }
0x6e: {  	v5 =	vadd.f32 v13, v12;
	v19 =	vadd.f32 v23, v22  }
0x6f: {  	v3 =	vadd.f32 v6, v3;
	v6 =	vadd.f32 v15, v14  }
0x70: {  	v8 =	vadd.f32 v17, v16;
	v7 =	vadd.f32 v7, v24  }
0x71: {  	v0 =	vadd.f32 v1, v0;
	v1 =	vadd.f32 v4, v2  }
0x72: {  	v2 =	vadd.f32 v6, v5;
	v4 =	vadd.f32 v7, v8  }
0x73: {  	v5 =	vadd.f32 v18, v9;
	v3 =	vadd.f32 v3, v19  }
0x74: {  	v0 =	vadd.f32 v1, v0;
	v1 =	vadd.f32 v4, v2;
	_ =	sdelay $0x1  }
0x75: {  	v2 =	vadd.f32 v3, v5;
	v0 =	vadd.f32 v1, v0  }
0x76: {  	s30 =	sand.u32 $0x380, s13;
	s13 =	sshll.u32 s12, $0x10;
	p0 =	seq.s32 s12, $0x5  }
0x77: {  	s16 =	sadd.s32 s30, s16;
	s17 =	sadd.s32 @!p0 s13, s8;
	v0 =	vadd.f32 v0, v2  }
0x78: {  	s15 =	sadd.s32 s15, s16;
	s16 =	sshrl.u32 @!p0 s17, $0x3  }
0x79: {  	[tilespmem:s15+$0x0] =	vst.add.f32.msk $0xffff, v0;
	s15 =	sadd.s32 @!p0 s3, s16;
	s16 =	simm.s32 @!p0 $0x0  }
0x7a: {  	[tilespmem:s16], [sflag:$0x1] =	stream.linear.gather @!p0 [hbm4b:s15+s16], $0x8000, $0x38;
	[tilespmem:$0x18400] =	vst v63  }
0x7b: {  	s16 =	simm.s32 $0x0;
	_ =	swait.ge [sflag:s11], $0x8000  }
0x7c: {  	s15 =	sand.u32 $0x70, s16;
	s31 =	sand.u32 $0x1C00, s16;
	[sflag:s11] =	ssyncset.done $0x0  }
0x7d: {  	s17 =	sor.u32 s15, s31;
	[sflag:s11] =	ssyncadd.s32 $0xFFFF8000  }
0x7e: {  	v16 =	vld [tilespmem:s17+$0x8080]  }
0x7f: {  	v17 =	vld [tilespmem:s17+$0x8000]  }
0x80: {  	v19 =	vld [tilespmem:s17+$0x8100]  }
0x81: {  	v20 =	vld [tilespmem:s17+$0x8180]  }
0x82: {  	v21 =	vld [tilespmem:s17+$0x8200]  }
0x83: {  	s18 =	sor.u32 s16, s16;
	v22 =	vld [tilespmem:s17+$0x8280]  }
0x84: {  	s18 =	sor.u32 $0x380, s18;
	v23 =	vld [tilespmem:s17+$0x8300]  }
0x85: {  	v63 =	vld [tilespmem:s18+$0x8000]  }
0x86: {  	v25 =	vld [tilespmem:s17+$0xA000]  }
0x87: {  	v26 =	vld [tilespmem:s17+$0xA080]  }
0x88: {  	v27 =	vld [tilespmem:s17+$0xA100]  }
0x89: {  	v28 =	vld [tilespmem:s17+$0xA180]  }
0x8a: {  	v3 =	vld [tilespmem:s17+$0xA200]  }
0x8b: {  	v6 =	vld [tilespmem:s17+$0xA280]  }
0x8c: {  	v7 =	vld [tilespmem:s17+$0xA300]  }
0x8d: {  	v9 =	vld [tilespmem:s17+$0xA380]  }
0x8e: {  	v0 =	vld [tilespmem:s17+$0xC000]  }
0x8f: {  	v1 =	vld [tilespmem:s17+$0xC080]  }
0x90: {  	v2 =	vld [tilespmem:s17+$0xC100]  }
0x91: {  	v4 =	vld [tilespmem:s17+$0xC180]  }
0x92: {  	v5 =	vld [tilespmem:s17+$0xC200]  }
0x93: {  	v8 =	vld [tilespmem:s17+$0xC280]  }
0x94: {  	s14 =	sadd.s32 s14, s7;
	v10 =	vld [tilespmem:s17+$0xC300]  }
0x95: {  	s14 =	sadd.s32 $0x20, s14;
	v11 =	vld [tilespmem:s17+$0xC380]  }
0x96: {  	p1 =	sgt.u32 s14, $0x3FF;
	v12 =	vld [tilespmem:s17+$0xE000]  }
0x97: {  	p2 =	sgt.u32 s14, $0xFFF;
	s14 =	simm.s32 $0x1;
	s18 =	simm.s32 $0x1;
	v13 =	vld [tilespmem:s17+$0xE080]  }
0x98: {  	s14 =	simm.s32 @!p2 $0x0;
	v14 =	vld [tilespmem:s17+$0xE100];
	s18 =	simm.s32 @!p1 $0x0  }
0x99: {  	v15 =	vld [tilespmem:s17+$0xE180];
	s14 =	sadd.s32 s14, s18;
	v18 =	vadd.f32 v16, v17;
	v19 =	vadd.f32 v20, v19  }
0x9a: {  	s14 =	sshll.u32 s14, $0xA;
	v16 =	vld [tilespmem:s17+$0xE200];
	v20 =	vadd.f32 v22, v21;
	v21 =	vadd.f32 v63, v23  }
0x9b: {  	s19 =	simm.s32 $0x0;
	s18 =	simm.s32 $0x10;
	s14 =	sor.u32 $0x10000, s14;
	v17 =	vld [tilespmem:s17+$0xE280];
	v22 =	vadd.f32 v26, v25;
	v23 =	vadd.f32 v28, v27  }
.LBB2_6:
0x9c: {  	p1 =	sne.s32 s18, $0x3F0;
	v24 =	vld [tilespmem:s17+$0xE300];
	v3 =	vadd.f32 v6, v3;
	v6 =	vadd.f32 v9, v7  }
0x9d: {  	v9 =	vadd.f32 v19, v18;
	v18 =	vadd.f32 v21, v20;
	v7 =	vld [tilespmem:s17+$0xE380]  }
0x9e: {  	v19 =	vadd.f32 v23, v22;
	v3 =	vadd.f32 v6, v3  }
0x9f: {  	v0 =	vadd.f32 v1, v0;
	v1 =	vadd.f32 v4, v2  }
0xa0: {  	v2 =	vadd.f32 v8, v5;
	v4 =	vadd.f32 v11, v10  }
0xa1: {  	v5 =	vadd.f32 v13, v12;
	v6 =	vadd.f32 v15, v14  }
0xa2: {  	v8 =	vadd.f32 v17, v16;
	v7 =	vadd.f32 v7, v24  }
0xa3: {  	v0 =	vadd.f32 v1, v0;
	v1 =	vadd.f32 v4, v2  }
0xa4: {  	v2 =	vadd.f32 v6, v5;
	v4 =	vadd.f32 v7, v8  }
0xa5: {  	v5 =	vadd.f32 v18, v9;
	v3 =	vadd.f32 v3, v19  }
0xa6: {  	v0 =	vadd.f32 v1, v0;
	v1 =	vadd.f32 v4, v2;
	_ =	sdelay $0x1  }
0xa7: {  	v2 =	vadd.f32 v3, v5;
	v0 =	vadd.f32 v1, v0  }
0xa8: {  	s17 =	sand.u32 $0x380, s16;
	s16 =	smov.u32 s18  }
0xa9: {  	s19 =	sadd.s32 $0x80, s19;
	s17 =	sadd.s32 s17, s14;
	v0 =	vadd.f32 v0, v2  }
0xaa: {  	s20 =	sand.u32 $0x1C00, s19;
	s21 =	sadd.s32 s15, s17;
	s15 =	sand.u32 $0x70, s18  }
0xab: {  	s17 =	sor.u32 s15, s20;
	[tilespmem:s21+$0x0] =	vst.add.f32.msk $0xffff, v0  }
0xac: {  	v16 =	vld [tilespmem:s17+$0x8080]  }
0xad: {  	v17 =	vld [tilespmem:s17+$0x8000]  }
0xae: {  	v19 =	vld [tilespmem:s17+$0x8100]  }
0xaf: {  	v20 =	vld [tilespmem:s17+$0x8180]  }
0xb0: {  	v21 =	vld [tilespmem:s17+$0x8200]  }
0xb1: {  	s20 =	sor.u32 s19, s18;
	v22 =	vld [tilespmem:s17+$0x8280]  }
0xb2: {  	s20 =	sor.u32 $0x380, s20;
	v23 =	vld [tilespmem:s17+$0x8300]  }
0xb3: {  	v24 =	vld [tilespmem:s20+$0x8000]  }
0xb4: {  	v25 =	vld [tilespmem:s17+$0xA000]  }
0xb5: {  	v26 =	vld [tilespmem:s17+$0xA080]  }
0xb6: {  	v27 =	vld [tilespmem:s17+$0xA100]  }
0xb7: {  	v28 =	vld [tilespmem:s17+$0xA180]  }
0xb8: {  	v3 =	vld [tilespmem:s17+$0xA200]  }
0xb9: {  	v6 =	vld [tilespmem:s17+$0xA280]  }
0xba: {  	v7 =	vld [tilespmem:s17+$0xA300]  }
0xbb: {  	v9 =	vld [tilespmem:s17+$0xA380]  }
0xbc: {  	v0 =	vld [tilespmem:s17+$0xC000]  }
0xbd: {  	v1 =	vld [tilespmem:s17+$0xC080]  }
0xbe: {  	v2 =	vld [tilespmem:s17+$0xC100]  }
0xbf: {  	v4 =	vld [tilespmem:s17+$0xC180]  }
0xc0: {  	v5 =	vld [tilespmem:s17+$0xC200]  }
0xc1: {  	v8 =	vld [tilespmem:s17+$0xC280]  }
0xc2: {  	v10 =	vld [tilespmem:s17+$0xC300]  }
0xc3: {  	v11 =	vld [tilespmem:s17+$0xC380]  }
0xc4: {  	v12 =	vld [tilespmem:s17+$0xE000]  }
.Ltmp2:
0xc5: {  	v13 =	vld [tilespmem:s17+$0xE080];
	(pc) =	sbr.rel @p1 .LBB2_6-.Ltmp2, $4  }
0xc6: {  	v14 =	vld [tilespmem:s17+$0xE100]  }
0xc7: {  	v18 =	vadd.f32 v16, v17;
	v19 =	vadd.f32 v20, v19;
	v15 =	vld [tilespmem:s17+$0xE180]  }
0xc8: {  	v20 =	vadd.f32 v22, v21;
	v21 =	vadd.f32 v24, v23;
	v16 =	vld [tilespmem:s17+$0xE200]  }
0xc9: {  	s18 =	sadd.s32 $0x10, s18;
	v22 =	vadd.f32 v26, v25;
	v23 =	vadd.f32 v28, v27;
	v17 =	vld [tilespmem:s17+$0xE280]  }
0xca: {  	v24 =	vld [tilespmem:s17+$0xE300];
	v3 =	vadd.f32 v6, v3;
	v47 =	vadd.f32 v9, v7  }
0xcb: {  	v48 =	vld [tilespmem:s17+$0xE380];
	v49 =	vadd.f32 v19, v18;
	v50 =	vadd.f32 v21, v20  }
0xcc: {  	v0 =	vadd.f32 v1, v0;
	v52 =	vadd.f32 v4, v2  }
0xcd: {  	v53 =	vadd.f32 v8, v5;
	v54 =	vadd.f32 v11, v10  }
0xce: {  	v55 =	vadd.f32 v13, v12;
	v51 =	vadd.f32 v23, v22  }
0xcf: {  	v3 =	vadd.f32 v47, v3;
	v56 =	vadd.f32 v15, v14  }
0xd0: {  	v57 =	vadd.f32 v17, v16;
	v7 =	vadd.f32 v48, v24  }
0xd1: {  	v0 =	vadd.f32 v52, v0;
	v58 =	vadd.f32 v54, v53  }
0xd2: {  	v59 =	vadd.f32 v56, v55;
	v60 =	vadd.f32 v7, v57  }
0xd3: {  	v61 =	vadd.f32 v50, v49;
	v3 =	vadd.f32 v3, v51  }
0xd4: {  	v0 =	vadd.f32 v58, v0;
	v62 =	vadd.f32 v60, v59;
	_ =	sdelay $0x1  }
.Ltmp3:
0xd5: {  	v63 =	vadd.f32 v3, v61;
	v0 =	vadd.f32 v62, v0;
	(pc) =	sbr.rel @p0 .LBB2_9-.Ltmp3, $4  }
0xd6: {  	s16 =	sand.u32 $0x380, s16  }
0xd7: {  	s14 =	sadd.s32 s16, s14;
	v0 =	vadd.f32 v0, v63  }
0xd8: {  	s14 =	sadd.s32 s15, s14  }
0xd9: {  	[tilespmem:s14+$0x0] =	vst.add.f32.msk $0xffff, v0  }
.Ltmp4:
0xda: {  	(pc) =	sbr.rel .LBB2_3-.Ltmp4, $4  }
0xdb: {  	s13 =	sadd.s32 s13, s9  }
0xdc: {  	s13 =	sshrl.u32 s13, $0x3  }
0xdd: {  	s12 =	sadd.s32 $0x1, s12;
	s13 =	sadd.s32 s3, s13  }
0xde: {  	[tilespmem:s6], [sflag:$0x2] =	stream.linear.gather [hbm4b:s13+s5], $0x8000, $0x38;
	[tilespmem:$0x18400] =	vst v63  }
.LBB2_9:
0xdf: {  	s3 =	sshll.u32 s1, $0xE  }
0xe0: {  	s5 =	simm.s32 $0x10000;
	s3 =	sadd.s32 s3, s4  }
0xe1: {  	[spmem:s3] =	stream.linear.scatter [tilespmem:s5], [sflag:$0x3], $0x4000, $0x38;
	[tilespmem:$0x18400] =	vst v63  }
0xe2: {  	s5 =	simm.s32 $0x3  }
0xe3: {  	_ =	swait.ge [sflag:s5], $0x4000  }
0xe4: {  	[sflag:s5] =	ssyncset.done $0x0  }
0xe5: {  	s3 =	sshll.u32 s1, $0xA;
	[sflag:s5] =	ssyncadd.s32 $0xFFFFC000  }
0xe6: {  	s6 =	sadd.s32 s3, s4;
	s4 =	simm.s32 $0x0;
	[bflag:$0x0] =	sbarrier.arrive $0xFFFF  }
0xe7: {  	[tilespmem:s4], [sflag:$0x3] =	stream.linear.gather [spmem:s6], $0x80, $0x38;
	[tilespmem:$0x18400] =	vst v63  }
0xe8: {  	s8 =	simm.s32 $0x400;
	s7 =	sadd.s32 $0x80, s6  }
0xe9: {  	[tilespmem:s8], [sflag:$0x3] =	stream.linear.gather [spmem:s7], $0x80, $0x38;
	[tilespmem:$0x18400] =	vst v63  }
0xea: {  	s18 =	simm.s32 $0x800;
	s17 =	sadd.s32 $0x100, s6  }
0xeb: {  	[tilespmem:s18], [sflag:$0x3] =	stream.linear.gather [spmem:s17], $0x80, $0x38;
	[tilespmem:$0x18400] =	vst v63  }
0xec: {  	s20 =	simm.s32 $0xC00;
	s19 =	sadd.s32 $0x180, s6  }
0xed: {  	[tilespmem:s20], [sflag:$0x3] =	stream.linear.gather [spmem:s19], $0x80, $0x38;
	[tilespmem:$0x18400] =	vst v63  }
0xee: {  	s22 =	simm.s32 $0x1000;
	s21 =	sadd.s32 $0x200, s6  }
0xef: {  	[tilespmem:s22], [sflag:$0x3] =	stream.linear.gather [spmem:s21], $0x80, $0x38;
	[tilespmem:$0x18400] =	vst v63  }
0xf0: {  	s24 =	simm.s32 $0x1400;
	s23 =	sadd.s32 $0x280, s6  }
0xf1: {  	[tilespmem:s24], [sflag:$0x3] =	stream.linear.gather [spmem:s23], $0x80, $0x38;
	[tilespmem:$0x18400] =	vst v63  }
0xf2: {  	s26 =	simm.s32 $0x1800;
	s25 =	sadd.s32 $0x300, s6  }
0xf3: {  	[tilespmem:s26], [sflag:$0x3] =	stream.linear.gather [spmem:s25], $0x80, $0x38;
	[tilespmem:$0x18400] =	vst v63  }
0xf4: {  	s29 =	simm.s32 $0x1C00;
	s28 =	sadd.s32 $0x380, s6  }
0xf5: {  	[tilespmem:s29], [sflag:$0x3] =	stream.linear.gather [spmem:s28], $0x80, $0x38;
	[tilespmem:$0x18400] =	vst v63  }
0xf6: {  	_ =	swait.ge [sflag:s5], $0x400  }
0xf7: {  	[sflag:s5] =	ssyncset.done $0x0  }
0xf8: {  	s31 =	simm.s32 $0x80;
	s30 =	sadd.s32 $0x4000, s6;
	[sflag:s5] =	ssyncadd.s32 $0xFFFFFC00  }
0xf9: {  	[tilespmem:s31], [sflag:$0x3] =	stream.linear.gather [spmem:s30], $0x80, $0x38;
	[tilespmem:$0x18400] =	vst v63  }
0xfa: {  	s10 =	simm.s32 $0x480;
	s9 =	sadd.s32 $0x4080, s6  }
0xfb: {  	[tilespmem:s10], [sflag:$0x3] =	stream.linear.gather [spmem:s9], $0x80, $0x38;
	[tilespmem:$0x18400] =	vst v63  }
0xfc: {  	s12 =	simm.s32 $0x880;
	s11 =	sadd.s32 $0x4100, s6  }
0xfd: {  	[tilespmem:s12], [sflag:$0x3] =	stream.linear.gather [spmem:s11], $0x80, $0x38;
	[tilespmem:$0x18400] =	vst v63  }
0xfe: {  	s14 =	simm.s32 $0xC80;
	s13 =	sadd.s32 $0x4180, s6  }
0xff: {  	[tilespmem:s14], [sflag:$0x3] =	stream.linear.gather [spmem:s13], $0x80, $0x38;
	[tilespmem:$0x18400] =	vst v63  }
0x100: {  	s16 =	simm.s32 $0x1080;
	s15 =	sadd.s32 $0x4200, s6  }
0x101: {  	[tilespmem:s16], [sflag:$0x3] =	stream.linear.gather [spmem:s15], $0x80, $0x38;
	[tilespmem:$0x18400] =	vst v63  }
0x102: {  	s17 =	sadd.s32 $0x4280, s6;
	s18 =	simm.s32 $0x1480  }
0x103: {  	[tilespmem:s18], [sflag:$0x3] =	stream.linear.gather [spmem:s17], $0x80, $0x38;
	[tilespmem:$0x18400] =	vst v63  }
0x104: {  	s19 =	sadd.s32 $0x4300, s6;
	s20 =	simm.s32 $0x1880  }
0x105: {  	[tilespmem:s20], [sflag:$0x3] =	stream.linear.gather [spmem:s19], $0x80, $0x38;
	[tilespmem:$0x18400] =	vst v63  }
0x106: {  	s21 =	sadd.s32 $0x4380, s6;
	s22 =	simm.s32 $0x1C80  }
0x107: {  	[tilespmem:s22], [sflag:$0x3] =	stream.linear.gather [spmem:s21], $0x80, $0x38;
	[tilespmem:$0x18400] =	vst v63  }
0x108: {  	_ =	swait.ge [sflag:s5], $0x400  }
0x109: {  	[sflag:s5] =	ssyncset.done $0x0  }
0x10a: {  	s23 =	sadd.s32 $0x8000, s6;
	s24 =	simm.s32 $0x100;
	[sflag:s5] =	ssyncadd.s32 $0xFFFFFC00  }
0x10b: {  	[tilespmem:s24], [sflag:$0x3] =	stream.linear.gather [spmem:s23], $0x80, $0x38;
	[tilespmem:$0x18400] =	vst v63  }
0x10c: {  	s25 =	sadd.s32 $0x8080, s6;
	s26 =	simm.s32 $0x500  }
0x10d: {  	[tilespmem:s26], [sflag:$0x3] =	stream.linear.gather [spmem:s25], $0x80, $0x38;
	[tilespmem:$0x18400] =	vst v63  }
0x10e: {  	s28 =	sadd.s32 $0x8100, s6;
	s29 =	simm.s32 $0x900  }
0x10f: {  	[tilespmem:s29], [sflag:$0x3] =	stream.linear.gather [spmem:s28], $0x80, $0x38;
	[tilespmem:$0x18400] =	vst v63  }
0x110: {  	s30 =	sadd.s32 $0x8180, s6;
	s31 =	simm.s32 $0xD00  }
0x111: {  	[tilespmem:s31], [sflag:$0x3] =	stream.linear.gather [spmem:s30], $0x80, $0x38;
	[tilespmem:$0x18400] =	vst v63  }
0x112: {  	s9 =	sadd.s32 $0x8200, s6;
	s10 =	simm.s32 $0x1100  }
0x113: {  	[tilespmem:s10], [sflag:$0x3] =	stream.linear.gather [spmem:s9], $0x80, $0x38;
	[tilespmem:$0x18400] =	vst v63  }
0x114: {  	s11 =	sadd.s32 $0x8280, s6;
	s12 =	simm.s32 $0x1500  }
0x115: {  	[tilespmem:s12], [sflag:$0x3] =	stream.linear.gather [spmem:s11], $0x80, $0x38;
	[tilespmem:$0x18400] =	vst v63  }
0x116: {  	s13 =	sadd.s32 $0x8300, s6;
	s14 =	simm.s32 $0x1900  }
0x117: {  	[tilespmem:s14], [sflag:$0x3] =	stream.linear.gather [spmem:s13], $0x80, $0x38;
	[tilespmem:$0x18400] =	vst v63  }
0x118: {  	s15 =	sadd.s32 $0x8380, s6;
	s16 =	simm.s32 $0x1D00  }
0x119: {  	[tilespmem:s16], [sflag:$0x3] =	stream.linear.gather [spmem:s15], $0x80, $0x38;
	[tilespmem:$0x18400] =	vst v63  }
0x11a: {  	_ =	swait.ge [sflag:s5], $0x400  }
0x11b: {  	[sflag:s5] =	ssyncset.done $0x0  }
0x11c: {  	s17 =	sadd.s32 $0xC000, s6;
	s18 =	simm.s32 $0x180;
	[sflag:s5] =	ssyncadd.s32 $0xFFFFFC00  }
0x11d: {  	[tilespmem:s18], [sflag:$0x3] =	stream.linear.gather [spmem:s17], $0x80, $0x38;
	[tilespmem:$0x18400] =	vst v63  }
0x11e: {  	s19 =	sadd.s32 $0xC080, s6;
	s20 =	simm.s32 $0x580  }
0x11f: {  	[tilespmem:s20], [sflag:$0x3] =	stream.linear.gather [spmem:s19], $0x80, $0x38;
	[tilespmem:$0x18400] =	vst v63  }
0x120: {  	s21 =	sadd.s32 $0xC100, s6;
	s22 =	simm.s32 $0x980  }
0x121: {  	[tilespmem:s22], [sflag:$0x3] =	stream.linear.gather [spmem:s21], $0x80, $0x38;
	[tilespmem:$0x18400] =	vst v63  }
0x122: {  	s23 =	sadd.s32 $0xC180, s6;
	s24 =	simm.s32 $0xD80  }
0x123: {  	[tilespmem:s24], [sflag:$0x3] =	stream.linear.gather [spmem:s23], $0x80, $0x38;
	[tilespmem:$0x18400] =	vst v63  }
0x124: {  	s25 =	sadd.s32 $0xC200, s6;
	s26 =	simm.s32 $0x1180  }
0x125: {  	[tilespmem:s26], [sflag:$0x3] =	stream.linear.gather [spmem:s25], $0x80, $0x38;
	[tilespmem:$0x18400] =	vst v63  }
0x126: {  	s28 =	sadd.s32 $0xC280, s6;
	s29 =	simm.s32 $0x1580  }
0x127: {  	[tilespmem:s29], [sflag:$0x3] =	stream.linear.gather [spmem:s28], $0x80, $0x38;
	[tilespmem:$0x18400] =	vst v63  }
0x128: {  	s30 =	sadd.s32 $0xC300, s6;
	s31 =	simm.s32 $0x1980  }
0x129: {  	[tilespmem:s31], [sflag:$0x3] =	stream.linear.gather [spmem:s30], $0x80, $0x38;
	[tilespmem:$0x18400] =	vst v63  }
0x12a: {  	s9 =	sadd.s32 $0xC380, s6;
	s10 =	simm.s32 $0x1D80  }
0x12b: {  	[tilespmem:s10], [sflag:$0x3] =	stream.linear.gather [spmem:s9], $0x80, $0x38;
	[tilespmem:$0x18400] =	vst v63  }
0x12c: {  	_ =	swait.ge [sflag:s5], $0x400  }
0x12d: {  	[sflag:s5] =	ssyncset.done $0x0  }
0x12e: {  	s11 =	sadd.s32 $0x10000, s6;
	s12 =	simm.s32 $0x200;
	[sflag:s5] =	ssyncadd.s32 $0xFFFFFC00  }
0x12f: {  	[tilespmem:s12], [sflag:$0x3] =	stream.linear.gather [spmem:s11], $0x80, $0x38;
	[tilespmem:$0x18400] =	vst v63  }
0x130: {  	s13 =	sadd.s32 $0x10080, s6;
	s14 =	simm.s32 $0x600  }
0x131: {  	[tilespmem:s14], [sflag:$0x3] =	stream.linear.gather [spmem:s13], $0x80, $0x38;
	[tilespmem:$0x18400] =	vst v63  }
0x132: {  	s15 =	sadd.s32 $0x10100, s6;
	s16 =	simm.s32 $0xA00  }
0x133: {  	[tilespmem:s16], [sflag:$0x3] =	stream.linear.gather [spmem:s15], $0x80, $0x38;
	[tilespmem:$0x18400] =	vst v63  }
0x134: {  	s17 =	sadd.s32 $0x10180, s6;
	s18 =	simm.s32 $0xE00  }
0x135: {  	[tilespmem:s18], [sflag:$0x3] =	stream.linear.gather [spmem:s17], $0x80, $0x38;
	[tilespmem:$0x18400] =	vst v63  }
0x136: {  	s19 =	sadd.s32 $0x10200, s6;
	s20 =	simm.s32 $0x1200  }
0x137: {  	[tilespmem:s20], [sflag:$0x3] =	stream.linear.gather [spmem:s19], $0x80, $0x38;
	[tilespmem:$0x18400] =	vst v63  }
0x138: {  	s21 =	sadd.s32 $0x10280, s6;
	s22 =	simm.s32 $0x1600  }
0x139: {  	[tilespmem:s22], [sflag:$0x3] =	stream.linear.gather [spmem:s21], $0x80, $0x38;
	[tilespmem:$0x18400] =	vst v63  }
0x13a: {  	s23 =	sadd.s32 $0x10300, s6;
	s24 =	simm.s32 $0x1A00  }
0x13b: {  	[tilespmem:s24], [sflag:$0x3] =	stream.linear.gather [spmem:s23], $0x80, $0x38;
	[tilespmem:$0x18400] =	vst v63  }
0x13c: {  	s25 =	sadd.s32 $0x10380, s6;
	s26 =	simm.s32 $0x1E00  }
0x13d: {  	[tilespmem:s26], [sflag:$0x3] =	stream.linear.gather [spmem:s25], $0x80, $0x38;
	[tilespmem:$0x18400] =	vst v63  }
0x13e: {  	_ =	swait.ge [sflag:s5], $0x400  }
0x13f: {  	[sflag:s5] =	ssyncset.done $0x0  }
0x140: {  	s28 =	sadd.s32 $0x14000, s6;
	s29 =	simm.s32 $0x280;
	[sflag:s5] =	ssyncadd.s32 $0xFFFFFC00  }
0x141: {  	[tilespmem:s29], [sflag:$0x3] =	stream.linear.gather [spmem:s28], $0x80, $0x38;
	[tilespmem:$0x18400] =	vst v63  }
0x142: {  	s30 =	sadd.s32 $0x14080, s6;
	s31 =	simm.s32 $0x680  }
0x143: {  	[tilespmem:s31], [sflag:$0x3] =	stream.linear.gather [spmem:s30], $0x80, $0x38;
	[tilespmem:$0x18400] =	vst v63  }
0x144: {  	s9 =	sadd.s32 $0x14100, s6;
	s10 =	simm.s32 $0xA80  }
0x145: {  	[tilespmem:s10], [sflag:$0x3] =	stream.linear.gather [spmem:s9], $0x80, $0x38;
	[tilespmem:$0x18400] =	vst v63  }
0x146: {  	s11 =	sadd.s32 $0x14180, s6;
	s12 =	simm.s32 $0xE80  }
0x147: {  	[tilespmem:s12], [sflag:$0x3] =	stream.linear.gather [spmem:s11], $0x80, $0x38;
	[tilespmem:$0x18400] =	vst v63  }
0x148: {  	s13 =	sadd.s32 $0x14200, s6;
	s14 =	simm.s32 $0x1280  }
0x149: {  	[tilespmem:s14], [sflag:$0x3] =	stream.linear.gather [spmem:s13], $0x80, $0x38;
	[tilespmem:$0x18400] =	vst v63  }
0x14a: {  	s15 =	sadd.s32 $0x14280, s6;
	s16 =	simm.s32 $0x1680  }
0x14b: {  	[tilespmem:s16], [sflag:$0x3] =	stream.linear.gather [spmem:s15], $0x80, $0x38;
	[tilespmem:$0x18400] =	vst v63  }
0x14c: {  	s17 =	sadd.s32 $0x14300, s6;
	s18 =	simm.s32 $0x1A80  }
0x14d: {  	[tilespmem:s18], [sflag:$0x3] =	stream.linear.gather [spmem:s17], $0x80, $0x38;
	[tilespmem:$0x18400] =	vst v63  }
0x14e: {  	s19 =	sadd.s32 $0x14380, s6;
	s20 =	simm.s32 $0x1E80  }
0x14f: {  	[tilespmem:s20], [sflag:$0x3] =	stream.linear.gather [spmem:s19], $0x80, $0x38;
	[tilespmem:$0x18400] =	vst v63  }
0x150: {  	_ =	swait.ge [sflag:s5], $0x400  }
0x151: {  	[sflag:s5] =	ssyncset.done $0x0  }
0x152: {  	s21 =	sadd.s32 $0x18000, s6;
	s22 =	simm.s32 $0x300;
	[sflag:s5] =	ssyncadd.s32 $0xFFFFFC00  }
0x153: {  	[tilespmem:s22], [sflag:$0x3] =	stream.linear.gather [spmem:s21], $0x80, $0x38;
	[tilespmem:$0x18400] =	vst v63  }
0x154: {  	s23 =	sadd.s32 $0x18080, s6;
	s24 =	simm.s32 $0x700  }
0x155: {  	[tilespmem:s24], [sflag:$0x3] =	stream.linear.gather [spmem:s23], $0x80, $0x38;
	[tilespmem:$0x18400] =	vst v63  }
0x156: {  	s25 =	sadd.s32 $0x18100, s6;
	s26 =	simm.s32 $0xB00  }
0x157: {  	[tilespmem:s26], [sflag:$0x3] =	stream.linear.gather [spmem:s25], $0x80, $0x38;
	[tilespmem:$0x18400] =	vst v63  }
0x158: {  	s28 =	sadd.s32 $0x18180, s6;
	s29 =	simm.s32 $0xF00  }
0x159: {  	[tilespmem:s29], [sflag:$0x3] =	stream.linear.gather [spmem:s28], $0x80, $0x38;
	[tilespmem:$0x18400] =	vst v63  }
0x15a: {  	s30 =	sadd.s32 $0x18200, s6;
	s31 =	simm.s32 $0x1300  }
0x15b: {  	[tilespmem:s31], [sflag:$0x3] =	stream.linear.gather [spmem:s30], $0x80, $0x38;
	[tilespmem:$0x18400] =	vst v63  }
0x15c: {  	s9 =	sadd.s32 $0x18280, s6;
	s10 =	simm.s32 $0x1700  }
0x15d: {  	[tilespmem:s10], [sflag:$0x3] =	stream.linear.gather [spmem:s9], $0x80, $0x38;
	[tilespmem:$0x18400] =	vst v63  }
0x15e: {  	s11 =	sadd.s32 $0x18300, s6;
	s12 =	simm.s32 $0x1B00  }
0x15f: {  	[tilespmem:s12], [sflag:$0x3] =	stream.linear.gather [spmem:s11], $0x80, $0x38;
	[tilespmem:$0x18400] =	vst v63  }
0x160: {  	s13 =	sadd.s32 $0x18380, s6;
	s14 =	simm.s32 $0x1F00  }
0x161: {  	[tilespmem:s14], [sflag:$0x3] =	stream.linear.gather [spmem:s13], $0x80, $0x38;
	[tilespmem:$0x18400] =	vst v63  }
0x162: {  	_ =	swait.ge [sflag:s5], $0x400  }
0x163: {  	[sflag:s5] =	ssyncset.done $0x0  }
0x164: {  	s15 =	sadd.s32 $0x1C000, s6;
	s16 =	simm.s32 $0x380;
	[sflag:s5] =	ssyncadd.s32 $0xFFFFFC00  }
0x165: {  	[tilespmem:s16], [sflag:$0x3] =	stream.linear.gather [spmem:s15], $0x80, $0x38;
	[tilespmem:$0x18400] =	vst v63  }
0x166: {  	s17 =	sadd.s32 $0x1C080, s6;
	s18 =	simm.s32 $0x780  }
0x167: {  	[tilespmem:s18], [sflag:$0x3] =	stream.linear.gather [spmem:s17], $0x80, $0x38;
	[tilespmem:$0x18400] =	vst v63  }
0x168: {  	s19 =	sadd.s32 $0x1C100, s6;
	s20 =	simm.s32 $0xB80  }
0x169: {  	[tilespmem:s20], [sflag:$0x3] =	stream.linear.gather [spmem:s19], $0x80, $0x38;
	[tilespmem:$0x18400] =	vst v63  }
0x16a: {  	s21 =	sadd.s32 $0x1C180, s6;
	s22 =	simm.s32 $0xF80  }
0x16b: {  	[tilespmem:s22], [sflag:$0x3] =	stream.linear.gather [spmem:s21], $0x80, $0x38;
	[tilespmem:$0x18400] =	vst v63  }
0x16c: {  	s23 =	sadd.s32 $0x1C200, s6;
	s24 =	simm.s32 $0x1380  }
0x16d: {  	[tilespmem:s24], [sflag:$0x3] =	stream.linear.gather [spmem:s23], $0x80, $0x38;
	[tilespmem:$0x18400] =	vst v63  }
0x16e: {  	s25 =	sadd.s32 $0x1C280, s6;
	s26 =	simm.s32 $0x1780  }
0x16f: {  	[tilespmem:s26], [sflag:$0x3] =	stream.linear.gather [spmem:s25], $0x80, $0x38;
	[tilespmem:$0x18400] =	vst v63  }
0x170: {  	s28 =	sadd.s32 $0x1C300, s6;
	s29 =	simm.s32 $0x1B80  }
0x171: {  	[tilespmem:s29], [sflag:$0x3] =	stream.linear.gather [spmem:s28], $0x80, $0x38;
	[tilespmem:$0x18400] =	vst v63  }
0x172: {  	s30 =	sadd.s32 $0x1C380, s6;
	s31 =	simm.s32 $0x1F80  }
0x173: {  	[tilespmem:s31], [sflag:$0x3] =	stream.linear.gather [spmem:s30], $0x80, $0x38;
	[tilespmem:$0x18400] =	vst v63  }
0x174: {  	_ =	swait.ge [sflag:s5], $0x400  }
0x175: {  	[sflag:s5] =	ssyncset.done $0x0  }
0x176: {  	s9 =	sadd.s32 $0x20000, s6;
	s10 =	simm.s32 $0x2000;
	[sflag:s5] =	ssyncadd.s32 $0xFFFFFC00  }
0x177: {  	[tilespmem:s10], [sflag:$0x3] =	stream.linear.gather [spmem:s9], $0x80, $0x38;
	[tilespmem:$0x18400] =	vst v63  }
0x178: {  	s11 =	sadd.s32 $0x20080, s6;
	s12 =	simm.s32 $0x2400  }
0x179: {  	[tilespmem:s12], [sflag:$0x3] =	stream.linear.gather [spmem:s11], $0x80, $0x38;
	[tilespmem:$0x18400] =	vst v63  }
0x17a: {  	s13 =	sadd.s32 $0x20100, s6;
	s14 =	simm.s32 $0x2800  }
0x17b: {  	[tilespmem:s14], [sflag:$0x3] =	stream.linear.gather [spmem:s13], $0x80, $0x38;
	[tilespmem:$0x18400] =	vst v63  }
0x17c: {  	s15 =	sadd.s32 $0x20180, s6;
	s16 =	simm.s32 $0x2C00  }
0x17d: {  	[tilespmem:s16], [sflag:$0x3] =	stream.linear.gather [spmem:s15], $0x80, $0x38;
	[tilespmem:$0x18400] =	vst v63  }
0x17e: {  	s17 =	sadd.s32 $0x20200, s6;
	s18 =	simm.s32 $0x3000  }
0x17f: {  	[tilespmem:s18], [sflag:$0x3] =	stream.linear.gather [spmem:s17], $0x80, $0x38;
	[tilespmem:$0x18400] =	vst v63  }
0x180: {  	s19 =	sadd.s32 $0x20280, s6;
	s20 =	simm.s32 $0x3400  }
0x181: {  	[tilespmem:s20], [sflag:$0x3] =	stream.linear.gather [spmem:s19], $0x80, $0x38;
	[tilespmem:$0x18400] =	vst v63  }
0x182: {  	s21 =	sadd.s32 $0x20300, s6;
	s22 =	simm.s32 $0x3800  }
0x183: {  	[tilespmem:s22], [sflag:$0x3] =	stream.linear.gather [spmem:s21], $0x80, $0x38;
	[tilespmem:$0x18400] =	vst v63  }
0x184: {  	s23 =	sadd.s32 $0x20380, s6;
	s24 =	simm.s32 $0x3C00  }
0x185: {  	[tilespmem:s24], [sflag:$0x3] =	stream.linear.gather [spmem:s23], $0x80, $0x38;
	[tilespmem:$0x18400] =	vst v63  }
0x186: {  	_ =	swait.ge [sflag:s5], $0x400  }
0x187: {  	[sflag:s5] =	ssyncset.done $0x0  }
0x188: {  	s25 =	sadd.s32 $0x24000, s6;
	s26 =	simm.s32 $0x2080;
	[sflag:s5] =	ssyncadd.s32 $0xFFFFFC00  }
0x189: {  	[tilespmem:s26], [sflag:$0x3] =	stream.linear.gather [spmem:s25], $0x80, $0x38;
	[tilespmem:$0x18400] =	vst v63  }
0x18a: {  	s28 =	sadd.s32 $0x24080, s6;
	s29 =	simm.s32 $0x2480  }
0x18b: {  	[tilespmem:s29], [sflag:$0x3] =	stream.linear.gather [spmem:s28], $0x80, $0x38;
	[tilespmem:$0x18400] =	vst v63  }
0x18c: {  	s30 =	sadd.s32 $0x24100, s6;
	s31 =	simm.s32 $0x2880  }
0x18d: {  	[tilespmem:s31], [sflag:$0x3] =	stream.linear.gather [spmem:s30], $0x80, $0x38;
	[tilespmem:$0x18400] =	vst v63  }
0x18e: {  	s9 =	sadd.s32 $0x24180, s6;
	s10 =	simm.s32 $0x2C80  }
0x18f: {  	[tilespmem:s10], [sflag:$0x3] =	stream.linear.gather [spmem:s9], $0x80, $0x38;
	[tilespmem:$0x18400] =	vst v63  }
0x190: {  	s11 =	sadd.s32 $0x24200, s6;
	s12 =	simm.s32 $0x3080  }
0x191: {  	[tilespmem:s12], [sflag:$0x3] =	stream.linear.gather [spmem:s11], $0x80, $0x38;
	[tilespmem:$0x18400] =	vst v63  }
0x192: {  	s13 =	sadd.s32 $0x24280, s6;
	s14 =	simm.s32 $0x3480  }
0x193: {  	[tilespmem:s14], [sflag:$0x3] =	stream.linear.gather [spmem:s13], $0x80, $0x38;
	[tilespmem:$0x18400] =	vst v63  }
0x194: {  	s15 =	sadd.s32 $0x24300, s6;
	s16 =	simm.s32 $0x3880  }
0x195: {  	[tilespmem:s16], [sflag:$0x3] =	stream.linear.gather [spmem:s15], $0x80, $0x38;
	[tilespmem:$0x18400] =	vst v63  }
0x196: {  	s17 =	sadd.s32 $0x24380, s6;
	s18 =	simm.s32 $0x3C80  }
0x197: {  	[tilespmem:s18], [sflag:$0x3] =	stream.linear.gather [spmem:s17], $0x80, $0x38;
	[tilespmem:$0x18400] =	vst v63  }
0x198: {  	_ =	swait.ge [sflag:s5], $0x400  }
0x199: {  	[sflag:s5] =	ssyncset.done $0x0  }
0x19a: {  	s19 =	sadd.s32 $0x28000, s6;
	s20 =	simm.s32 $0x2100;
	[sflag:s5] =	ssyncadd.s32 $0xFFFFFC00  }
0x19b: {  	[tilespmem:s20], [sflag:$0x3] =	stream.linear.gather [spmem:s19], $0x80, $0x38;
	[tilespmem:$0x18400] =	vst v63  }
0x19c: {  	s21 =	sadd.s32 $0x28080, s6;
	s22 =	simm.s32 $0x2500  }
0x19d: {  	[tilespmem:s22], [sflag:$0x3] =	stream.linear.gather [spmem:s21], $0x80, $0x38;
	[tilespmem:$0x18400] =	vst v63  }
0x19e: {  	s23 =	sadd.s32 $0x28100, s6;
	s24 =	simm.s32 $0x2900  }
0x19f: {  	[tilespmem:s24], [sflag:$0x3] =	stream.linear.gather [spmem:s23], $0x80, $0x38;
	[tilespmem:$0x18400] =	vst v63  }
0x1a0: {  	s25 =	sadd.s32 $0x28180, s6;
	s26 =	simm.s32 $0x2D00  }
0x1a1: {  	[tilespmem:s26], [sflag:$0x3] =	stream.linear.gather [spmem:s25], $0x80, $0x38;
	[tilespmem:$0x18400] =	vst v63  }
0x1a2: {  	s28 =	sadd.s32 $0x28200, s6;
	s29 =	simm.s32 $0x3100  }
0x1a3: {  	[tilespmem:s29], [sflag:$0x3] =	stream.linear.gather [spmem:s28], $0x80, $0x38;
	[tilespmem:$0x18400] =	vst v63  }
0x1a4: {  	s30 =	sadd.s32 $0x28280, s6;
	s31 =	simm.s32 $0x3500  }
0x1a5: {  	[tilespmem:s31], [sflag:$0x3] =	stream.linear.gather [spmem:s30], $0x80, $0x38;
	[tilespmem:$0x18400] =	vst v63  }
0x1a6: {  	s9 =	sadd.s32 $0x28300, s6;
	s10 =	simm.s32 $0x3900  }
0x1a7: {  	[tilespmem:s10], [sflag:$0x3] =	stream.linear.gather [spmem:s9], $0x80, $0x38;
	[tilespmem:$0x18400] =	vst v63  }
0x1a8: {  	s11 =	sadd.s32 $0x28380, s6;
	s12 =	simm.s32 $0x3D00  }
0x1a9: {  	[tilespmem:s12], [sflag:$0x3] =	stream.linear.gather [spmem:s11], $0x80, $0x38;
	[tilespmem:$0x18400] =	vst v63  }
0x1aa: {  	_ =	swait.ge [sflag:s5], $0x400  }
0x1ab: {  	[sflag:s5] =	ssyncset.done $0x0  }
0x1ac: {  	s13 =	sadd.s32 $0x2C000, s6;
	s14 =	simm.s32 $0x2180;
	[sflag:s5] =	ssyncadd.s32 $0xFFFFFC00  }
0x1ad: {  	[tilespmem:s14], [sflag:$0x3] =	stream.linear.gather [spmem:s13], $0x80, $0x38;
	[tilespmem:$0x18400] =	vst v63  }
0x1ae: {  	s15 =	sadd.s32 $0x2C080, s6;
	s16 =	simm.s32 $0x2580  }
0x1af: {  	[tilespmem:s16], [sflag:$0x3] =	stream.linear.gather [spmem:s15], $0x80, $0x38;
	[tilespmem:$0x18400] =	vst v63  }
0x1b0: {  	s17 =	sadd.s32 $0x2C100, s6;
	s18 =	simm.s32 $0x2980  }
0x1b1: {  	[tilespmem:s18], [sflag:$0x3] =	stream.linear.gather [spmem:s17], $0x80, $0x38;
	[tilespmem:$0x18400] =	vst v63  }
0x1b2: {  	s19 =	sadd.s32 $0x2C180, s6;
	s20 =	simm.s32 $0x2D80  }
0x1b3: {  	[tilespmem:s20], [sflag:$0x3] =	stream.linear.gather [spmem:s19], $0x80, $0x38;
	[tilespmem:$0x18400] =	vst v63  }
0x1b4: {  	s21 =	sadd.s32 $0x2C200, s6;
	s22 =	simm.s32 $0x3180  }
0x1b5: {  	[tilespmem:s22], [sflag:$0x3] =	stream.linear.gather [spmem:s21], $0x80, $0x38;
	[tilespmem:$0x18400] =	vst v63  }
0x1b6: {  	s23 =	sadd.s32 $0x2C280, s6;
	s24 =	simm.s32 $0x3580  }
0x1b7: {  	[tilespmem:s24], [sflag:$0x3] =	stream.linear.gather [spmem:s23], $0x80, $0x38;
	[tilespmem:$0x18400] =	vst v63  }
0x1b8: {  	s25 =	sadd.s32 $0x2C300, s6;
	s26 =	simm.s32 $0x3980  }
0x1b9: {  	[tilespmem:s26], [sflag:$0x3] =	stream.linear.gather [spmem:s25], $0x80, $0x38;
	[tilespmem:$0x18400] =	vst v63  }
0x1ba: {  	s28 =	sadd.s32 $0x2C380, s6;
	s29 =	simm.s32 $0x3D80  }
0x1bb: {  	[tilespmem:s29], [sflag:$0x3] =	stream.linear.gather [spmem:s28], $0x80, $0x38;
	[tilespmem:$0x18400] =	vst v63  }
0x1bc: {  	_ =	swait.ge [sflag:s5], $0x400  }
0x1bd: {  	[sflag:s5] =	ssyncset.done $0x0  }
0x1be: {  	s30 =	sadd.s32 $0x30000, s6;
	s31 =	simm.s32 $0x2200;
	[sflag:s5] =	ssyncadd.s32 $0xFFFFFC00  }
0x1bf: {  	[tilespmem:s31], [sflag:$0x3] =	stream.linear.gather [spmem:s30], $0x80, $0x38;
	[tilespmem:$0x18400] =	vst v63  }
0x1c0: {  	s9 =	sadd.s32 $0x30080, s6;
	s10 =	simm.s32 $0x2600  }
0x1c1: {  	[tilespmem:s10], [sflag:$0x3] =	stream.linear.gather [spmem:s9], $0x80, $0x38;
	[tilespmem:$0x18400] =	vst v63  }
0x1c2: {  	s11 =	sadd.s32 $0x30100, s6;
	s12 =	simm.s32 $0x2A00  }
0x1c3: {  	[tilespmem:s12], [sflag:$0x3] =	stream.linear.gather [spmem:s11], $0x80, $0x38;
	[tilespmem:$0x18400] =	vst v63  }
0x1c4: {  	s13 =	sadd.s32 $0x30180, s6;
	s14 =	simm.s32 $0x2E00  }
0x1c5: {  	[tilespmem:s14], [sflag:$0x3] =	stream.linear.gather [spmem:s13], $0x80, $0x38;
	[tilespmem:$0x18400] =	vst v63  }
0x1c6: {  	s15 =	sadd.s32 $0x30200, s6;
	s16 =	simm.s32 $0x3200  }
0x1c7: {  	[tilespmem:s16], [sflag:$0x3] =	stream.linear.gather [spmem:s15], $0x80, $0x38;
	[tilespmem:$0x18400] =	vst v63  }
0x1c8: {  	s17 =	sadd.s32 $0x30280, s6;
	s18 =	simm.s32 $0x3600  }
0x1c9: {  	[tilespmem:s18], [sflag:$0x3] =	stream.linear.gather [spmem:s17], $0x80, $0x38;
	[tilespmem:$0x18400] =	vst v63  }
0x1ca: {  	s19 =	sadd.s32 $0x30300, s6;
	s20 =	simm.s32 $0x3A00  }
0x1cb: {  	[tilespmem:s20], [sflag:$0x3] =	stream.linear.gather [spmem:s19], $0x80, $0x38;
	[tilespmem:$0x18400] =	vst v63  }
0x1cc: {  	s21 =	sadd.s32 $0x30380, s6;
	s22 =	simm.s32 $0x3E00  }
0x1cd: {  	[tilespmem:s22], [sflag:$0x3] =	stream.linear.gather [spmem:s21], $0x80, $0x38;
	[tilespmem:$0x18400] =	vst v63  }
0x1ce: {  	_ =	swait.ge [sflag:s5], $0x400  }
0x1cf: {  	[sflag:s5] =	ssyncset.done $0x0  }
0x1d0: {  	s23 =	sadd.s32 $0x34000, s6;
	s24 =	simm.s32 $0x2280;
	[sflag:s5] =	ssyncadd.s32 $0xFFFFFC00  }
0x1d1: {  	[tilespmem:s24], [sflag:$0x3] =	stream.linear.gather [spmem:s23], $0x80, $0x38;
	[tilespmem:$0x18400] =	vst v63  }
0x1d2: {  	s25 =	sadd.s32 $0x34080, s6;
	s26 =	simm.s32 $0x2680  }
0x1d3: {  	[tilespmem:s26], [sflag:$0x3] =	stream.linear.gather [spmem:s25], $0x80, $0x38;
	[tilespmem:$0x18400] =	vst v63  }
0x1d4: {  	s28 =	sadd.s32 $0x34100, s6;
	s29 =	simm.s32 $0x2A80  }
0x1d5: {  	[tilespmem:s29], [sflag:$0x3] =	stream.linear.gather [spmem:s28], $0x80, $0x38;
	[tilespmem:$0x18400] =	vst v63  }
0x1d6: {  	s30 =	sadd.s32 $0x34180, s6;
	s31 =	simm.s32 $0x2E80  }
0x1d7: {  	[tilespmem:s31], [sflag:$0x3] =	stream.linear.gather [spmem:s30], $0x80, $0x38;
	[tilespmem:$0x18400] =	vst v63  }
0x1d8: {  	s9 =	sadd.s32 $0x34200, s6;
	s10 =	simm.s32 $0x3280  }
0x1d9: {  	[tilespmem:s10], [sflag:$0x3] =	stream.linear.gather [spmem:s9], $0x80, $0x38;
	[tilespmem:$0x18400] =	vst v63  }
0x1da: {  	s11 =	sadd.s32 $0x34280, s6;
	s12 =	simm.s32 $0x3680  }
0x1db: {  	[tilespmem:s12], [sflag:$0x3] =	stream.linear.gather [spmem:s11], $0x80, $0x38;
	[tilespmem:$0x18400] =	vst v63  }
0x1dc: {  	s13 =	sadd.s32 $0x34300, s6;
	s14 =	simm.s32 $0x3A80  }
0x1dd: {  	[tilespmem:s14], [sflag:$0x3] =	stream.linear.gather [spmem:s13], $0x80, $0x38;
	[tilespmem:$0x18400] =	vst v63  }
0x1de: {  	s15 =	sadd.s32 $0x34380, s6;
	s16 =	simm.s32 $0x3E80  }
0x1df: {  	[tilespmem:s16], [sflag:$0x3] =	stream.linear.gather [spmem:s15], $0x80, $0x38;
	[tilespmem:$0x18400] =	vst v63  }
0x1e0: {  	_ =	swait.ge [sflag:s5], $0x400  }
0x1e1: {  	[sflag:s5] =	ssyncset.done $0x0  }
0x1e2: {  	s17 =	sadd.s32 $0x38000, s6;
	s18 =	simm.s32 $0x2300;
	[sflag:s5] =	ssyncadd.s32 $0xFFFFFC00  }
0x1e3: {  	[tilespmem:s18], [sflag:$0x3] =	stream.linear.gather [spmem:s17], $0x80, $0x38;
	[tilespmem:$0x18400] =	vst v63  }
0x1e4: {  	s19 =	sadd.s32 $0x38080, s6;
	s20 =	simm.s32 $0x2700  }
0x1e5: {  	[tilespmem:s20], [sflag:$0x3] =	stream.linear.gather [spmem:s19], $0x80, $0x38;
	[tilespmem:$0x18400] =	vst v63  }
0x1e6: {  	s21 =	sadd.s32 $0x38100, s6;
	s22 =	simm.s32 $0x2B00  }
0x1e7: {  	[tilespmem:s22], [sflag:$0x3] =	stream.linear.gather [spmem:s21], $0x80, $0x38;
	[tilespmem:$0x18400] =	vst v63  }
0x1e8: {  	s23 =	sadd.s32 $0x38180, s6;
	s24 =	simm.s32 $0x2F00  }
0x1e9: {  	[tilespmem:s24], [sflag:$0x3] =	stream.linear.gather [spmem:s23], $0x80, $0x38;
	[tilespmem:$0x18400] =	vst v63  }
0x1ea: {  	s25 =	sadd.s32 $0x38200, s6;
	s26 =	simm.s32 $0x3300  }
0x1eb: {  	[tilespmem:s26], [sflag:$0x3] =	stream.linear.gather [spmem:s25], $0x80, $0x38;
	[tilespmem:$0x18400] =	vst v63  }
0x1ec: {  	s28 =	sadd.s32 $0x38280, s6;
	s29 =	simm.s32 $0x3700  }
0x1ed: {  	[tilespmem:s29], [sflag:$0x3] =	stream.linear.gather [spmem:s28], $0x80, $0x38;
	[tilespmem:$0x18400] =	vst v63  }
0x1ee: {  	s30 =	sadd.s32 $0x38300, s6;
	s31 =	simm.s32 $0x3B00  }
0x1ef: {  	[tilespmem:s31], [sflag:$0x3] =	stream.linear.gather [spmem:s30], $0x80, $0x38;
	[tilespmem:$0x18400] =	vst v63  }
0x1f0: {  	s9 =	sadd.s32 $0x38380, s6;
	s10 =	simm.s32 $0x3F00  }
0x1f1: {  	[tilespmem:s10], [sflag:$0x3] =	stream.linear.gather [spmem:s9], $0x80, $0x38;
	[tilespmem:$0x18400] =	vst v63  }
0x1f2: {  	_ =	swait.ge [sflag:s5], $0x400  }
0x1f3: {  	[sflag:s5] =	ssyncset.done $0x0  }
0x1f4: {  	s11 =	sadd.s32 $0x3C000, s6;
	s12 =	simm.s32 $0x2380;
	[sflag:s5] =	ssyncadd.s32 $0xFFFFFC00  }
0x1f5: {  	[tilespmem:s12], [sflag:$0x3] =	stream.linear.gather [spmem:s11], $0x80, $0x38;
	[tilespmem:$0x18400] =	vst v63  }
0x1f6: {  	s13 =	sadd.s32 $0x3C080, s6;
	s14 =	simm.s32 $0x2780  }
0x1f7: {  	[tilespmem:s14], [sflag:$0x3] =	stream.linear.gather [spmem:s13], $0x80, $0x38;
	[tilespmem:$0x18400] =	vst v63  }
0x1f8: {  	s15 =	sadd.s32 $0x3C100, s6;
	s16 =	simm.s32 $0x2B80  }
0x1f9: {  	[tilespmem:s16], [sflag:$0x3] =	stream.linear.gather [spmem:s15], $0x80, $0x38;
	[tilespmem:$0x18400] =	vst v63  }
0x1fa: {  	s17 =	sadd.s32 $0x3C180, s6;
	s18 =	simm.s32 $0x2F80  }
0x1fb: {  	[tilespmem:s18], [sflag:$0x3] =	stream.linear.gather [spmem:s17], $0x80, $0x38;
	[tilespmem:$0x18400] =	vst v63  }
0x1fc: {  	p0 =	seq.s32 s1, $0x0;
	s19 =	sadd.s32 $0x3C200, s6;
	s20 =	simm.s32 $0x3380  }
0x1fd: {  	[tilespmem:s20], [sflag:$0x3] =	stream.linear.gather [spmem:s19], $0x80, $0x38;
	[tilespmem:$0x18400] =	vst v63  }
0x1fe: {  	p1 =	seq.s32 s1, $0x1;
	s21 =	sadd.s32 $0x3C280, s6;
	s22 =	simm.s32 $0x3780  }
0x1ff: {  	[tilespmem:s22], [sflag:$0x3] =	stream.linear.gather [spmem:s21], $0x80, $0x38;
	[tilespmem:$0x18400] =	vst v63  }
0x200: {  	s7 =	simm.f32 $3.255208430e-04;
	s23 =	sadd.s32 $0x3C300, s6;
	s24 =	simm.s32 $0x3B80  }
0x201: {  	[tilespmem:s24], [sflag:$0x3] =	stream.linear.gather [spmem:s23], $0x80, $0x38;
	[tilespmem:$0x18400] =	vst v63  }
0x202: {  	s8 =	simm.f32 $4.882812500e-04;
	s6 =	sadd.s32 $0x3C380, s6;
	s25 =	simm.s32 $0x3F80  }
0x203: {  	[tilespmem:s25], [sflag:$0x3] =	stream.linear.gather [spmem:s6], $0x80, $0x38;
	[tilespmem:$0x18400] =	vst v63  }
0x204: {  	s7 =	simm.s32 @!p1 $0x0;
	s26 =	sand.u32 $0x70, s4;
	s6 =	simm.f32 $9.765625000e-04  }
0x205: {  	s4 =	sand.u32 $0x1C00, s4;
	s6 =	simm.s32 @!p0 $0x0;
	p0 =	seq.s32 s1, $0x2  }
0x206: {  	_ =	swait.ge [sflag:s5], $0x400;
	s6 =	sadd.f32 s7, s6;
	s7 =	simm.f32 $4.882812500e-04  }
0x207: {  	s4 =	sor.u32 s26, s4;
	[sflag:s5] =	ssyncset.done $0x0;
	s7 =	simm.s32 @!p0 $0x0  }
0x208: {  	p0 =	seq.s32 s1, $0x3;
	[sflag:s5] =	ssyncadd.s32 $0xFFFFFC00;
	s6 =	sadd.f32 s6, s7  }
0x209: {  	s8 =	simm.s32 @!p0 $0x0;
	v0 =	vld [tilespmem:s4+$0x80]  }
0x20a: {  	p0 =	seq.s32 s1, $0x4;
	v1 =	vld [tilespmem:s4+$0x0];
	s28 =	sadd.f32 s6, s8;
	s6 =	simm.f32 $1.953125000e-03  }
0x20b: {  	v2 =	vld [tilespmem:s4+$0x100];
	s6 =	simm.s32 @!p0 $0x0  }
0x20c: {  	v3 =	vld [tilespmem:s4+$0x180];
	p0 =	seq.s32 s1, $0x5;
	s5 =	sadd.f32 s28, s6;
	s6 =	simm.f32 $2.790178700e-04  }
0x20d: {  	v4 =	vld [tilespmem:s4+$0x200];
	s6 =	simm.s32 @!p0 $0x0  }
0x20e: {  	v5 =	vld [tilespmem:s4+$0x280];
	p0 =	seq.s32 s1, $0x6;
	s5 =	sadd.f32 s5, s6;
	s6 =	simm.f32 $4.882812500e-04  }
0x20f: {  	v6 =	vld [tilespmem:s4+$0x300];
	s6 =	simm.s32 @!p0 $0x0  }
0x210: {  	v7 =	vld [tilespmem:s4+$0x380];
	p0 =	seq.s32 s1, $0x7;
	s5 =	sadd.f32 s5, s6;
	s6 =	simm.f32 $4.882812500e-04  }
0x211: {  	v8 =	vld [tilespmem:s4+$0x2000];
	s6 =	simm.s32 @!p0 $0x0  }
0x212: {  	v9 =	vld [tilespmem:s4+$0x2080];
	p0 =	seq.s32 s1, $0x8;
	s5 =	sadd.f32 s5, s6;
	s6 =	simm.f32 $9.765625000e-04  }
0x213: {  	v10 =	vld [tilespmem:s4+$0x2100];
	s6 =	simm.s32 @!p0 $0x0  }
0x214: {  	s7 =	simm.f32 $3.255208430e-04;
	v11 =	vld [tilespmem:s4+$0x2180];
	p0 =	seq.s32 s1, $0x9;
	s5 =	sadd.f32 s5, s6  }
0x215: {  	v12 =	vld [tilespmem:s4+$0x2200];
	s7 =	simm.s32 @!p0 $0x0  }
0x216: {  	v13 =	vld [tilespmem:s4+$0x2280];
	p0 =	seq.s32 s1, $0xA;
	s6 =	simm.f32 $2.441406250e-04;
	s5 =	sadd.f32 s5, s7  }
0x217: {  	v14 =	vld [tilespmem:s4+$0x2300];
	s6 =	simm.s32 @!p0 $0x0  }
0x218: {  	v15 =	vld [tilespmem:s4+$0x2380];
	p0 =	seq.s32 s1, $0xB;
	s7 =	simm.f32 $9.765625000e-04;
	s5 =	sadd.f32 s5, s6  }
0x219: {  	s7 =	simm.s32 @!p0 $0x0  }
0x21a: {  	v0 =	vadd.f32 v0, v1;
	v1 =	vadd.f32 v3, v2;
	p0 =	seq.s32 s1, $0xC;
	s29 =	sadd.f32 s5, s7;
	s5 =	simm.f32 $4.882812500e-04  }
0x21b: {  	v2 =	vadd.f32 v5, v4;
	v3 =	vadd.f32 v7, v6;
	s5 =	simm.s32 @!p0 $0x0  }
0x21c: {  	v4 =	vadd.f32 v9, v8;
	v5 =	vadd.f32 v11, v10;
	s6 =	simm.f32 $4.882812500e-04;
	p0 =	seq.s32 s1, $0xD;
	s4 =	sadd.f32 s29, s5  }
0x21d: {  	v6 =	vadd.f32 v13, v12;
	v7 =	vadd.f32 v15, v14;
	s6 =	simm.s32 @!p0 $0x0  }
0x21e: {  	v0 =	vadd.f32 v1, v0;
	v1 =	vadd.f32 v3, v2;
	p0 =	seq.s32 s1, $0xE;
	s5 =	simm.f32 $6.510416860e-04;
	s4 =	sadd.f32 s4, s6  }
0x21f: {  	v2 =	vadd.f32 v5, v4;
	v3 =	vadd.f32 v7, v6;
	s5 =	simm.s32 @!p0 $0x0  }
0x220: {  	p0 =	seq.s32 s1, $0xF;
	s6 =	simm.f32 $6.510416860e-04;
	s4 =	sadd.f32 s4, s5  }
0x221: {  	v0 =	vadd.f32 v1, v0;
	v1 =	vadd.f32 v3, v2;
	s6 =	simm.s32 @!p0 $0x0  }
0x222: {  	s4 =	sadd.f32 s4, s6  }
0x223: {  	v1 =	vadd.f32 v1, v0  }
0x224: {  	v0 =	vmov s4  }
0x225: {  	s30 =	simm.s32 $0x10;
	s5 =	simm.s32 $0x80;
	v1 =	vmul.f32 v1, v0  }
0x226: {  	s31 =	sand.u32 $0x1C00, s5;
	s6 =	sand.u32 $0x70, s30;
	s4 =	simm.s32 $0x14000  }
0x227: {  	s7 =	sor.u32 s6, s31;
	[tilespmem:s4+$0x0] =	vst v1  }
0x228: {  	v1 =	vld [tilespmem:s7+$0x80]  }
0x229: {  	v2 =	vld [tilespmem:s7+$0x0]  }
0x22a: {  	v3 =	vld [tilespmem:s7+$0x100]  }
0x22b: {  	v4 =	vld [tilespmem:s7+$0x180]  }
0x22c: {  	v5 =	vld [tilespmem:s7+$0x200]  }
0x22d: {  	v6 =	vld [tilespmem:s7+$0x280]  }
0x22e: {  	v7 =	vld [tilespmem:s7+$0x300]  }
0x22f: {  	v8 =	vld [tilespmem:s7+$0x380]  }
0x230: {  	v9 =	vld [tilespmem:s7+$0x2000]  }
0x231: {  	v10 =	vld [tilespmem:s7+$0x2080]  }
0x232: {  	v11 =	vld [tilespmem:s7+$0x2100]  }
0x233: {  	v12 =	vld [tilespmem:s7+$0x2180]  }
0x234: {  	v13 =	vld [tilespmem:s7+$0x2200]  }
0x235: {  	s6 =	simm.s32 $0x20;
	v14 =	vld [tilespmem:s7+$0x2280]  }
.LBB2_10:
0x236: {  	p0 =	sne.s32 s6, $0x3F0;
	v15 =	vld [tilespmem:s7+$0x2300]  }
0x237: {  	v16 =	vld [tilespmem:s7+$0x2380];
	_ =	sdelay $0x1  }
0x238: {  	v1 =	vadd.f32 v1, v2;
	v2 =	vadd.f32 v4, v3  }
0x239: {  	v3 =	vadd.f32 v6, v5;
	v4 =	vadd.f32 v8, v7  }
0x23a: {  	v5 =	vadd.f32 v10, v9;
	v6 =	vadd.f32 v12, v11  }
0x23b: {  	v7 =	vadd.f32 v14, v13;
	v8 =	vadd.f32 v16, v15  }
0x23c: {  	v1 =	vadd.f32 v2, v1;
	v2 =	vadd.f32 v4, v3  }
0x23d: {  	v3 =	vadd.f32 v6, v5;
	v4 =	vadd.f32 v8, v7;
	_ =	sdelay $0x1  }
0x23e: {  	v1 =	vadd.f32 v2, v1;
	v2 =	vadd.f32 v4, v3;
	_ =	sdelay $0x1  }
0x23f: {  	v1 =	vadd.f32 v2, v1;
	_ =	sdelay $0x1  }
0x240: {  	s5 =	sadd.s32 $0x80, s5;
	v1 =	vmul.f32 v1, v0  }
0x241: {  	s4 =	sadd.s32 $0x10, s4;
	s7 =	sand.u32 $0x70, s6;
	s8 =	sand.u32 $0x1C00, s5  }
0x242: {  	s7 =	sor.u32 s7, s8;
	[tilespmem:s4+$0x0] =	vst v1  }
0x243: {  	v1 =	vld [tilespmem:s7+$0x80]  }
0x244: {  	v2 =	vld [tilespmem:s7+$0x0]  }
0x245: {  	v3 =	vld [tilespmem:s7+$0x100]  }
0x246: {  	v4 =	vld [tilespmem:s7+$0x180]  }
0x247: {  	v5 =	vld [tilespmem:s7+$0x200]  }
0x248: {  	v6 =	vld [tilespmem:s7+$0x280]  }
0x249: {  	v7 =	vld [tilespmem:s7+$0x300]  }
0x24a: {  	v8 =	vld [tilespmem:s7+$0x380]  }
0x24b: {  	v9 =	vld [tilespmem:s7+$0x2000]  }
.Ltmp5:
0x24c: {  	v10 =	vld [tilespmem:s7+$0x2080];
	(pc) =	sbr.rel @p0 .LBB2_10-.Ltmp5, $4  }
0x24d: {  	v11 =	vld [tilespmem:s7+$0x2100]  }
0x24e: {  	v12 =	vld [tilespmem:s7+$0x2180]  }
0x24f: {  	v13 =	vld [tilespmem:s7+$0x2200]  }
0x250: {  	s6 =	sadd.s32 $0x10, s6;
	v14 =	vld [tilespmem:s7+$0x2280]  }
0x251: {  	v15 =	vld [tilespmem:s7+$0x2300]  }
0x252: {  	v16 =	vld [tilespmem:s7+$0x2380];
	_ =	sdelay $0x1  }
0x253: {  	v1 =	vadd.f32 v1, v2;
	v53 =	vadd.f32 v4, v3  }
0x254: {  	v54 =	vadd.f32 v6, v5;
	v55 =	vadd.f32 v8, v7  }
0x255: {  	v56 =	vadd.f32 v10, v9;
	v57 =	vadd.f32 v12, v11  }
0x256: {  	v58 =	vadd.f32 v14, v13;
	v59 =	vadd.f32 v16, v15  }
0x257: {  	v1 =	vadd.f32 v53, v1;
	v60 =	vadd.f32 v55, v54  }
0x258: {  	v61 =	vadd.f32 v57, v56;
	v62 =	vadd.f32 v59, v58;
	_ =	sdelay $0x1  }
0x259: {  	v1 =	vadd.f32 v60, v1;
	v63 =	vadd.f32 v62, v61;
	_ =	sdelay $0x1  }
0x25a: {  	s5 =	sshll.u32 s1, $0x7;
	v1 =	vadd.f32 v63, v1  }
0x25b: {  	s3 =	sand.u32 $0x2000, s3;
	s5 =	sand.u32 $0x380, s5  }
0x25c: {  	s4 =	sadd.s32 $0x10, s4;
	s3 =	sor.u32 s5, s3;
	v0 =	vmul.f32 v1, v0  }
0x25d: {  	s28 =	simm.s32 $0x80;
	s29 =	simm.s32 $0x400;
	s3 =	sshrl.u32 s3, $0x3  }
0x25e: {  	s30 =	simm.s32 $0x14000;
	s31 =	simm.s32 $0x3;
	s2 =	sadd.s32 s2, s3;
	[tilespmem:s4+$0x0] =	vst v0  }
0x25f: {  	[hbm4b:s2+s28] =	stream.strided.scatter [tilespmem:s30], [sflag:$0x3], $0x400, s29, s28, $0x38;
	[tilespmem:$0x18400] =	vst v63  }
0x260: {  	_ =	swait.ge [sflag:s31], $0x400  }
0x261: {  	[sflag:s31] =	ssyncset.done $0x0  }
0x262: {  	[sflag:s31] =	ssyncadd.s32 $0xFFFFFC00  }
0x263: {  	_ =	sfence.sel $0x180000  }
0x264: {  	[bflag:$0x0] =	sbarrier.arrive $0xFFFF  }
0x265: {  	p0 =	sne.s32 s1, $0x0;
	_ =	strace $0x90000047  }
0x266: {  	s0 =	sadd.s32 @!p0 $0x100000, s0;
	[bflag:$0x2] =	sbarrier.arrive $0xFFFF  }
0x267: {  	[sflag:s0] =	ssyncadd.tile.s32 @!p0 $0x1;
	_ =	shalt  }
.Lfunc_end2:
_tile_overlayer_lowered:
.L_overlay_start_2:
0x268: {  	(tag) =	ssettag $0x2  }
0x269: {  	s0 =	rddreg [dreg:$0x0];
	s2 =	stileid.u32  }
0x26a: {  	s1 =	rddreg [dreg:$0x1];
	p0 =	sne.s32 s2, $0x0  }
0x26b: {  	s3 =	rddreg [dreg:$0x2];
	[bflag:$0x3] =	sbarrier.arrive $0xFFFF;
	s2 =	simm.s32 @!p0 $0x1C03  }
0x26c: {  	[timem:s3], [sflag:s2] =	dma.local @!p0 [hbm:s0], s1  }
0x26d: {  	s0 =	simm.s32 @!p0 $0x3  }
0x26e: {  	_ =	swait.ge @!p0 [sflag:s0], s1  }
0x26f: {  	s1 =	ssub.s32 @!p0 $0x0, s1;
	[sflag:s0] =	ssyncset.done @!p0 $0x0  }
0x270: {  	[sflag:s0] =	ssyncadd.s32 @!p0 s1  }
0x271: {  	[bflag:$0x3] =	sbarrier.arrive $0xFFFF  }
0x272: {  	_ =	shalt  }

</sc_bundles>
